<compile_context>
chip_gen: v7x
topology: tpu7x:2x2x1
jax: 0.10.2.dev20260603
libtpu: 0.0.44.dev20260713+nightly
codegen_flags: <defaults>
</compile_context>

<pallas_src>
import functools
import math

import jax
import jax.numpy as jnp
from jax import lax
from jax.experimental import pallas as pl
from jax.experimental.pallas import tpu as pltpu
from jax.experimental.pallas import tpu_sc as plsc

N_NODES = 10000
N_EDGES = 320000
D = 128
H = 4
DH = D // H
N_RADIAL = 16
HIDDEN = 128

EDGE_BLOCK = 1280
PIPE_CHUNKS = 2
NODE_BLOCK = 1024
N_PAD = 10240

NC = 2
NS = 16
NW = NC * NS
LANES = 16


def _head_expand_mat(dtype=jnp.float32):
  col = lax.broadcasted_iota(jnp.int32, (H, D), 1) // DH
  row = lax.broadcasted_iota(jnp.int32, (H, D), 0)
  return (col == row).astype(dtype)


def _edge_body(esa_ref, xs_ref, xd_ref, ea_ref, cut_ref,
               wk1_ref, wk2_ref, wk3_ref, wv1_ref, wv2_ref, wv3_ref,
               wdot_ref, exp_ref, u_ref):
  f32 = jnp.float32
  bf16 = jnp.bfloat16
  s_in = 1.0 / math.sqrt(N_RADIAL)
  s_h = 1.0 / math.sqrt(HIDDEN)
  dn0 = (((0,), (0,)), ((), ()))

  esa = esa_ref[...].astype(bf16)
  hk = jax.nn.gelu(
      lax.dot_general(esa, wk1_ref[...], dn0, preferred_element_type=f32) * s_in)
  hk = jnp.dot(hk.astype(bf16), wk2_ref[...], preferred_element_type=f32)
  hk = jax.nn.gelu(hk * s_h)
  wk = jnp.dot(hk.astype(bf16), wk3_ref[...], preferred_element_type=f32) * s_h
  hv = jax.nn.gelu(
      lax.dot_general(esa, wv1_ref[...], dn0, preferred_element_type=f32) * s_in)
  hv = jnp.dot(hv.astype(bf16), wv2_ref[...], preferred_element_type=f32)
  hv = jax.nn.gelu(hv * s_h)
  wv = jnp.dot(hv.astype(bf16), wv3_ref[...], preferred_element_type=f32) * s_h

  xs = xs_ref[...].astype(f32)
  ea = lax.transpose(ea_ref[...], (1, 0))
  ek = wk * xs * ea
  m = jnp.dot(ek.astype(bf16), wdot_ref[...], preferred_element_type=f32)
  xd = xd_ref[...].astype(f32)
  xd4 = jnp.concatenate([xd, xd, xd, xd], axis=1)
  prod = m * xd4
  selc = lax.broadcasted_iota(jnp.int32, (H * D, H), 0) // D
  selr = lax.broadcasted_iota(jnp.int32, (H * D, H), 1)
  sel = (selc == selr).astype(f32)
  dot = jnp.dot(prod, sel, preferred_element_type=f32) * (1.0 / D)

  cut = lax.transpose(cut_ref[...], (1, 0))
  edot2 = jnp.exp(0.5 * dot)
  exp_ref[...] = lax.transpose(cut * edot2 * edot2, (1, 0))
  sexp = jnp.sqrt(cut) * edot2

  ev = wv * xs * ea
  srep = jnp.dot(sexp, _head_expand_mat(), preferred_element_type=f32)
  u_ref[...] = ev * srep


def _tc_edge(esaT, xs, xd, eaT, cutT, Wk1, Wk2, Wk3, Wv1, Wv2, Wv3, Wdot_r,
             interpret=False):
  B = EDGE_BLOCK
  ne = esaT.shape[1]
  grid = (ne // B,)
  def eb(j): return pl.BlockSpec((B, j), lambda i: (i, 0))
  def ebT(j): return pl.BlockSpec((j, B), lambda i: (0, i))
  def full(a): return pl.BlockSpec(a.shape, lambda i: (0,) * a.ndim)
  return pl.pallas_call(
      _edge_body,
      grid=grid,
      in_specs=[ebT(N_RADIAL), eb(D), eb(D), ebT(1), ebT(1),
                full(Wk1), full(Wk2), full(Wk3),
                full(Wv1), full(Wv2), full(Wv3), full(Wdot_r)],
      out_specs=[ebT(H), eb(D)],
      out_shape=[jax.ShapeDtypeStruct((H, ne), jnp.float32),
                 jax.ShapeDtypeStruct((ne, D), jnp.float32)],
      interpret=interpret,
  )(esaT, xs, xd, eaT, cutT, Wk1, Wk2, Wk3, Wv1, Wv2, Wv3, Wdot_r)


def _final_body(acc_ref, zp_ref, wlin_ref, out_ref):
  nacc = acc_ref.shape[0]
  npart = zp_ref.shape[0]
  acc = acc_ref[0]
  for p in range(1, nacc):
    acc = acc + acc_ref[p]
  z = zp_ref[0]
  for p in range(1, npart):
    z = z + zp_ref[p]
  z = jnp.where(z == 0.0, 1.0, z)
  rs = lax.rsqrt(z)
  rsrep = lax.dot_general(rs, _head_expand_mat(),
                          (((0,), (0,)), ((), ())),
                          preferred_element_type=jnp.float32)
  y = acc * rsrep
  out_ref[...] = jnp.dot(y, wlin_ref[...],
                         preferred_element_type=jnp.float32) * (1.0 / math.sqrt(D))


def _tc_final(acc, zpart, Wlin, interpret=False):
  B = NODE_BLOCK
  grid = (N_PAD // B,)
  na, np_ = acc.shape[0], zpart.shape[0]
  return pl.pallas_call(
      _final_body,
      grid=grid,
      in_specs=[pl.BlockSpec((na, B, D), lambda i: (0, i, 0)),
                pl.BlockSpec((np_, H, B), lambda i: (0, 0, i)),
                pl.BlockSpec((D, D), lambda i: (0, 0))],
      out_specs=pl.BlockSpec((B, D), lambda i: (i, 0)),
      out_shape=jax.ShapeDtypeStruct((N_PAD, D), jnp.float32),
      interpret=interpret,
  )(acc, zpart, Wlin)


_GK = 1000


def _sc_gather(node_f, edge_src, edge_dst):
  ne = edge_src.shape[0]
  epw = ne // NW
  mesh = plsc.VectorSubcoreMesh(core_axis_name="c", subcore_axis_name="s")

  @functools.partial(
      pl.kernel,
      out_type=[jax.ShapeDtypeStruct((ne, D), jnp.float32),
                jax.ShapeDtypeStruct((ne, D), jnp.float32)],
      mesh=mesh,
      compiler_params=pltpu.CompilerParams(needs_layout_passes=False),
      scratch_types=[pltpu.VMEM((_GK,), jnp.int32),
                     pltpu.VMEM((_GK, D), jnp.float32),
                     pltpu.SemaphoreType.DMA],
  )
  def body(node_hbm, src_hbm, dst_hbm, xs_hbm, xd_hbm, idx_v, rows_v, sem):
    wid = lax.axis_index("s") * NC + lax.axis_index("c")

    def chunk(base, idx_hbm, out_hbm):
      pltpu.sync_copy(idx_hbm.at[pl.ds(base, _GK)], idx_v)
      pltpu.async_copy(node_hbm.at[idx_v], rows_v, sem).wait()
      pltpu.sync_copy(rows_v, out_hbm.at[pl.ds(base, _GK)])

    def loop_body(c, carry):
      base = wid * epw + c * _GK
      chunk(base, src_hbm, xs_hbm)
      chunk(base, dst_hbm, xd_hbm)
      return carry

    lax.fori_loop(0, epw // _GK, loop_body, 0)

  return body(node_f, edge_src, edge_dst)


def _sc_zscatter(expT, edge_dst):
  ne = edge_dst.shape[0]
  epw = ne // NW
  W = (epw // 128 + 2) * 128
  mesh = plsc.VectorSubcoreMesh(core_axis_name="c", subcore_axis_name="s")

  @functools.partial(
      pl.kernel,
      out_type=jax.ShapeDtypeStruct((NW, H, N_PAD), jnp.float32),
      mesh=mesh,
      compiler_params=pltpu.CompilerParams(needs_layout_passes=False),
      scratch_types=[pltpu.VMEM((H, W), jnp.float32),
                     pltpu.VMEM((W,), jnp.int32),
                     pltpu.VMEM((H, N_PAD), jnp.float32)],
  )
  def body(exp_hbm, dst_hbm, zp_hbm, exp_v, dst_v, z_v):
    wid = lax.axis_index("s") * NC + lax.axis_index("c")
    start = wid * epw
    base = jnp.minimum((start // 128) * 128, ne - W)
    off = start - base
    pltpu.sync_copy(exp_hbm.at[:, pl.ds(base, W)], exp_v)
    pltpu.sync_copy(dst_hbm.at[pl.ds(base, W)], dst_v)

    zero = jnp.zeros((LANES,), jnp.float32)

    def zbody(i, carry):
      h = i // (N_PAD // LANES)
      n = i % (N_PAD // LANES)
      z_v[h, pl.ds(n * LANES, LANES)] = zero
      return carry

    lax.fori_loop(0, H * N_PAD // LANES, zbody, 0)

    lane = lax.iota(jnp.int32, LANES)

    def sbody(g, carry):
      pos = g * LANES + lane
      mask = (pos >= off) & (pos < off + epw)
      dstg = dst_v[pl.ds(g * LANES, LANES)]
      for h in range(H):
        vals = exp_v[h, pl.ds(g * LANES, LANES)]
        hvec = jnp.full((LANES,), h, jnp.int32)
        plsc.addupdate_scatter(z_v, [hvec, dstg], vals, mask=mask)
      return carry

    lax.fori_loop(0, W // LANES, sbody, 0)
    pltpu.sync_copy(z_v, zp_hbm.at[wid])

  return body(expT, edge_dst)


_UK = 200
_DRAIN = 80
_NDCHUNK = N_PAD // _DRAIN


def _sc_uscatter(u, edge_dst):
  epw = edge_dst.shape[0] // NW
  mesh = plsc.VectorSubcoreMesh(core_axis_name="c", subcore_axis_name="s")

  @functools.partial(
      pl.kernel,
      out_type=jax.ShapeDtypeStruct((NC, N_PAD, D), jnp.float32),
      mesh=mesh,
      compiler_params=pltpu.CompilerParams(needs_layout_passes=False),
      scratch_types=[pltpu.VMEM((_UK, D), jnp.float32),
                     pltpu.VMEM((_UK,), jnp.int32),
                     pltpu.VMEM_SHARED((N_PAD, D), jnp.float32)],
  )
  def body(u_hbm, dst_hbm, out_hbm, u_v, dst_v, acc_sh):
    cid = lax.axis_index("c")
    sid = lax.axis_index("s")
    wid = sid * NC + cid

    zero = jnp.zeros((LANES,), jnp.float32)

    def zfill(i, carry):
      u_v[i // (D // LANES), pl.ds((i % (D // LANES)) * LANES, LANES)] = zero
      return carry

    lax.fori_loop(0, _DRAIN * D // LANES, zfill, 0)

    def zcopy(j, carry):
      c = sid + j * NS

      @pl.when(c < _NDCHUNK)
      def _():
        pltpu.sync_copy(u_v.at[pl.ds(0, _DRAIN)], acc_sh.at[pl.ds(c * _DRAIN, _DRAIN)])

      return carry

    lax.fori_loop(0, (_NDCHUNK + NS - 1) // NS, zcopy, 0)
    plsc.subcore_barrier()

    def cbody(k, carry):
      base = wid * epw + k * _UK
      pltpu.sync_copy(dst_hbm.at[pl.ds(base, _UK)], dst_v)
      pltpu.sync_copy(u_hbm.at[pl.ds(base, _UK)], u_v)
      pltpu.sync_copy(u_v, acc_sh.at[dst_v], add=True)
      return carry

    lax.fori_loop(0, epw // _UK, cbody, 0)
    plsc.subcore_barrier()

    def dbody(j, carry):
      c = sid + j * NS

      @pl.when(c < _NDCHUNK)
      def _():
        row = c * _DRAIN
        dr_v = u_v.at[pl.ds(0, _DRAIN)]
        pltpu.sync_copy(acc_sh.at[pl.ds(row, _DRAIN)], dr_v)
        pltpu.sync_copy(dr_v, out_hbm.at[cid, pl.ds(row, _DRAIN)])

      return carry

    lax.fori_loop(0, (_NDCHUNK + NS - 1) // NS, dbody, 0)

  return body(u, edge_dst)


def kernel(edge_src, edge_dst, edge_scalar_attr, edge_attr, edge_weight_cutoff,
           node_f, Wk1, Wk2, Wk3, Wv1, Wv2, Wv3, Wdot, Wlin):
  bf16 = jnp.bfloat16
  Wdot_r = jnp.transpose(Wdot, (1, 2, 0)).reshape(D, H * D).astype(bf16)
  Wk1, Wk2, Wk3 = Wk1.astype(bf16), Wk2.astype(bf16), Wk3.astype(bf16)
  Wv1, Wv2, Wv3 = Wv1.astype(bf16), Wv2.astype(bf16), Wv3.astype(bf16)

  esaT = edge_scalar_attr.T
  eaT = edge_attr.T
  cutT = edge_weight_cutoff[None, :]

  nch = PIPE_CHUNKS
  ce = N_EDGES // nch

  gathered = [_sc_gather(node_f,
                         lax.slice_in_dim(edge_src, c * ce, (c + 1) * ce),
                         lax.slice_in_dim(edge_dst, c * ce, (c + 1) * ce))
              for c in range(nch)]
  exps, us, accs, zparts = [], [], [], []
  for c in range(nch):
    xs, xd = gathered[c]
    expv, u = _tc_edge(lax.slice_in_dim(esaT, c * ce, (c + 1) * ce, axis=1),
                       xs, xd,
                       lax.slice_in_dim(eaT, c * ce, (c + 1) * ce, axis=1),
                       lax.slice_in_dim(cutT, c * ce, (c + 1) * ce, axis=1),
                       Wk1, Wk2, Wk3, Wv1, Wv2, Wv3, Wdot_r)
    exps.append(expv)
    us.append(u)
  for c in range(nch):
    dst_c = lax.slice_in_dim(edge_dst, c * ce, (c + 1) * ce)
    zparts.append(_sc_zscatter(exps[c], dst_c))
    accs.append(_sc_uscatter(us[c], dst_c))
  zpart = zparts[0] if nch == 1 else jnp.concatenate(zparts, axis=0)
  acc = accs[0] if nch == 1 else jnp.concatenate(accs, axis=0)

  return lax.slice_in_dim(_tc_final(acc, zpart, Wlin), 0, N_NODES)

# --- scband reference (transcript-rebuilt; emitter-appended) ---
"""Pipeline reference for scband-transformer-41480794145180 (READ-ONLY COPY).

The authoritative reference and input builder live on the scoring server;
editing this copy changes nothing except your own understanding.
"""

import jax, jax.numpy as jnp
import numpy as np

N_NODES = 10000
N_EDGES = 320000
D = 128
NUM_HEADS = 4
N_RADIAL = 16
HIDDEN = 128


def _mlp(s, W1, W2, W3):
    # e3nn-style MLP: no bias, 1/sqrt(fan_in) weight scaling, phi=gelu between layers,
    # final layer (to tp weight_numel) has no activation.
    h = jax.nn.gelu(s @ W1 / jnp.sqrt(float(W1.shape[0])))
    h = jax.nn.gelu(h @ W2 / jnp.sqrt(float(W2.shape[0])))
    return h @ W3 / jnp.sqrt(float(W3.shape[0]))


def setup_inputs(seed: int = 0) -> dict:
    key = jax.random.key(seed)
    ks = jax.random.split(key, 14)
    edge_src = jax.random.randint(ks[0], (N_EDGES,), 0, N_NODES, dtype=jnp.int32)
    edge_dst = jax.random.randint(ks[1], (N_EDGES,), 0, N_NODES, dtype=jnp.int32)
    edge_scalar_attr = jax.random.uniform(ks[2], (N_EDGES, N_RADIAL), dtype=jnp.float32)
    edge_attr = jax.random.uniform(ks[3], (N_EDGES, 1), dtype=jnp.float32)
    edge_weight_cutoff = jax.random.uniform(ks[4], (N_EDGES,), dtype=jnp.float32)
    node_f = jax.random.normal(ks[5], (N_NODES, D), dtype=jnp.float32)
    # tp_k MLP params (radial -> hidden -> hidden -> tp weight_numel = 128 for 128x0e uvu path)
    Wk1 = jax.random.normal(ks[6], (N_RADIAL, HIDDEN), dtype=jnp.float32)
    Wk2 = jax.random.normal(ks[7], (HIDDEN, HIDDEN), dtype=jnp.float32)
    Wk3 = jax.random.normal(ks[8], (HIDDEN, D), dtype=jnp.float32)
    # tp_v MLP params
    Wv1 = jax.random.normal(ks[9], (N_RADIAL, HIDDEN), dtype=jnp.float32)
    Wv2 = jax.random.normal(ks[10], (HIDDEN, HIDDEN), dtype=jnp.float32)
    Wv3 = jax.random.normal(ks[11], (HIDDEN, D), dtype=jnp.float32)
    # HFullyConnectedTensorProduct(128x0e, 128x0e -> 4x0e) weights
    Wdot = jax.random.normal(ks[12], (D, D, NUM_HEADS), dtype=jnp.float32)
    # HLinear(128x0e -> 128x0e) weights
    Wlin = jax.random.normal(ks[13], (D, D), dtype=jnp.float32)
    return {"edge_src": edge_src, "edge_dst": edge_dst, "edge_scalar_attr": edge_scalar_attr,
            "edge_attr": edge_attr, "edge_weight_cutoff": edge_weight_cutoff, "node_f": node_f,
            "Wk1": Wk1, "Wk2": Wk2, "Wk3": Wk3, "Wv1": Wv1, "Wv2": Wv2, "Wv3": Wv3,
            "Wdot": Wdot, "Wlin": Wlin}


def reference(edge_src, edge_dst, edge_scalar_attr, edge_attr, edge_weight_cutoff, node_f,
              Wk1, Wk2, Wk3, Wv1, Wv2, Wv3, Wdot, Wlin):
    x_src = node_f[edge_src]              # gather [E, D]
    x_dst = node_f[edge_dst]              # gather [E, D]
    # tp_k: uvu tensor product 128x0e (x) 1x0e -> 128x0e with per-edge weights from MLP(edge_scalar_attr).
    # For scalar irreps the Clebsch-Gordan coeff is 1, so tp reduces to elementwise product.
    wk = _mlp(edge_scalar_attr, Wk1, Wk2, Wk3)          # [E, D]
    edge_k = wk * x_src * edge_attr                     # [E, D]
    # dot: fully-connected TP (128x0e, 128x0e) -> 4x0e (num_heads scalars per edge)
    dot = jnp.einsum('eu,ev,uvw->ew', x_dst, edge_k, Wdot) / jnp.sqrt(float(D * D))
    exp = edge_weight_cutoff[:, None] * jnp.exp(dot)    # [E, NUM_HEADS]
    z = jnp.zeros((node_f.shape[0], NUM_HEADS), dtype=exp.dtype).at[edge_dst].add(exp)  # index_add
    z = jnp.where(z == 0.0, 1.0, z)
    alpha = exp / z[edge_dst]
    # tp_v: same uvu structure, separate MLP weights
    wv = _mlp(edge_scalar_attr, Wv1, Wv2, Wv3)
    edge_v = wv * x_src * edge_attr                     # [E, D]
    edge_v = edge_v.reshape(edge_v.shape[0], NUM_HEADS, D // NUM_HEADS)
    edge_v = jnp.sqrt(jax.nn.relu(alpha))[:, :, None] * edge_v
    edge_v = edge_v.reshape(edge_v.shape[0], D)
    node_out = jnp.zeros((node_f.shape[0], D), dtype=edge_v.dtype).at[edge_dst].add(edge_v)  # index_add
    # HLinear(128x0e -> 128x0e)
    return node_out @ Wlin / jnp.sqrt(float(D))

if __name__ == "__main__":
    import jax
    _d = setup_inputs()
    print(jax.jit(kernel)(*tuple(_d.values())))

</pallas_src>

<mosaic_0001>
#map = affine_map<(d0, d1) -> (0, 0)>
#map1 = affine_map<(d0, d1) -> (0)>
module attributes {stable_mosaic.version = 14 : i64} {
  func.func @body(%arg0: i32, %arg1: i32, %arg2: memref<10000x128xf32, #tpu.memory_space<hbm>>, %arg3: memref<160000xi32, #tpu.memory_space<hbm>>, %arg4: memref<160000xi32, #tpu.memory_space<hbm>>, %arg5: memref<160000x128xf32, #tpu.memory_space<hbm>>, %arg6: memref<160000x128xf32, #tpu.memory_space<hbm>>, %arg7: memref<1000xi32, #tpu.memory_space<vmem>>, %arg8: memref<1000x128xf32, #tpu.memory_space<vmem>>, %arg9: memref<!tpu.dma_semaphore, #tpu.memory_space<semaphore_mem>>) attributes {dimension_semantics = [#tpu.dimension_semantics<core_parallel>, #tpu.dimension_semantics<subcore_parallel>], iteration_bounds = array<i64: 2, 16>, scalar_prefetch = 0 : i64, scratch_operands = 3 : i64, tpu.core_type = #tpu.core_type<sc_vector_subcore>, window_params = [{transform_indices = #map}, {transform_indices = #map1}, {transform_indices = #map1}, {transform_indices = #map}, {transform_indices = #map}]} {
    %mul3A = arith.constant 2 : i32
    %mul3A_0 = arith.muli %arg1, %mul3A : i32
    %add3A = arith.addi %mul3A_0, %arg0 : i32
    %scan3A = arith.constant 0 : i32
    %scan3A_1 = arith.constant 0 : i32
    %scan3A_2 = arith.constant 5 : i32
    %scan3A_3 = arith.addi %scan3A_1, %scan3A_2 : i32
    %scan3A_4 = arith.constant 1 : i32
    scf.for %scan3A_6 = %scan3A_1 to %scan3A_3 step %scan3A_4  : i32 {
      %mul3A_7 = arith.constant 5000 : i32
      %mul3A_8 = arith.muli %add3A, %mul3A_7 : i32
      %mul3A_9 = arith.constant 1000 : i32
      %mul3A_10 = arith.muli %scan3A_6, %mul3A_9 : i32
      %add3A_11 = arith.addi %mul3A_8, %mul3A_10 : i32
      "tpu.region"() ({
        %run_scoped3A = tpu.sem_alloc : memref<!tpu.dma_semaphore, #tpu.memory_space<semaphore_mem>>
        %dma_start3A_22 = tpu.memref_slice %arg3[%add3A_11] : memref<160000xi32, #tpu.memory_space<hbm>> -> memref<1000xi32, #tpu.memory_space<hbm>>
        %dma_start3A_23 = tpu.memref_slice %arg3[%add3A_11] : memref<160000xi32, #tpu.memory_space<hbm>> -> memref<1000xi32, #tpu.memory_space<hbm>>
        tpu.enqueue_dma source(%dma_start3A_23 : memref<1000xi32, #tpu.memory_space<hbm>>) target(%arg7 : memref<1000xi32, #tpu.memory_space<vmem>>) target_semaphore(%run_scoped3A : memref<!tpu.dma_semaphore, #tpu.memory_space<semaphore_mem>>)
        %dma_wait3A_24 = tpu.memref_slice %arg3[%add3A_11] : memref<160000xi32, #tpu.memory_space<hbm>> -> memref<1000xi32, #tpu.memory_space<hbm>>
        %dma_wait3A_25 = tpu.memref_slice %arg3[%add3A_11] : memref<160000xi32, #tpu.memory_space<hbm>> -> memref<1000xi32, #tpu.memory_space<hbm>>
        tpu.wait_dma2 semaphore(%run_scoped3A : memref<!tpu.dma_semaphore, #tpu.memory_space<semaphore_mem>>) src(%dma_wait3A_25 : memref<1000xi32, #tpu.memory_space<hbm>>) dst(%arg7 : memref<1000xi32, #tpu.memory_space<vmem>>)
        tpu.yield
      }) : () -> ()
      %dma_start3A = arith.constant 0 : i32
      %dma_start3A_12 = arith.constant 0 : i32
      %dma_start3A_13 = tpu.memref_slice %arg2[%dma_start3A, %dma_start3A_12] : memref<10000x128xf32, #tpu.memory_space<hbm>> -> memref<10000x128xf32, #tpu.memory_space<hbm>>
      tpu.enqueue_indirect_dma source(%dma_start3A_13 : memref<10000x128xf32, #tpu.memory_space<hbm>>) target(%arg8 : memref<1000x128xf32, #tpu.memory_space<vmem>>) offsets(%arg7 : memref<1000xi32, #tpu.memory_space<vmem>>) semaphore(%arg9 : memref<!tpu.dma_semaphore, #tpu.memory_space<semaphore_mem>>)
      %dma_wait3A = arith.constant 0 : i32
      %dma_wait3A_14 = arith.constant 0 : i32
      %dma_wait3A_15 = tpu.memref_slice %arg2[%dma_wait3A, %dma_wait3A_14] : memref<10000x128xf32, #tpu.memory_space<hbm>> -> memref<10000x128xf32, #tpu.memory_space<hbm>>
      tpu.wait_indirect_dma semaphore(%arg9 : memref<!tpu.dma_semaphore, #tpu.memory_space<semaphore_mem>>) src(%dma_wait3A_15 : memref<10000x128xf32, #tpu.memory_space<hbm>>) dst(%arg8 : memref<1000x128xf32, #tpu.memory_space<vmem>>)
      "tpu.region"() ({
        %run_scoped3A = tpu.sem_alloc : memref<!tpu.dma_semaphore, #tpu.memory_space<semaphore_mem>>
        %dma_start3A_22 = arith.constant 0 : i32
        %dma_start3A_23 = tpu.memref_slice %arg5[%add3A_11, %dma_start3A_22] : memref<160000x128xf32, #tpu.memory_space<hbm>> -> memref<1000x128xf32, #tpu.memory_space<hbm>>
        %dma_start3A_24 = arith.constant 0 : i32
        %dma_start3A_25 = tpu.memref_slice %arg5[%add3A_11, %dma_start3A_24] : memref<160000x128xf32, #tpu.memory_space<hbm>> -> memref<1000x128xf32, #tpu.memory_space<hbm>>
        tpu.enqueue_dma source(%arg8 : memref<1000x128xf32, #tpu.memory_space<vmem>>) target(%dma_start3A_25 : memref<1000x128xf32, #tpu.memory_space<hbm>>) target_semaphore(%run_scoped3A : memref<!tpu.dma_semaphore, #tpu.memory_space<semaphore_mem>>)
        %dma_wait3A_26 = arith.constant 0 : i32
        %dma_wait3A_27 = tpu.memref_slice %arg5[%add3A_11, %dma_wait3A_26] : memref<160000x128xf32, #tpu.memory_space<hbm>> -> memref<1000x128xf32, #tpu.memory_space<hbm>>
        %dma_wait3A_28 = arith.constant 0 : i32
        %dma_wait3A_29 = tpu.memref_slice %arg5[%add3A_11, %dma_wait3A_28] : memref<160000x128xf32, #tpu.memory_space<hbm>> -> memref<1000x128xf32, #tpu.memory_space<hbm>>
        tpu.wait_dma2 semaphore(%run_scoped3A : memref<!tpu.dma_semaphore, #tpu.memory_space<semaphore_mem>>) src(%arg8 : memref<1000x128xf32, #tpu.memory_space<vmem>>) dst(%dma_wait3A_29 : memref<1000x128xf32, #tpu.memory_space<hbm>>)
        tpu.yield
      }) : () -> ()
      "tpu.region"() ({
        %run_scoped3A = tpu.sem_alloc : memref<!tpu.dma_semaphore, #tpu.memory_space<semaphore_mem>>
        %dma_start3A_22 = tpu.memref_slice %arg4[%add3A_11] : memref<160000xi32, #tpu.memory_space<hbm>> -> memref<1000xi32, #tpu.memory_space<hbm>>
        %dma_start3A_23 = tpu.memref_slice %arg4[%add3A_11] : memref<160000xi32, #tpu.memory_space<hbm>> -> memref<1000xi32, #tpu.memory_space<hbm>>
        tpu.enqueue_dma source(%dma_start3A_23 : memref<1000xi32, #tpu.memory_space<hbm>>) target(%arg7 : memref<1000xi32, #tpu.memory_space<vmem>>) target_semaphore(%run_scoped3A : memref<!tpu.dma_semaphore, #tpu.memory_space<semaphore_mem>>)
        %dma_wait3A_24 = tpu.memref_slice %arg4[%add3A_11] : memref<160000xi32, #tpu.memory_space<hbm>> -> memref<1000xi32, #tpu.memory_space<hbm>>
        %dma_wait3A_25 = tpu.memref_slice %arg4[%add3A_11] : memref<160000xi32, #tpu.memory_space<hbm>> -> memref<1000xi32, #tpu.memory_space<hbm>>
        tpu.wait_dma2 semaphore(%run_scoped3A : memref<!tpu.dma_semaphore, #tpu.memory_space<semaphore_mem>>) src(%dma_wait3A_25 : memref<1000xi32, #tpu.memory_space<hbm>>) dst(%arg7 : memref<1000xi32, #tpu.memory_space<vmem>>)
        tpu.yield
      }) : () -> ()
      %dma_start3A_16 = arith.constant 0 : i32
      %dma_start3A_17 = arith.constant 0 : i32
      %dma_start3A_18 = tpu.memref_slice %arg2[%dma_start3A_16, %dma_start3A_17] : memref<10000x128xf32, #tpu.memory_space<hbm>> -> memref<10000x128xf32, #tpu.memory_space<hbm>>
      tpu.enqueue_indirect_dma source(%dma_start3A_18 : memref<10000x128xf32, #tpu.memory_space<hbm>>) target(%arg8 : memref<1000x128xf32, #tpu.memory_space<vmem>>) offsets(%arg7 : memref<1000xi32, #tpu.memory_space<vmem>>) semaphore(%arg9 : memref<!tpu.dma_semaphore, #tpu.memory_space<semaphore_mem>>)
      %dma_wait3A_19 = arith.constant 0 : i32
      %dma_wait3A_20 = arith.constant 0 : i32
      %dma_wait3A_21 = tpu.memref_slice %arg2[%dma_wait3A_19, %dma_wait3A_20] : memref<10000x128xf32, #tpu.memory_space<hbm>> -> memref<10000x128xf32, #tpu.memory_space<hbm>>
      tpu.wait_indirect_dma semaphore(%arg9 : memref<!tpu.dma_semaphore, #tpu.memory_space<semaphore_mem>>) src(%dma_wait3A_21 : memref<10000x128xf32, #tpu.memory_space<hbm>>) dst(%arg8 : memref<1000x128xf32, #tpu.memory_space<vmem>>)
      "tpu.region"() ({
        %run_scoped3A = tpu.sem_alloc : memref<!tpu.dma_semaphore, #tpu.memory_space<semaphore_mem>>
        %dma_start3A_22 = arith.constant 0 : i32
        %dma_start3A_23 = tpu.memref_slice %arg6[%add3A_11, %dma_start3A_22] : memref<160000x128xf32, #tpu.memory_space<hbm>> -> memref<1000x128xf32, #tpu.memory_space<hbm>>
        %dma_start3A_24 = arith.constant 0 : i32
        %dma_start3A_25 = tpu.memref_slice %arg6[%add3A_11, %dma_start3A_24] : memref<160000x128xf32, #tpu.memory_space<hbm>> -> memref<1000x128xf32, #tpu.memory_space<hbm>>
        tpu.enqueue_dma source(%arg8 : memref<1000x128xf32, #tpu.memory_space<vmem>>) target(%dma_start3A_25 : memref<1000x128xf32, #tpu.memory_space<hbm>>) target_semaphore(%run_scoped3A : memref<!tpu.dma_semaphore, #tpu.memory_space<semaphore_mem>>)
        %dma_wait3A_26 = arith.constant 0 : i32
        %dma_wait3A_27 = tpu.memref_slice %arg6[%add3A_11, %dma_wait3A_26] : memref<160000x128xf32, #tpu.memory_space<hbm>> -> memref<1000x128xf32, #tpu.memory_space<hbm>>
        %dma_wait3A_28 = arith.constant 0 : i32
        %dma_wait3A_29 = tpu.memref_slice %arg6[%add3A_11, %dma_wait3A_28] : memref<160000x128xf32, #tpu.memory_space<hbm>> -> memref<1000x128xf32, #tpu.memory_space<hbm>>
        tpu.wait_dma2 semaphore(%run_scoped3A : memref<!tpu.dma_semaphore, #tpu.memory_space<semaphore_mem>>) src(%arg8 : memref<1000x128xf32, #tpu.memory_space<vmem>>) dst(%dma_wait3A_29 : memref<1000x128xf32, #tpu.memory_space<hbm>>)
        tpu.yield
      }) : () -> ()
    }
    %scan3A_5 = arith.constant 5 : i32
    return
  }
}

#map = affine_map<(d0, d1) -> (0, 0)>
#map1 = affine_map<(d0, d1) -> (0)>
module attributes {stable_mosaic.version = 14 : i64} {
  func.func @body(%arg0: i32, %arg1: i32, %arg2: memref<10000x128xf32, #tpu.memory_space<hbm>>, %arg3: memref<160000xi32, #tpu.memory_space<hbm>>, %arg4: memref<160000xi32, #tpu.memory_space<hbm>>, %arg5: memref<160000x128xf32, #tpu.memory_space<hbm>>, %arg6: memref<160000x128xf32, #tpu.memory_space<hbm>>, %arg7: memref<1000xi32, #tpu.memory_space<vmem>>, %arg8: memref<1000x128xf32, #tpu.memory_space<vmem>>, %arg9: memref<!tpu.dma_semaphore, #tpu.memory_space<semaphore_mem>>) attributes {dimension_semantics = [#tpu.dimension_semantics<core_parallel>, #tpu.dimension_semantics<subcore_parallel>], iteration_bounds = array<i64: 2, 16>, scalar_prefetch = 0 : i64, scratch_operands = 3 : i64, tpu.core_type = #tpu.core_type<sc_vector_subcore>, window_params = [{transform_indices = #map}, {transform_indices = #map1}, {transform_indices = #map1}, {transform_indices = #map}, {transform_indices = #map}]} {
    %mul3A = arith.constant 2 : i32
    %mul3A_0 = arith.muli %arg1, %mul3A : i32
    %add3A = arith.addi %mul3A_0, %arg0 : i32
    %scan3A = arith.constant 0 : i32
    %scan3A_1 = arith.constant 0 : i32
    %scan3A_2 = arith.constant 5 : i32
    %scan3A_3 = arith.addi %scan3A_1, %scan3A_2 : i32
    %scan3A_4 = arith.constant 1 : i32
    scf.for %scan3A_6 = %scan3A_1 to %scan3A_3 step %scan3A_4  : i32 {
      %mul3A_7 = arith.constant 5000 : i32
      %mul3A_8 = arith.muli %add3A, %mul3A_7 : i32
      %mul3A_9 = arith.constant 1000 : i32
      %mul3A_10 = arith.muli %scan3A_6, %mul3A_9 : i32
      %add3A_11 = arith.addi %mul3A_8, %mul3A_10 : i32
      "tpu.region"() ({
        %run_scoped3A = tpu.sem_alloc : memref<!tpu.dma_semaphore, #tpu.memory_space<semaphore_mem>>
        %dma_start3A_22 = tpu.memref_slice %arg3[%add3A_11] : memref<160000xi32, #tpu.memory_space<hbm>> -> memref<1000xi32, #tpu.memory_space<hbm>>
        %dma_start3A_23 = tpu.memref_slice %arg3[%add3A_11] : memref<160000xi32, #tpu.memory_space<hbm>> -> memref<1000xi32, #tpu.memory_space<hbm>>
        tpu.enqueue_dma source(%dma_start3A_23 : memref<1000xi32, #tpu.memory_space<hbm>>) target(%arg7 : memref<1000xi32, #tpu.memory_space<vmem>>) target_semaphore(%run_scoped3A : memref<!tpu.dma_semaphore, #tpu.memory_space<semaphore_mem>>)
        %dma_wait3A_24 = tpu.memref_slice %arg3[%add3A_11] : memref<160000xi32, #tpu.memory_space<hbm>> -> memref<1000xi32, #tpu.memory_space<hbm>>
        %dma_wait3A_25 = tpu.memref_slice %arg3[%add3A_11] : memref<160000xi32, #tpu.memory_space<hbm>> -> memref<1000xi32, #tpu.memory_space<hbm>>
        tpu.wait_dma2 semaphore(%run_scoped3A : memref<!tpu.dma_semaphore, #tpu.memory_space<semaphore_mem>>) src(%dma_wait3A_25 : memref<1000xi32, #tpu.memory_space<hbm>>) dst(%arg7 : memref<1000xi32, #tpu.memory_space<vmem>>)
        tpu.yield
      }) : () -> ()
      %dma_start3A = arith.constant 0 : i32
      %dma_start3A_12 = arith.constant 0 : i32
      %dma_start3A_13 = tpu.memref_slice %arg2[%dma_start3A, %dma_start3A_12] : memref<10000x128xf32, #tpu.memory_space<hbm>> -> memref<10000x128xf32, #tpu.memory_space<hbm>>
      tpu.enqueue_indirect_dma source(%dma_start3A_13 : memref<10000x128xf32, #tpu.memory_space<hbm>>) target(%arg8 : memref<1000x128xf32, #tpu.memory_space<vmem>>) offsets(%arg7 : memref<1000xi32, #tpu.memory_space<vmem>>) semaphore(%arg9 : memref<!tpu.dma_semaphore, #tpu.memory_space<semaphore_mem>>)
      %dma_wait3A = arith.constant 0 : i32
      %dma_wait3A_14 = arith.constant 0 : i32
      %dma_wait3A_15 = tpu.memref_slice %arg2[%dma_wait3A, %dma_wait3A_14] : memref<10000x128xf32, #tpu.memory_space<hbm>> -> memref<10000x128xf32, #tpu.memory_space<hbm>>
      tpu.wait_indirect_dma semaphore(%arg9 : memref<!tpu.dma_semaphore, #tpu.memory_space<semaphore_mem>>) src(%dma_wait3A_15 : memref<10000x128xf32, #tpu.memory_space<hbm>>) dst(%arg8 : memref<1000x128xf32, #tpu.memory_space<vmem>>)
      "tpu.region"() ({
        %run_scoped3A = tpu.sem_alloc : memref<!tpu.dma_semaphore, #tpu.memory_space<semaphore_mem>>
        %dma_start3A_22 = arith.constant 0 : i32
        %dma_start3A_23 = tpu.memref_slice %arg5[%add3A_11, %dma_start3A_22] : memref<160000x128xf32, #tpu.memory_space<hbm>> -> memref<1000x128xf32, #tpu.memory_space<hbm>>
        %dma_start3A_24 = arith.constant 0 : i32
        %dma_start3A_25 = tpu.memref_slice %arg5[%add3A_11, %dma_start3A_24] : memref<160000x128xf32, #tpu.memory_space<hbm>> -> memref<1000x128xf32, #tpu.memory_space<hbm>>
        tpu.enqueue_dma source(%arg8 : memref<1000x128xf32, #tpu.memory_space<vmem>>) target(%dma_start3A_25 : memref<1000x128xf32, #tpu.memory_space<hbm>>) target_semaphore(%run_scoped3A : memref<!tpu.dma_semaphore, #tpu.memory_space<semaphore_mem>>)
        %dma_wait3A_26 = arith.constant 0 : i32
        %dma_wait3A_27 = tpu.memref_slice %arg5[%add3A_11, %dma_wait3A_26] : memref<160000x128xf32, #tpu.memory_space<hbm>> -> memref<1000x128xf32, #tpu.memory_space<hbm>>
        %dma_wait3A_28 = arith.constant 0 : i32
        %dma_wait3A_29 = tpu.memref_slice %arg5[%add3A_11, %dma_wait3A_28] : memref<160000x128xf32, #tpu.memory_space<hbm>> -> memref<1000x128xf32, #tpu.memory_space<hbm>>
        tpu.wait_dma2 semaphore(%run_scoped3A : memref<!tpu.dma_semaphore, #tpu.memory_space<semaphore_mem>>) src(%arg8 : memref<1000x128xf32, #tpu.memory_space<vmem>>) dst(%dma_wait3A_29 : memref<1000x128xf32, #tpu.memory_space<hbm>>)
        tpu.yield
      }) : () -> ()
      "tpu.region"() ({
        %run_scoped3A = tpu.sem_alloc : memref<!tpu.dma_semaphore, #tpu.memory_space<semaphore_mem>>
        %dma_start3A_22 = tpu.memref_slice %arg4[%add3A_11] : memref<160000xi32, #tpu.memory_space<hbm>> -> memref<1000xi32, #tpu.memory_space<hbm>>
        %dma_start3A_23 = tpu.memref_slice %arg4[%add3A_11] : memref<160000xi32, #tpu.memory_space<hbm>> -> memref<1000xi32, #tpu.memory_space<hbm>>
        tpu.enqueue_dma source(%dma_start3A_23 : memref<1000xi32, #tpu.memory_space<hbm>>) target(%arg7 : memref<1000xi32, #tpu.memory_space<vmem>>) target_semaphore(%run_scoped3A : memref<!tpu.dma_semaphore, #tpu.memory_space<semaphore_mem>>)
        %dma_wait3A_24 = tpu.memref_slice %arg4[%add3A_11] : memref<160000xi32, #tpu.memory_space<hbm>> -> memref<1000xi32, #tpu.memory_space<hbm>>
        %dma_wait3A_25 = tpu.memref_slice %arg4[%add3A_11] : memref<160000xi32, #tpu.memory_space<hbm>> -> memref<1000xi32, #tpu.memory_space<hbm>>
        tpu.wait_dma2 semaphore(%run_scoped3A : memref<!tpu.dma_semaphore, #tpu.memory_space<semaphore_mem>>) src(%dma_wait3A_25 : memref<1000xi32, #tpu.memory_space<hbm>>) dst(%arg7 : memref<1000xi32, #tpu.memory_space<vmem>>)
        tpu.yield
      }) : () -> ()
      %dma_start3A_16 = arith.constant 0 : i32
      %dma_start3A_17 = arith.constant 0 : i32
      %dma_start3A_18 = tpu.memref_slice %arg2[%dma_start3A_16, %dma_start3A_17] : memref<10000x128xf32, #tpu.memory_space<hbm>> -> memref<10000x128xf32, #tpu.memory_space<hbm>>
      tpu.enqueue_indirect_dma source(%dma_start3A_18 : memref<10000x128xf32, #tpu.memory_space<hbm>>) target(%arg8 : memref<1000x128xf32, #tpu.memory_space<vmem>>) offsets(%arg7 : memref<1000xi32, #tpu.memory_space<vmem>>) semaphore(%arg9 : memref<!tpu.dma_semaphore, #tpu.memory_space<semaphore_mem>>)
      %dma_wait3A_19 = arith.constant 0 : i32
      %dma_wait3A_20 = arith.constant 0 : i32
      %dma_wait3A_21 = tpu.memref_slice %arg2[%dma_wait3A_19, %dma_wait3A_20] : memref<10000x128xf32, #tpu.memory_space<hbm>> -> memref<10000x128xf32, #tpu.memory_space<hbm>>
      tpu.wait_indirect_dma semaphore(%arg9 : memref<!tpu.dma_semaphore, #tpu.memory_space<semaphore_mem>>) src(%dma_wait3A_21 : memref<10000x128xf32, #tpu.memory_space<hbm>>) dst(%arg8 : memref<1000x128xf32, #tpu.memory_space<vmem>>)
      "tpu.region"() ({
        %run_scoped3A = tpu.sem_alloc : memref<!tpu.dma_semaphore, #tpu.memory_space<semaphore_mem>>
        %dma_start3A_22 = arith.constant 0 : i32
        %dma_start3A_23 = tpu.memref_slice %arg6[%add3A_11, %dma_start3A_22] : memref<160000x128xf32, #tpu.memory_space<hbm>> -> memref<1000x128xf32, #tpu.memory_space<hbm>>
        %dma_start3A_24 = arith.constant 0 : i32
        %dma_start3A_25 = tpu.memref_slice %arg6[%add3A_11, %dma_start3A_24] : memref<160000x128xf32, #tpu.memory_space<hbm>> -> memref<1000x128xf32, #tpu.memory_space<hbm>>
        tpu.enqueue_dma source(%arg8 : memref<1000x128xf32, #tpu.memory_space<vmem>>) target(%dma_start3A_25 : memref<1000x128xf32, #tpu.memory_space<hbm>>) target_semaphore(%run_scoped3A : memref<!tpu.dma_semaphore, #tpu.memory_space<semaphore_mem>>)
        %dma_wait3A_26 = arith.constant 0 : i32
        %dma_wait3A_27 = tpu.memref_slice %arg6[%add3A_11, %dma_wait3A_26] : memref<160000x128xf32, #tpu.memory_space<hbm>> -> memref<1000x128xf32, #tpu.memory_space<hbm>>
        %dma_wait3A_28 = arith.constant 0 : i32
        %dma_wait3A_29 = tpu.memref_slice %arg6[%add3A_11, %dma_wait3A_28] : memref<160000x128xf32, #tpu.memory_space<hbm>> -> memref<1000x128xf32, #tpu.memory_space<hbm>>
        tpu.wait_dma2 semaphore(%run_scoped3A : memref<!tpu.dma_semaphore, #tpu.memory_space<semaphore_mem>>) src(%arg8 : memref<1000x128xf32, #tpu.memory_space<vmem>>) dst(%dma_wait3A_29 : memref<1000x128xf32, #tpu.memory_space<hbm>>)
        tpu.yield
      }) : () -> ()
    }
    %scan3A_5 = arith.constant 5 : i32
    return
  }
}

#map = affine_map<(d0, d1) -> (0, 0)>
#map1 = affine_map<(d0, d1) -> (0)>
#map2 = affine_map<(d0, d1) -> (0, 0, 0)>
module attributes {stable_mosaic.version = 14 : i64} {
  func.func @body(%arg0: i32, %arg1: i32, %arg2: memref<160000x128xf32, #tpu.memory_space<hbm>>, %arg3: memref<160000xi32, #tpu.memory_space<hbm>>, %arg4: memref<2x10240x128xf32, #tpu.memory_space<hbm>>, %arg5: memref<200x128xf32, #tpu.memory_space<vmem>>, %arg6: memref<200xi32, #tpu.memory_space<vmem>>, %arg7: memref<10240x128xf32, #tpu.memory_space<vmem_shared>>) attributes {dimension_semantics = [#tpu.dimension_semantics<core_parallel>, #tpu.dimension_semantics<subcore_parallel>], iteration_bounds = array<i64: 2, 16>, scalar_prefetch = 0 : i64, scratch_operands = 3 : i64, tpu.core_type = #tpu.core_type<sc_vector_subcore>, window_params = [{transform_indices = #map}, {transform_indices = #map1}, {transform_indices = #map2}]} {
    %mul3A = arith.constant 2 : i32
    %mul3A_0 = arith.muli %arg1, %mul3A : i32
    %add3A = arith.addi %mul3A_0, %arg0 : i32
    %broadcast_in_dim3A = arith.constant 0.000000e+00 : f32
    %broadcast_in_dim3A_1 = vector.broadcast %broadcast_in_dim3A : f32 to vector<16xf32>
    %scan3A = arith.constant 0 : i32
    %scan3A_2 = arith.constant 0 : i32
    %scan3A_3 = arith.constant 640 : i32
    %scan3A_4 = arith.addi %scan3A_2, %scan3A_3 : i32
    %scan3A_5 = arith.constant 1 : i32
    scf.for %scan3A_26 = %scan3A_2 to %scan3A_4 step %scan3A_5  : i32 {
      %jit3A = arith.constant 8 : i32
      %div3A = arith.divsi %scan3A_26, %jit3A : i32
      %sign3A = arith.constant 0 : i32
      %sign3A_27 = arith.cmpi sgt, %scan3A_26, %sign3A : i32
      %sign3A_28 = arith.extui %sign3A_27 : i1 to i32
      %sign3A_29 = arith.constant 0 : i32
      %sign3A_30 = arith.cmpi slt, %scan3A_26, %sign3A_29 : i32
      %sign3A_31 = arith.extui %sign3A_30 : i1 to i32
      %sign3A_32 = arith.subi %sign3A_28, %sign3A_31 : i32
      %sign3A_33 = arith.constant 0 : i32
      %sign3A_34 = arith.cmpi sgt, %jit3A, %sign3A_33 : i32
      %sign3A_35 = arith.extui %sign3A_34 : i1 to i32
      %sign3A_36 = arith.constant 0 : i32
      %sign3A_37 = arith.cmpi slt, %jit3A, %sign3A_36 : i32
      %sign3A_38 = arith.extui %sign3A_37 : i1 to i32
      %sign3A_39 = arith.subi %sign3A_35, %sign3A_38 : i32
      %ne3A = arith.cmpi ne, %sign3A_32, %sign3A_39 : i32
      %rem3A = arith.remsi %scan3A_26, %jit3A : i32
      %ne3A_40 = arith.constant 0 : i32
      %ne3A_41 = arith.cmpi ne, %rem3A, %ne3A_40 : i32
      %and3A = arith.andi %ne3A, %ne3A_41 : i1
      %sub3A = arith.constant 1 : i32
      %sub3A_42 = arith.subi %div3A, %sub3A : i32
      %select_n3A = arith.select %and3A, %sub3A_42, %div3A : i32
      %jit3A_43 = arith.constant 8 : i32
      %eq3A = arith.constant 0 : i32
      %eq3A_44 = arith.cmpi eq, %jit3A_43, %eq3A : i32
      %jit3A_45 = arith.constant 1 : i32
      %select_n3A_46 = arith.select %eq3A_44, %jit3A_45, %jit3A_43 : i32
      %rem3A_47 = arith.remsi %scan3A_26, %select_n3A_46 : i32
      %ne3A_48 = arith.constant 0 : i32
      %ne3A_49 = arith.cmpi ne, %rem3A_47, %ne3A_48 : i32
      %lt3A = arith.constant 0 : i32
      %lt3A_50 = arith.cmpi slt, %rem3A_47, %lt3A : i32
      %lt3A_51 = arith.constant 0 : i32
      %lt3A_52 = arith.cmpi slt, %select_n3A_46, %lt3A_51 : i32
      %ne3A_53 = arith.xori %lt3A_50, %lt3A_52 : i1
      %and3A_54 = arith.andi %ne3A_53, %ne3A_49 : i1
      %add3A_55 = arith.addi %rem3A_47, %select_n3A_46 : i32
      %select_n3A_56 = arith.select %and3A_54, %add3A_55, %rem3A_47 : i32
      %mul3A_57 = arith.constant 16 : i32
      %mul3A_58 = arith.muli %select_n3A_56, %mul3A_57 : i32
      %swap3A = arith.index_cast %select_n3A : i32 to index
      %swap3A_59 = arith.index_cast %mul3A_58 : i32 to index
      %swap3A_60 = tpu.vector_load %arg5[%swap3A, %swap3A_59] {strides = array<i32>} : memref<200x128xf32, #tpu.memory_space<vmem>>, vector<16xf32>,
      tpu.vector_store %arg5[%swap3A, %swap3A_59], %broadcast_in_dim3A_1 {strides = array<i32>} : memref<200x128xf32, #tpu.memory_space<vmem>>, vector<16xf32>,
    }
    %scan3A_6 = arith.constant 640 : i32
    %scan3A_7 = arith.constant 0 : i32
    %scan3A_8 = arith.constant 0 : i32
    %scan3A_9 = arith.constant 8 : i32
    %scan3A_10 = arith.addi %scan3A_8, %scan3A_9 : i32
    %scan3A_11 = arith.constant 1 : i32
    scf.for %scan3A_26 = %scan3A_8 to %scan3A_10 step %scan3A_11  : i32 {
      %mul3A_27 = arith.constant 16 : i32
      %mul3A_28 = arith.muli %scan3A_26, %mul3A_27 : i32
      %add3A_29 = arith.addi %arg1, %mul3A_28 : i32
      %lt3A = arith.constant 128 : i32
      %lt3A_30 = arith.cmpi slt, %add3A_29, %lt3A : i32
      %convert_element_type3A = arith.extui %lt3A_30 : i1 to i32
      %cond3A = arith.constant 0 : i32
      %cond3A_31 = arith.cmpi ne, %convert_element_type3A, %cond3A : i32
      scf.if %cond3A_31 {
        %mul3A_32 = arith.constant 80 : i32
        %mul3A_33 = arith.muli %add3A_29, %mul3A_32 : i32
        "tpu.region"() ({
          %run_scoped3A = tpu.sem_alloc : memref<!tpu.dma_semaphore, #tpu.memory_space<semaphore_mem>>
          %dma_start3A = arith.constant 0 : i32
          %dma_start3A_34 = arith.constant 0 : i32
          %dma_start3A_35 = tpu.memref_slice %arg5[%dma_start3A, %dma_start3A_34] : memref<200x128xf32, #tpu.memory_space<vmem>> -> memref<80x128xf32, #tpu.memory_space<vmem>>
          %dma_start3A_36 = arith.constant 0 : i32
          %dma_start3A_37 = tpu.memref_slice %arg7[%mul3A_33, %dma_start3A_36] : memref<10240x128xf32, #tpu.memory_space<vmem_shared>> -> memref<80x128xf32, #tpu.memory_space<vmem_shared>>
          %dma_start3A_38 = arith.constant 0 : i32
          %dma_start3A_39 = tpu.memref_slice %arg7[%mul3A_33, %dma_start3A_38] : memref<10240x128xf32, #tpu.memory_space<vmem_shared>> -> memref<80x128xf32, #tpu.memory_space<vmem_shared>>
          %dma_start3A_40 = arith.constant 0 : i32
          %dma_start3A_41 = arith.constant 0 : i32
          %dma_start3A_42 = tpu.memref_slice %arg5[%dma_start3A_40, %dma_start3A_41] : memref<200x128xf32, #tpu.memory_space<vmem>> -> memref<80x128xf32, #tpu.memory_space<vmem>>
          tpu.enqueue_dma source(%dma_start3A_42 : memref<80x128xf32, #tpu.memory_space<vmem>>) target(%dma_start3A_39 : memref<80x128xf32, #tpu.memory_space<vmem_shared>>) target_semaphore(%run_scoped3A : memref<!tpu.dma_semaphore, #tpu.memory_space<semaphore_mem>>)
          %dma_wait3A = arith.constant 0 : i32
          %dma_wait3A_43 = arith.constant 0 : i32
          %dma_wait3A_44 = tpu.memref_slice %arg5[%dma_wait3A, %dma_wait3A_43] : memref<200x128xf32, #tpu.memory_space<vmem>> -> memref<80x128xf32, #tpu.memory_space<vmem>>
          %dma_wait3A_45 = arith.constant 0 : i32
          %dma_wait3A_46 = tpu.memref_slice %arg7[%mul3A_33, %dma_wait3A_45] : memref<10240x128xf32, #tpu.memory_space<vmem_shared>> -> memref<80x128xf32, #tpu.memory_space<vmem_shared>>
          %dma_wait3A_47 = arith.constant 0 : i32
          %dma_wait3A_48 = tpu.memref_slice %arg7[%mul3A_33, %dma_wait3A_47] : memref<10240x128xf32, #tpu.memory_space<vmem_shared>> -> memref<80x128xf32, #tpu.memory_space<vmem_shared>>
          %dma_wait3A_49 = arith.constant 0 : i32
          %dma_wait3A_50 = arith.constant 0 : i32
          %dma_wait3A_51 = tpu.memref_slice %arg5[%dma_wait3A_49, %dma_wait3A_50] : memref<200x128xf32, #tpu.memory_space<vmem>> -> memref<80x128xf32, #tpu.memory_space<vmem>>
          tpu.wait_dma2 semaphore(%run_scoped3A : memref<!tpu.dma_semaphore, #tpu.memory_space<semaphore_mem>>) src(%dma_wait3A_51 : memref<80x128xf32, #tpu.memory_space<vmem>>) dst(%dma_wait3A_48 : memref<80x128xf32, #tpu.memory_space<vmem_shared>>)
          tpu.yield
        }) : () -> ()
      } else {
      }
    }
    %scan3A_12 = arith.constant 8 : i32
    %barrier3A = arith.constant 0 : index
    tpu.barrier barrier_id(%barrier3A)
    %scan3A_13 = arith.constant 0 : i32
    %scan3A_14 = arith.constant 0 : i32
    %scan3A_15 = arith.constant 25 : i32
    %scan3A_16 = arith.addi %scan3A_14, %scan3A_15 : i32
    %scan3A_17 = arith.constant 1 : i32
    scf.for %scan3A_26 = %scan3A_14 to %scan3A_16 step %scan3A_17  : i32 {
      %mul3A_27 = arith.constant 5000 : i32
      %mul3A_28 = arith.muli %add3A, %mul3A_27 : i32
      %mul3A_29 = arith.constant 200 : i32
      %mul3A_30 = arith.muli %scan3A_26, %mul3A_29 : i32
      %add3A_31 = arith.addi %mul3A_28, %mul3A_30 : i32
      "tpu.region"() ({
        %run_scoped3A = tpu.sem_alloc : memref<!tpu.dma_semaphore, #tpu.memory_space<semaphore_mem>>
        %dma_start3A = tpu.memref_slice %arg3[%add3A_31] : memref<160000xi32, #tpu.memory_space<hbm>> -> memref<200xi32, #tpu.memory_space<hbm>>
        %dma_start3A_32 = tpu.memref_slice %arg3[%add3A_31] : memref<160000xi32, #tpu.memory_space<hbm>> -> memref<200xi32, #tpu.memory_space<hbm>>
        tpu.enqueue_dma source(%dma_start3A_32 : memref<200xi32, #tpu.memory_space<hbm>>) target(%arg6 : memref<200xi32, #tpu.memory_space<vmem>>) target_semaphore(%run_scoped3A : memref<!tpu.dma_semaphore, #tpu.memory_space<semaphore_mem>>)
        %dma_wait3A = tpu.memref_slice %arg3[%add3A_31] : memref<160000xi32, #tpu.memory_space<hbm>> -> memref<200xi32, #tpu.memory_space<hbm>>
        %dma_wait3A_33 = tpu.memref_slice %arg3[%add3A_31] : memref<160000xi32, #tpu.memory_space<hbm>> -> memref<200xi32, #tpu.memory_space<hbm>>
        tpu.wait_dma2 semaphore(%run_scoped3A : memref<!tpu.dma_semaphore, #tpu.memory_space<semaphore_mem>>) src(%dma_wait3A_33 : memref<200xi32, #tpu.memory_space<hbm>>) dst(%arg6 : memref<200xi32, #tpu.memory_space<vmem>>)
        tpu.yield
      }) : () -> ()
      "tpu.region"() ({
        %run_scoped3A = tpu.sem_alloc : memref<!tpu.dma_semaphore, #tpu.memory_space<semaphore_mem>>
        %dma_start3A = arith.constant 0 : i32
        %dma_start3A_32 = tpu.memref_slice %arg2[%add3A_31, %dma_start3A] : memref<160000x128xf32, #tpu.memory_space<hbm>> -> memref<200x128xf32, #tpu.memory_space<hbm>>
        %dma_start3A_33 = arith.constant 0 : i32
        %dma_start3A_34 = tpu.memref_slice %arg2[%add3A_31, %dma_start3A_33] : memref<160000x128xf32, #tpu.memory_space<hbm>> -> memref<200x128xf32, #tpu.memory_space<hbm>>
        tpu.enqueue_dma source(%dma_start3A_34 : memref<200x128xf32, #tpu.memory_space<hbm>>) target(%arg5 : memref<200x128xf32, #tpu.memory_space<vmem>>) target_semaphore(%run_scoped3A : memref<!tpu.dma_semaphore, #tpu.memory_space<semaphore_mem>>)
        %dma_wait3A = arith.constant 0 : i32
        %dma_wait3A_35 = tpu.memref_slice %arg2[%add3A_31, %dma_wait3A] : memref<160000x128xf32, #tpu.memory_space<hbm>> -> memref<200x128xf32, #tpu.memory_space<hbm>>
        %dma_wait3A_36 = arith.constant 0 : i32
        %dma_wait3A_37 = tpu.memref_slice %arg2[%add3A_31, %dma_wait3A_36] : memref<160000x128xf32, #tpu.memory_space<hbm>> -> memref<200x128xf32, #tpu.memory_space<hbm>>
        tpu.wait_dma2 semaphore(%run_scoped3A : memref<!tpu.dma_semaphore, #tpu.memory_space<semaphore_mem>>) src(%dma_wait3A_37 : memref<200x128xf32, #tpu.memory_space<hbm>>) dst(%arg5 : memref<200x128xf32, #tpu.memory_space<vmem>>)
        tpu.yield
      }) : () -> ()
      "tpu.region"() ({
        %run_scoped3A = tpu.sem_alloc : memref<!tpu.dma_semaphore, #tpu.memory_space<semaphore_mem>>
        %dma_start3A = arith.constant 0 : i32
        %dma_start3A_32 = arith.constant 0 : i32
        %dma_start3A_33 = tpu.memref_slice %arg7[%dma_start3A, %dma_start3A_32] : memref<10240x128xf32, #tpu.memory_space<vmem_shared>> -> memref<10240x128xf32, #tpu.memory_space<vmem_shared>>
        tpu.enqueue_indirect_dma source(%arg5 : memref<200x128xf32, #tpu.memory_space<vmem>>) target(%dma_start3A_33 : memref<10240x128xf32, #tpu.memory_space<vmem_shared>>) offsets(%arg6 : memref<200xi32, #tpu.memory_space<vmem>>) semaphore(%run_scoped3A : memref<!tpu.dma_semaphore, #tpu.memory_space<semaphore_mem>>) {add = true}
        %dma_wait3A = arith.constant 0 : i32
        %dma_wait3A_34 = arith.constant 0 : i32
        %dma_wait3A_35 = tpu.memref_slice %arg7[%dma_wait3A, %dma_wait3A_34] : memref<10240x128xf32, #tpu.memory_space<vmem_shared>> -> memref<10240x128xf32, #tpu.memory_space<vmem_shared>>
        tpu.wait_indirect_dma semaphore(%run_scoped3A : memref<!tpu.dma_semaphore, #tpu.memory_space<semaphore_mem>>) src(%arg5 : memref<200x128xf32, #tpu.memory_space<vmem>>) dst(%dma_wait3A_35 : memref<10240x128xf32, #tpu.memory_space<vmem_shared>>)
        tpu.yield
      }) : () -> ()
    }
    %scan3A_18 = arith.constant 25 : i32
    %barrier3A_19 = arith.constant 0 : index
    tpu.barrier barrier_id(%barrier3A_19)
    %scan3A_20 = arith.constant 0 : i32
    %scan3A_21 = arith.constant 0 : i32
    %scan3A_22 = arith.constant 8 : i32
    %scan3A_23 = arith.addi %scan3A_21, %scan3A_22 : i32
    %scan3A_24 = arith.constant 1 : i32
    scf.for %scan3A_26 = %scan3A_21 to %scan3A_23 step %scan3A_24  : i32 {
      %mul3A_27 = arith.constant 16 : i32
      %mul3A_28 = arith.muli %scan3A_26, %mul3A_27 : i32
      %add3A_29 = arith.addi %arg1, %mul3A_28 : i32
      %lt3A = arith.constant 128 : i32
      %lt3A_30 = arith.cmpi slt, %add3A_29, %lt3A : i32
      %convert_element_type3A = arith.extui %lt3A_30 : i1 to i32
      %cond3A = arith.constant 0 : i32
      %cond3A_31 = arith.cmpi ne, %convert_element_type3A, %cond3A : i32
      scf.if %cond3A_31 {
        %mul3A_32 = arith.constant 80 : i32
        %mul3A_33 = arith.muli %add3A_29, %mul3A_32 : i32
        "tpu.region"() ({
          %run_scoped3A = tpu.sem_alloc : memref<!tpu.dma_semaphore, #tpu.memory_space<semaphore_mem>>
          %dma_start3A = arith.constant 0 : i32
          %dma_start3A_34 = arith.constant 0 : i32
          %dma_start3A_35 = tpu.memref_slice %arg5[%dma_start3A, %dma_start3A_34] : memref<200x128xf32, #tpu.memory_space<vmem>> -> memref<80x128xf32, #tpu.memory_space<vmem>>
          %dma_start3A_36 = arith.constant 0 : i32
          %dma_start3A_37 = tpu.memref_slice %arg7[%mul3A_33, %dma_start3A_36] : memref<10240x128xf32, #tpu.memory_space<vmem_shared>> -> memref<80x128xf32, #tpu.memory_space<vmem_shared>>
          %dma_start3A_38 = arith.constant 0 : i32
          %dma_start3A_39 = arith.constant 0 : i32
          %dma_start3A_40 = tpu.memref_slice %arg5[%dma_start3A_38, %dma_start3A_39] : memref<200x128xf32, #tpu.memory_space<vmem>> -> memref<80x128xf32, #tpu.memory_space<vmem>>
          %dma_start3A_41 = arith.constant 0 : i32
          %dma_start3A_42 = tpu.memref_slice %arg7[%mul3A_33, %dma_start3A_41] : memref<10240x128xf32, #tpu.memory_space<vmem_shared>> -> memref<80x128xf32, #tpu.memory_space<vmem_shared>>
          tpu.enqueue_dma source(%dma_start3A_42 : memref<80x128xf32, #tpu.memory_space<vmem_shared>>) target(%dma_start3A_40 : memref<80x128xf32, #tpu.memory_space<vmem>>) target_semaphore(%run_scoped3A : memref<!tpu.dma_semaphore, #tpu.memory_space<semaphore_mem>>)
          %dma_wait3A = arith.constant 0 : i32
          %dma_wait3A_43 = arith.constant 0 : i32
          %dma_wait3A_44 = tpu.memref_slice %arg5[%dma_wait3A, %dma_wait3A_43] : memref<200x128xf32, #tpu.memory_space<vmem>> -> memref<80x128xf32, #tpu.memory_space<vmem>>
          %dma_wait3A_45 = arith.constant 0 : i32
          %dma_wait3A_46 = tpu.memref_slice %arg7[%mul3A_33, %dma_wait3A_45] : memref<10240x128xf32, #tpu.memory_space<vmem_shared>> -> memref<80x128xf32, #tpu.memory_space<vmem_shared>>
          %dma_wait3A_47 = arith.constant 0 : i32
          %dma_wait3A_48 = arith.constant 0 : i32
          %dma_wait3A_49 = tpu.memref_slice %arg5[%dma_wait3A_47, %dma_wait3A_48] : memref<200x128xf32, #tpu.memory_space<vmem>> -> memref<80x128xf32, #tpu.memory_space<vmem>>
          %dma_wait3A_50 = arith.constant 0 : i32
          %dma_wait3A_51 = tpu.memref_slice %arg7[%mul3A_33, %dma_wait3A_50] : memref<10240x128xf32, #tpu.memory_space<vmem_shared>> -> memref<80x128xf32, #tpu.memory_space<vmem_shared>>
          tpu.wait_dma2 semaphore(%run_scoped3A : memref<!tpu.dma_semaphore, #tpu.memory_space<semaphore_mem>>) src(%dma_wait3A_51 : memref<80x128xf32, #tpu.memory_space<vmem_shared>>) dst(%dma_wait3A_49 : memref<80x128xf32, #tpu.memory_space<vmem>>)
          tpu.yield
        }) : () -> ()
        "tpu.region"() ({
          %run_scoped3A = tpu.sem_alloc : memref<!tpu.dma_semaphore, #tpu.memory_space<semaphore_mem>>
          %dma_start3A = arith.constant 0 : i32
          %dma_start3A_34 = arith.constant 0 : i32
          %dma_start3A_35 = tpu.memref_slice %arg5[%dma_start3A, %dma_start3A_34] : memref<200x128xf32, #tpu.memory_space<vmem>> -> memref<80x128xf32, #tpu.memory_space<vmem>>
          %dma_start3A_36 = arith.constant 0 : i32
          %dma_start3A_37 = tpu.memref_slice %arg4[%arg0, %mul3A_33, %dma_start3A_36] : memref<2x10240x128xf32, #tpu.memory_space<hbm>> -> memref<1x80x128xf32, #tpu.memory_space<hbm>>
          %dma_start3A_38 = tpu.memref_squeeze %dma_start3A_37 : memref<1x80x128xf32, #tpu.memory_space<hbm>> -> memref<80x128xf32, #tpu.memory_space<hbm>>
          %dma_start3A_39 = arith.constant 0 : i32
          %dma_start3A_40 = tpu.memref_slice %arg4[%arg0, %mul3A_33, %dma_start3A_39] : memref<2x10240x128xf32, #tpu.memory_space<hbm>> -> memref<1x80x128xf32, #tpu.memory_space<hbm>>
          %dma_start3A_41 = tpu.memref_squeeze %dma_start3A_40 : memref<1x80x128xf32, #tpu.memory_space<hbm>> -> memref<80x128xf32, #tpu.memory_space<hbm>>
          %dma_start3A_42 = arith.constant 0 : i32
          %dma_start3A_43 = arith.constant 0 : i32
          %dma_start3A_44 = tpu.memref_slice %arg5[%dma_start3A_42, %dma_start3A_43] : memref<200x128xf32, #tpu.memory_space<vmem>> -> memref<80x128xf32, #tpu.memory_space<vmem>>
          tpu.enqueue_dma source(%dma_start3A_44 : memref<80x128xf32, #tpu.memory_space<vmem>>) target(%dma_start3A_41 : memref<80x128xf32, #tpu.memory_space<hbm>>) target_semaphore(%run_scoped3A : memref<!tpu.dma_semaphore, #tpu.memory_space<semaphore_mem>>)
          %dma_wait3A = arith.constant 0 : i32
          %dma_wait3A_45 = arith.constant 0 : i32
          %dma_wait3A_46 = tpu.memref_slice %arg5[%dma_wait3A, %dma_wait3A_45] : memref<200x128xf32, #tpu.memory_space<vmem>> -> memref<80x128xf32, #tpu.memory_space<vmem>>
          %dma_wait3A_47 = arith.constant 0 : i32
          %dma_wait3A_48 = tpu.memref_slice %arg4[%arg0, %mul3A_33, %dma_wait3A_47] : memref<2x10240x128xf32, #tpu.memory_space<hbm>> -> memref<1x80x128xf32, #tpu.memory_space<hbm>>
          %dma_wait3A_49 = tpu.memref_squeeze %dma_wait3A_48 : memref<1x80x128xf32, #tpu.memory_space<hbm>> -> memref<80x128xf32, #tpu.memory_space<hbm>>
          %dma_wait3A_50 = arith.constant 0 : i32
          %dma_wait3A_51 = tpu.memref_slice %arg4[%arg0, %mul3A_33, %dma_wait3A_50] : memref<2x10240x128xf32, #tpu.memory_space<hbm>> -> memref<1x80x128xf32, #tpu.memory_space<hbm>>
          %dma_wait3A_52 = tpu.memref_squeeze %dma_wait3A_51 : memref<1x80x128xf32, #tpu.memory_space<hbm>> -> memref<80x128xf32, #tpu.memory_space<hbm>>
          %dma_wait3A_53 = arith.constant 0 : i32
          %dma_wait3A_54 = arith.constant 0 : i32
          %dma_wait3A_55 = tpu.memref_slice %arg5[%dma_wait3A_53, %dma_wait3A_54] : memref<200x128xf32, #tpu.memory_space<vmem>> -> memref<80x128xf32, #tpu.memory_space<vmem>>
          tpu.wait_dma2 semaphore(%run_scoped3A : memref<!tpu.dma_semaphore, #tpu.memory_space<semaphore_mem>>) src(%dma_wait3A_55 : memref<80x128xf32, #tpu.memory_space<vmem>>) dst(%dma_wait3A_52 : memref<80x128xf32, #tpu.memory_space<hbm>>)
          tpu.yield
        }) : () -> ()
      } else {
      }
    }
    %scan3A_25 = arith.constant 8 : i32
    return
  }
}

#map = affine_map<(d0, d1) -> (0, 0)>
#map1 = affine_map<(d0, d1) -> (0)>
#map2 = affine_map<(d0, d1) -> (0, 0, 0)>
module attributes {stable_mosaic.version = 14 : i64} {
  func.func @body(%arg0: i32, %arg1: i32, %arg2: memref<160000x128xf32, #tpu.memory_space<hbm>>, %arg3: memref<160000xi32, #tpu.memory_space<hbm>>, %arg4: memref<2x10240x128xf32, #tpu.memory_space<hbm>>, %arg5: memref<200x128xf32, #tpu.memory_space<vmem>>, %arg6: memref<200xi32, #tpu.memory_space<vmem>>, %arg7: memref<10240x128xf32, #tpu.memory_space<vmem_shared>>) attributes {dimension_semantics = [#tpu.dimension_semantics<core_parallel>, #tpu.dimension_semantics<subcore_parallel>], iteration_bounds = array<i64: 2, 16>, scalar_prefetch = 0 : i64, scratch_operands = 3 : i64, tpu.core_type = #tpu.core_type<sc_vector_subcore>, window_params = [{transform_indices = #map}, {transform_indices = #map1}, {transform_indices = #map2}]} {
    %mul3A = arith.constant 2 : i32
    %mul3A_0 = arith.muli %arg1, %mul3A : i32
    %add3A = arith.addi %mul3A_0, %arg0 : i32
    %broadcast_in_dim3A = arith.constant 0.000000e+00 : f32
    %broadcast_in_dim3A_1 = vector.broadcast %broadcast_in_dim3A : f32 to vector<16xf32>
    %scan3A = arith.constant 0 : i32
    %scan3A_2 = arith.constant 0 : i32
    %scan3A_3 = arith.constant 640 : i32
    %scan3A_4 = arith.addi %scan3A_2, %scan3A_3 : i32
    %scan3A_5 = arith.constant 1 : i32
    scf.for %scan3A_26 = %scan3A_2 to %scan3A_4 step %scan3A_5  : i32 {
      %jit3A = arith.constant 8 : i32
      %div3A = arith.divsi %scan3A_26, %jit3A : i32
      %sign3A = arith.constant 0 : i32
      %sign3A_27 = arith.cmpi sgt, %scan3A_26, %sign3A : i32
      %sign3A_28 = arith.extui %sign3A_27 : i1 to i32
      %sign3A_29 = arith.constant 0 : i32
      %sign3A_30 = arith.cmpi slt, %scan3A_26, %sign3A_29 : i32
      %sign3A_31 = arith.extui %sign3A_30 : i1 to i32
      %sign3A_32 = arith.subi %sign3A_28, %sign3A_31 : i32
      %sign3A_33 = arith.constant 0 : i32
      %sign3A_34 = arith.cmpi sgt, %jit3A, %sign3A_33 : i32
      %sign3A_35 = arith.extui %sign3A_34 : i1 to i32
      %sign3A_36 = arith.constant 0 : i32
      %sign3A_37 = arith.cmpi slt, %jit3A, %sign3A_36 : i32
      %sign3A_38 = arith.extui %sign3A_37 : i1 to i32
      %sign3A_39 = arith.subi %sign3A_35, %sign3A_38 : i32
      %ne3A = arith.cmpi ne, %sign3A_32, %sign3A_39 : i32
      %rem3A = arith.remsi %scan3A_26, %jit3A : i32
      %ne3A_40 = arith.constant 0 : i32
      %ne3A_41 = arith.cmpi ne, %rem3A, %ne3A_40 : i32
      %and3A = arith.andi %ne3A, %ne3A_41 : i1
      %sub3A = arith.constant 1 : i32
      %sub3A_42 = arith.subi %div3A, %sub3A : i32
      %select_n3A = arith.select %and3A, %sub3A_42, %div3A : i32
      %jit3A_43 = arith.constant 8 : i32
      %eq3A = arith.constant 0 : i32
      %eq3A_44 = arith.cmpi eq, %jit3A_43, %eq3A : i32
      %jit3A_45 = arith.constant 1 : i32
      %select_n3A_46 = arith.select %eq3A_44, %jit3A_45, %jit3A_43 : i32
      %rem3A_47 = arith.remsi %scan3A_26, %select_n3A_46 : i32
      %ne3A_48 = arith.constant 0 : i32
      %ne3A_49 = arith.cmpi ne, %rem3A_47, %ne3A_48 : i32
      %lt3A = arith.constant 0 : i32
      %lt3A_50 = arith.cmpi slt, %rem3A_47, %lt3A : i32
      %lt3A_51 = arith.constant 0 : i32
      %lt3A_52 = arith.cmpi slt, %select_n3A_46, %lt3A_51 : i32
      %ne3A_53 = arith.xori %lt3A_50, %lt3A_52 : i1
      %and3A_54 = arith.andi %ne3A_53, %ne3A_49 : i1
      %add3A_55 = arith.addi %rem3A_47, %select_n3A_46 : i32
      %select_n3A_56 = arith.select %and3A_54, %add3A_55, %rem3A_47 : i32
      %mul3A_57 = arith.constant 16 : i32
      %mul3A_58 = arith.muli %select_n3A_56, %mul3A_57 : i32
      %swap3A = arith.index_cast %select_n3A : i32 to index
      %swap3A_59 = arith.index_cast %mul3A_58 : i32 to index
      %swap3A_60 = tpu.vector_load %arg5[%swap3A, %swap3A_59] {strides = array<i32>} : memref<200x128xf32, #tpu.memory_space<vmem>>, vector<16xf32>,
      tpu.vector_store %arg5[%swap3A, %swap3A_59], %broadcast_in_dim3A_1 {strides = array<i32>} : memref<200x128xf32, #tpu.memory_space<vmem>>, vector<16xf32>,
    }
    %scan3A_6 = arith.constant 640 : i32
    %scan3A_7 = arith.constant 0 : i32
    %scan3A_8 = arith.constant 0 : i32
    %scan3A_9 = arith.constant 8 : i32
    %scan3A_10 = arith.addi %scan3A_8, %scan3A_9 : i32
    %scan3A_11 = arith.constant 1 : i32
    scf.for %scan3A_26 = %scan3A_8 to %scan3A_10 step %scan3A_11  : i32 {
      %mul3A_27 = arith.constant 16 : i32
      %mul3A_28 = arith.muli %scan3A_26, %mul3A_27 : i32
      %add3A_29 = arith.addi %arg1, %mul3A_28 : i32
      %lt3A = arith.constant 128 : i32
      %lt3A_30 = arith.cmpi slt, %add3A_29, %lt3A : i32
      %convert_element_type3A = arith.extui %lt3A_30 : i1 to i32
      %cond3A = arith.constant 0 : i32
      %cond3A_31 = arith.cmpi ne, %convert_element_type3A, %cond3A : i32
      scf.if %cond3A_31 {
        %mul3A_32 = arith.constant 80 : i32
        %mul3A_33 = arith.muli %add3A_29, %mul3A_32 : i32
        "tpu.region"() ({
          %run_scoped3A = tpu.sem_alloc : memref<!tpu.dma_semaphore, #tpu.memory_space<semaphore_mem>>
          %dma_start3A = arith.constant 0 : i32
          %dma_start3A_34 = arith.constant 0 : i32
          %dma_start3A_35 = tpu.memref_slice %arg5[%dma_start3A, %dma_start3A_34] : memref<200x128xf32, #tpu.memory_space<vmem>> -> memref<80x128xf32, #tpu.memory_space<vmem>>
          %dma_start3A_36 = arith.constant 0 : i32
          %dma_start3A_37 = tpu.memref_slice %arg7[%mul3A_33, %dma_start3A_36] : memref<10240x128xf32, #tpu.memory_space<vmem_shared>> -> memref<80x128xf32, #tpu.memory_space<vmem_shared>>
          %dma_start3A_38 = arith.constant 0 : i32
          %dma_start3A_39 = tpu.memref_slice %arg7[%mul3A_33, %dma_start3A_38] : memref<10240x128xf32, #tpu.memory_space<vmem_shared>> -> memref<80x128xf32, #tpu.memory_space<vmem_shared>>
          %dma_start3A_40 = arith.constant 0 : i32
          %dma_start3A_41 = arith.constant 0 : i32
          %dma_start3A_42 = tpu.memref_slice %arg5[%dma_start3A_40, %dma_start3A_41] : memref<200x128xf32, #tpu.memory_space<vmem>> -> memref<80x128xf32, #tpu.memory_space<vmem>>
          tpu.enqueue_dma source(%dma_start3A_42 : memref<80x128xf32, #tpu.memory_space<vmem>>) target(%dma_start3A_39 : memref<80x128xf32, #tpu.memory_space<vmem_shared>>) target_semaphore(%run_scoped3A : memref<!tpu.dma_semaphore, #tpu.memory_space<semaphore_mem>>)
          %dma_wait3A = arith.constant 0 : i32
          %dma_wait3A_43 = arith.constant 0 : i32
          %dma_wait3A_44 = tpu.memref_slice %arg5[%dma_wait3A, %dma_wait3A_43] : memref<200x128xf32, #tpu.memory_space<vmem>> -> memref<80x128xf32, #tpu.memory_space<vmem>>
          %dma_wait3A_45 = arith.constant 0 : i32
          %dma_wait3A_46 = tpu.memref_slice %arg7[%mul3A_33, %dma_wait3A_45] : memref<10240x128xf32, #tpu.memory_space<vmem_shared>> -> memref<80x128xf32, #tpu.memory_space<vmem_shared>>
          %dma_wait3A_47 = arith.constant 0 : i32
          %dma_wait3A_48 = tpu.memref_slice %arg7[%mul3A_33, %dma_wait3A_47] : memref<10240x128xf32, #tpu.memory_space<vmem_shared>> -> memref<80x128xf32, #tpu.memory_space<vmem_shared>>
          %dma_wait3A_49 = arith.constant 0 : i32
          %dma_wait3A_50 = arith.constant 0 : i32
          %dma_wait3A_51 = tpu.memref_slice %arg5[%dma_wait3A_49, %dma_wait3A_50] : memref<200x128xf32, #tpu.memory_space<vmem>> -> memref<80x128xf32, #tpu.memory_space<vmem>>
          tpu.wait_dma2 semaphore(%run_scoped3A : memref<!tpu.dma_semaphore, #tpu.memory_space<semaphore_mem>>) src(%dma_wait3A_51 : memref<80x128xf32, #tpu.memory_space<vmem>>) dst(%dma_wait3A_48 : memref<80x128xf32, #tpu.memory_space<vmem_shared>>)
          tpu.yield
        }) : () -> ()
      } else {
      }
    }
    %scan3A_12 = arith.constant 8 : i32
    %barrier3A = arith.constant 0 : index
    tpu.barrier barrier_id(%barrier3A)
    %scan3A_13 = arith.constant 0 : i32
    %scan3A_14 = arith.constant 0 : i32
    %scan3A_15 = arith.constant 25 : i32
    %scan3A_16 = arith.addi %scan3A_14, %scan3A_15 : i32
    %scan3A_17 = arith.constant 1 : i32
    scf.for %scan3A_26 = %scan3A_14 to %scan3A_16 step %scan3A_17  : i32 {
      %mul3A_27 = arith.constant 5000 : i32
      %mul3A_28 = arith.muli %add3A, %mul3A_27 : i32
      %mul3A_29 = arith.constant 200 : i32
      %mul3A_30 = arith.muli %scan3A_26, %mul3A_29 : i32
      %add3A_31 = arith.addi %mul3A_28, %mul3A_30 : i32
      "tpu.region"() ({
        %run_scoped3A = tpu.sem_alloc : memref<!tpu.dma_semaphore, #tpu.memory_space<semaphore_mem>>
        %dma_start3A = tpu.memref_slice %arg3[%add3A_31] : memref<160000xi32, #tpu.memory_space<hbm>> -> memref<200xi32, #tpu.memory_space<hbm>>
        %dma_start3A_32 = tpu.memref_slice %arg3[%add3A_31] : memref<160000xi32, #tpu.memory_space<hbm>> -> memref<200xi32, #tpu.memory_space<hbm>>
        tpu.enqueue_dma source(%dma_start3A_32 : memref<200xi32, #tpu.memory_space<hbm>>) target(%arg6 : memref<200xi32, #tpu.memory_space<vmem>>) target_semaphore(%run_scoped3A : memref<!tpu.dma_semaphore, #tpu.memory_space<semaphore_mem>>)
        %dma_wait3A = tpu.memref_slice %arg3[%add3A_31] : memref<160000xi32, #tpu.memory_space<hbm>> -> memref<200xi32, #tpu.memory_space<hbm>>
        %dma_wait3A_33 = tpu.memref_slice %arg3[%add3A_31] : memref<160000xi32, #tpu.memory_space<hbm>> -> memref<200xi32, #tpu.memory_space<hbm>>
        tpu.wait_dma2 semaphore(%run_scoped3A : memref<!tpu.dma_semaphore, #tpu.memory_space<semaphore_mem>>) src(%dma_wait3A_33 : memref<200xi32, #tpu.memory_space<hbm>>) dst(%arg6 : memref<200xi32, #tpu.memory_space<vmem>>)
        tpu.yield
      }) : () -> ()
      "tpu.region"() ({
        %run_scoped3A = tpu.sem_alloc : memref<!tpu.dma_semaphore, #tpu.memory_space<semaphore_mem>>
        %dma_start3A = arith.constant 0 : i32
        %dma_start3A_32 = tpu.memref_slice %arg2[%add3A_31, %dma_start3A] : memref<160000x128xf32, #tpu.memory_space<hbm>> -> memref<200x128xf32, #tpu.memory_space<hbm>>
        %dma_start3A_33 = arith.constant 0 : i32
        %dma_start3A_34 = tpu.memref_slice %arg2[%add3A_31, %dma_start3A_33] : memref<160000x128xf32, #tpu.memory_space<hbm>> -> memref<200x128xf32, #tpu.memory_space<hbm>>
        tpu.enqueue_dma source(%dma_start3A_34 : memref<200x128xf32, #tpu.memory_space<hbm>>) target(%arg5 : memref<200x128xf32, #tpu.memory_space<vmem>>) target_semaphore(%run_scoped3A : memref<!tpu.dma_semaphore, #tpu.memory_space<semaphore_mem>>)
        %dma_wait3A = arith.constant 0 : i32
        %dma_wait3A_35 = tpu.memref_slice %arg2[%add3A_31, %dma_wait3A] : memref<160000x128xf32, #tpu.memory_space<hbm>> -> memref<200x128xf32, #tpu.memory_space<hbm>>
        %dma_wait3A_36 = arith.constant 0 : i32
        %dma_wait3A_37 = tpu.memref_slice %arg2[%add3A_31, %dma_wait3A_36] : memref<160000x128xf32, #tpu.memory_space<hbm>> -> memref<200x128xf32, #tpu.memory_space<hbm>>
        tpu.wait_dma2 semaphore(%run_scoped3A : memref<!tpu.dma_semaphore, #tpu.memory_space<semaphore_mem>>) src(%dma_wait3A_37 : memref<200x128xf32, #tpu.memory_space<hbm>>) dst(%arg5 : memref<200x128xf32, #tpu.memory_space<vmem>>)
        tpu.yield
      }) : () -> ()
      "tpu.region"() ({
        %run_scoped3A = tpu.sem_alloc : memref<!tpu.dma_semaphore, #tpu.memory_space<semaphore_mem>>
        %dma_start3A = arith.constant 0 : i32
        %dma_start3A_32 = arith.constant 0 : i32
        %dma_start3A_33 = tpu.memref_slice %arg7[%dma_start3A, %dma_start3A_32] : memref<10240x128xf32, #tpu.memory_space<vmem_shared>> -> memref<10240x128xf32, #tpu.memory_space<vmem_shared>>
        tpu.enqueue_indirect_dma source(%arg5 : memref<200x128xf32, #tpu.memory_space<vmem>>) target(%dma_start3A_33 : memref<10240x128xf32, #tpu.memory_space<vmem_shared>>) offsets(%arg6 : memref<200xi32, #tpu.memory_space<vmem>>) semaphore(%run_scoped3A : memref<!tpu.dma_semaphore, #tpu.memory_space<semaphore_mem>>) {add = true}
        %dma_wait3A = arith.constant 0 : i32
        %dma_wait3A_34 = arith.constant 0 : i32
        %dma_wait3A_35 = tpu.memref_slice %arg7[%dma_wait3A, %dma_wait3A_34] : memref<10240x128xf32, #tpu.memory_space<vmem_shared>> -> memref<10240x128xf32, #tpu.memory_space<vmem_shared>>
        tpu.wait_indirect_dma semaphore(%run_scoped3A : memref<!tpu.dma_semaphore, #tpu.memory_space<semaphore_mem>>) src(%arg5 : memref<200x128xf32, #tpu.memory_space<vmem>>) dst(%dma_wait3A_35 : memref<10240x128xf32, #tpu.memory_space<vmem_shared>>)
        tpu.yield
      }) : () -> ()
    }
    %scan3A_18 = arith.constant 25 : i32
    %barrier3A_19 = arith.constant 0 : index
    tpu.barrier barrier_id(%barrier3A_19)
    %scan3A_20 = arith.constant 0 : i32
    %scan3A_21 = arith.constant 0 : i32
    %scan3A_22 = arith.constant 8 : i32
    %scan3A_23 = arith.addi %scan3A_21, %scan3A_22 : i32
    %scan3A_24 = arith.constant 1 : i32
    scf.for %scan3A_26 = %scan3A_21 to %scan3A_23 step %scan3A_24  : i32 {
      %mul3A_27 = arith.constant 16 : i32
      %mul3A_28 = arith.muli %scan3A_26, %mul3A_27 : i32
      %add3A_29 = arith.addi %arg1, %mul3A_28 : i32
      %lt3A = arith.constant 128 : i32
      %lt3A_30 = arith.cmpi slt, %add3A_29, %lt3A : i32
      %convert_element_type3A = arith.extui %lt3A_30 : i1 to i32
      %cond3A = arith.constant 0 : i32
      %cond3A_31 = arith.cmpi ne, %convert_element_type3A, %cond3A : i32
      scf.if %cond3A_31 {
        %mul3A_32 = arith.constant 80 : i32
        %mul3A_33 = arith.muli %add3A_29, %mul3A_32 : i32
        "tpu.region"() ({
          %run_scoped3A = tpu.sem_alloc : memref<!tpu.dma_semaphore, #tpu.memory_space<semaphore_mem>>
          %dma_start3A = arith.constant 0 : i32
          %dma_start3A_34 = arith.constant 0 : i32
          %dma_start3A_35 = tpu.memref_slice %arg5[%dma_start3A, %dma_start3A_34] : memref<200x128xf32, #tpu.memory_space<vmem>> -> memref<80x128xf32, #tpu.memory_space<vmem>>
          %dma_start3A_36 = arith.constant 0 : i32
          %dma_start3A_37 = tpu.memref_slice %arg7[%mul3A_33, %dma_start3A_36] : memref<10240x128xf32, #tpu.memory_space<vmem_shared>> -> memref<80x128xf32, #tpu.memory_space<vmem_shared>>
          %dma_start3A_38 = arith.constant 0 : i32
          %dma_start3A_39 = arith.constant 0 : i32
          %dma_start3A_40 = tpu.memref_slice %arg5[%dma_start3A_38, %dma_start3A_39] : memref<200x128xf32, #tpu.memory_space<vmem>> -> memref<80x128xf32, #tpu.memory_space<vmem>>
          %dma_start3A_41 = arith.constant 0 : i32
          %dma_start3A_42 = tpu.memref_slice %arg7[%mul3A_33, %dma_start3A_41] : memref<10240x128xf32, #tpu.memory_space<vmem_shared>> -> memref<80x128xf32, #tpu.memory_space<vmem_shared>>
          tpu.enqueue_dma source(%dma_start3A_42 : memref<80x128xf32, #tpu.memory_space<vmem_shared>>) target(%dma_start3A_40 : memref<80x128xf32, #tpu.memory_space<vmem>>) target_semaphore(%run_scoped3A : memref<!tpu.dma_semaphore, #tpu.memory_space<semaphore_mem>>)
          %dma_wait3A = arith.constant 0 : i32
          %dma_wait3A_43 = arith.constant 0 : i32
          %dma_wait3A_44 = tpu.memref_slice %arg5[%dma_wait3A, %dma_wait3A_43] : memref<200x128xf32, #tpu.memory_space<vmem>> -> memref<80x128xf32, #tpu.memory_space<vmem>>
          %dma_wait3A_45 = arith.constant 0 : i32
          %dma_wait3A_46 = tpu.memref_slice %arg7[%mul3A_33, %dma_wait3A_45] : memref<10240x128xf32, #tpu.memory_space<vmem_shared>> -> memref<80x128xf32, #tpu.memory_space<vmem_shared>>
          %dma_wait3A_47 = arith.constant 0 : i32
          %dma_wait3A_48 = arith.constant 0 : i32
          %dma_wait3A_49 = tpu.memref_slice %arg5[%dma_wait3A_47, %dma_wait3A_48] : memref<200x128xf32, #tpu.memory_space<vmem>> -> memref<80x128xf32, #tpu.memory_space<vmem>>
          %dma_wait3A_50 = arith.constant 0 : i32
          %dma_wait3A_51 = tpu.memref_slice %arg7[%mul3A_33, %dma_wait3A_50] : memref<10240x128xf32, #tpu.memory_space<vmem_shared>> -> memref<80x128xf32, #tpu.memory_space<vmem_shared>>
          tpu.wait_dma2 semaphore(%run_scoped3A : memref<!tpu.dma_semaphore, #tpu.memory_space<semaphore_mem>>) src(%dma_wait3A_51 : memref<80x128xf32, #tpu.memory_space<vmem_shared>>) dst(%dma_wait3A_49 : memref<80x128xf32, #tpu.memory_space<vmem>>)
          tpu.yield
        }) : () -> ()
        "tpu.region"() ({
          %run_scoped3A = tpu.sem_alloc : memref<!tpu.dma_semaphore, #tpu.memory_space<semaphore_mem>>
          %dma_start3A = arith.constant 0 : i32
          %dma_start3A_34 = arith.constant 0 : i32
          %dma_start3A_35 = tpu.memref_slice %arg5[%dma_start3A, %dma_start3A_34] : memref<200x128xf32, #tpu.memory_space<vmem>> -> memref<80x128xf32, #tpu.memory_space<vmem>>
          %dma_start3A_36 = arith.constant 0 : i32
          %dma_start3A_37 = tpu.memref_slice %arg4[%arg0, %mul3A_33, %dma_start3A_36] : memref<2x10240x128xf32, #tpu.memory_space<hbm>> -> memref<1x80x128xf32, #tpu.memory_space<hbm>>
          %dma_start3A_38 = tpu.memref_squeeze %dma_start3A_37 : memref<1x80x128xf32, #tpu.memory_space<hbm>> -> memref<80x128xf32, #tpu.memory_space<hbm>>
          %dma_start3A_39 = arith.constant 0 : i32
          %dma_start3A_40 = tpu.memref_slice %arg4[%arg0, %mul3A_33, %dma_start3A_39] : memref<2x10240x128xf32, #tpu.memory_space<hbm>> -> memref<1x80x128xf32, #tpu.memory_space<hbm>>
          %dma_start3A_41 = tpu.memref_squeeze %dma_start3A_40 : memref<1x80x128xf32, #tpu.memory_space<hbm>> -> memref<80x128xf32, #tpu.memory_space<hbm>>
          %dma_start3A_42 = arith.constant 0 : i32
          %dma_start3A_43 = arith.constant 0 : i32
          %dma_start3A_44 = tpu.memref_slice %arg5[%dma_start3A_42, %dma_start3A_43] : memref<200x128xf32, #tpu.memory_space<vmem>> -> memref<80x128xf32, #tpu.memory_space<vmem>>
          tpu.enqueue_dma source(%dma_start3A_44 : memref<80x128xf32, #tpu.memory_space<vmem>>) target(%dma_start3A_41 : memref<80x128xf32, #tpu.memory_space<hbm>>) target_semaphore(%run_scoped3A : memref<!tpu.dma_semaphore, #tpu.memory_space<semaphore_mem>>)
          %dma_wait3A = arith.constant 0 : i32
          %dma_wait3A_45 = arith.constant 0 : i32
          %dma_wait3A_46 = tpu.memref_slice %arg5[%dma_wait3A, %dma_wait3A_45] : memref<200x128xf32, #tpu.memory_space<vmem>> -> memref<80x128xf32, #tpu.memory_space<vmem>>
          %dma_wait3A_47 = arith.constant 0 : i32
          %dma_wait3A_48 = tpu.memref_slice %arg4[%arg0, %mul3A_33, %dma_wait3A_47] : memref<2x10240x128xf32, #tpu.memory_space<hbm>> -> memref<1x80x128xf32, #tpu.memory_space<hbm>>
          %dma_wait3A_49 = tpu.memref_squeeze %dma_wait3A_48 : memref<1x80x128xf32, #tpu.memory_space<hbm>> -> memref<80x128xf32, #tpu.memory_space<hbm>>
          %dma_wait3A_50 = arith.constant 0 : i32
          %dma_wait3A_51 = tpu.memref_slice %arg4[%arg0, %mul3A_33, %dma_wait3A_50] : memref<2x10240x128xf32, #tpu.memory_space<hbm>> -> memref<1x80x128xf32, #tpu.memory_space<hbm>>
          %dma_wait3A_52 = tpu.memref_squeeze %dma_wait3A_51 : memref<1x80x128xf32, #tpu.memory_space<hbm>> -> memref<80x128xf32, #tpu.memory_space<hbm>>
          %dma_wait3A_53 = arith.constant 0 : i32
          %dma_wait3A_54 = arith.constant 0 : i32
          %dma_wait3A_55 = tpu.memref_slice %arg5[%dma_wait3A_53, %dma_wait3A_54] : memref<200x128xf32, #tpu.memory_space<vmem>> -> memref<80x128xf32, #tpu.memory_space<vmem>>
          tpu.wait_dma2 semaphore(%run_scoped3A : memref<!tpu.dma_semaphore, #tpu.memory_space<semaphore_mem>>) src(%dma_wait3A_55 : memref<80x128xf32, #tpu.memory_space<vmem>>) dst(%dma_wait3A_52 : memref<80x128xf32, #tpu.memory_space<hbm>>)
          tpu.yield
        }) : () -> ()
      } else {
      }
    }
    %scan3A_25 = arith.constant 8 : i32
    return
  }
}

#map = affine_map<(d0, d1) -> (0, 0)>
#map1 = affine_map<(d0, d1) -> (0)>
#map2 = affine_map<(d0, d1) -> (0, 0, 0)>
module attributes {stable_mosaic.version = 14 : i64} {
  func.func @body(%arg0: i32, %arg1: i32, %arg2: memref<4x160000xf32, #tpu.memory_space<hbm>>, %arg3: memref<160000xi32, #tpu.memory_space<hbm>>, %arg4: memref<32x4x10240xf32, #tpu.memory_space<hbm>>, %arg5: memref<4x5248xf32, #tpu.memory_space<vmem>>, %arg6: memref<5248xi32, #tpu.memory_space<vmem>>, %arg7: memref<4x10240xf32, #tpu.memory_space<vmem>>) attributes {dimension_semantics = [#tpu.dimension_semantics<core_parallel>, #tpu.dimension_semantics<subcore_parallel>], iteration_bounds = array<i64: 2, 16>, scalar_prefetch = 0 : i64, scratch_operands = 3 : i64, tpu.core_type = #tpu.core_type<sc_vector_subcore>, window_params = [{transform_indices = #map}, {transform_indices = #map1}, {transform_indices = #map2}]} {
    %mul3A = arith.constant 2 : i32
    %mul3A_0 = arith.muli %arg1, %mul3A : i32
    %add3A = arith.addi %mul3A_0, %arg0 : i32
    %mul3A_1 = arith.constant 5000 : i32
    %mul3A_2 = arith.muli %add3A, %mul3A_1 : i32
    %jit3A = arith.constant 128 : i32
    %div3A = arith.divsi %mul3A_2, %jit3A : i32
    %sign3A = arith.constant 0 : i32
    %sign3A_3 = arith.cmpi sgt, %mul3A_2, %sign3A : i32
    %sign3A_4 = arith.extui %sign3A_3 : i1 to i32
    %sign3A_5 = arith.constant 0 : i32
    %sign3A_6 = arith.cmpi slt, %mul3A_2, %sign3A_5 : i32
    %sign3A_7 = arith.extui %sign3A_6 : i1 to i32
    %sign3A_8 = arith.subi %sign3A_4, %sign3A_7 : i32
    %sign3A_9 = arith.constant 0 : i32
    %sign3A_10 = arith.cmpi sgt, %jit3A, %sign3A_9 : i32
    %sign3A_11 = arith.extui %sign3A_10 : i1 to i32
    %sign3A_12 = arith.constant 0 : i32
    %sign3A_13 = arith.cmpi slt, %jit3A, %sign3A_12 : i32
    %sign3A_14 = arith.extui %sign3A_13 : i1 to i32
    %sign3A_15 = arith.subi %sign3A_11, %sign3A_14 : i32
    %ne3A = arith.cmpi ne, %sign3A_8, %sign3A_15 : i32
    %rem3A = arith.remsi %mul3A_2, %jit3A : i32
    %ne3A_16 = arith.constant 0 : i32
    %ne3A_17 = arith.cmpi ne, %rem3A, %ne3A_16 : i32
    %and3A = arith.andi %ne3A, %ne3A_17 : i1
    %sub3A = arith.constant 1 : i32
    %sub3A_18 = arith.subi %div3A, %sub3A : i32
    %select_n3A = arith.select %and3A, %sub3A_18, %div3A : i32
    %mul3A_19 = arith.constant 128 : i32
    %mul3A_20 = arith.muli %select_n3A, %mul3A_19 : i32
    %min3A = arith.constant 154752 : i32
    %min3A_21 = arith.minsi %mul3A_20, %min3A : i32
    %sub3A_22 = arith.subi %mul3A_2, %min3A_21 : i32
    "tpu.region"() ({
      %run_scoped3A = tpu.sem_alloc : memref<!tpu.dma_semaphore, #tpu.memory_space<semaphore_mem>>
      %dma_start3A = arith.constant 0 : i32
      %dma_start3A_35 = tpu.memref_slice %arg2[%dma_start3A, %min3A_21] : memref<4x160000xf32, #tpu.memory_space<hbm>> -> memref<4x5248xf32, #tpu.memory_space<hbm>>
      %dma_start3A_36 = arith.constant 0 : i32
      %dma_start3A_37 = tpu.memref_slice %arg2[%dma_start3A_36, %min3A_21] : memref<4x160000xf32, #tpu.memory_space<hbm>> -> memref<4x5248xf32, #tpu.memory_space<hbm>>
      tpu.enqueue_dma source(%dma_start3A_37 : memref<4x5248xf32, #tpu.memory_space<hbm>>) target(%arg5 : memref<4x5248xf32, #tpu.memory_space<vmem>>) target_semaphore(%run_scoped3A : memref<!tpu.dma_semaphore, #tpu.memory_space<semaphore_mem>>)
      %dma_wait3A = arith.constant 0 : i32
      %dma_wait3A_38 = tpu.memref_slice %arg2[%dma_wait3A, %min3A_21] : memref<4x160000xf32, #tpu.memory_space<hbm>> -> memref<4x5248xf32, #tpu.memory_space<hbm>>
      %dma_wait3A_39 = arith.constant 0 : i32
      %dma_wait3A_40 = tpu.memref_slice %arg2[%dma_wait3A_39, %min3A_21] : memref<4x160000xf32, #tpu.memory_space<hbm>> -> memref<4x5248xf32, #tpu.memory_space<hbm>>
      tpu.wait_dma2 semaphore(%run_scoped3A : memref<!tpu.dma_semaphore, #tpu.memory_space<semaphore_mem>>) src(%dma_wait3A_40 : memref<4x5248xf32, #tpu.memory_space<hbm>>) dst(%arg5 : memref<4x5248xf32, #tpu.memory_space<vmem>>)
      tpu.yield
    }) : () -> ()
    "tpu.region"() ({
      %run_scoped3A = tpu.sem_alloc : memref<!tpu.dma_semaphore, #tpu.memory_space<semaphore_mem>>
      %dma_start3A = tpu.memref_slice %arg3[%min3A_21] : memref<160000xi32, #tpu.memory_space<hbm>> -> memref<5248xi32, #tpu.memory_space<hbm>>
      %dma_start3A_35 = tpu.memref_slice %arg3[%min3A_21] : memref<160000xi32, #tpu.memory_space<hbm>> -> memref<5248xi32, #tpu.memory_space<hbm>>
      tpu.enqueue_dma source(%dma_start3A_35 : memref<5248xi32, #tpu.memory_space<hbm>>) target(%arg6 : memref<5248xi32, #tpu.memory_space<vmem>>) target_semaphore(%run_scoped3A : memref<!tpu.dma_semaphore, #tpu.memory_space<semaphore_mem>>)
      %dma_wait3A = tpu.memref_slice %arg3[%min3A_21] : memref<160000xi32, #tpu.memory_space<hbm>> -> memref<5248xi32, #tpu.memory_space<hbm>>
      %dma_wait3A_36 = tpu.memref_slice %arg3[%min3A_21] : memref<160000xi32, #tpu.memory_space<hbm>> -> memref<5248xi32, #tpu.memory_space<hbm>>
      tpu.wait_dma2 semaphore(%run_scoped3A : memref<!tpu.dma_semaphore, #tpu.memory_space<semaphore_mem>>) src(%dma_wait3A_36 : memref<5248xi32, #tpu.memory_space<hbm>>) dst(%arg6 : memref<5248xi32, #tpu.memory_space<vmem>>)
      tpu.yield
    }) : () -> ()
    %broadcast_in_dim3A = arith.constant 0.000000e+00 : f32
    %broadcast_in_dim3A_23 = vector.broadcast %broadcast_in_dim3A : f32 to vector<16xf32>
    %scan3A = arith.constant 0 : i32
    %scan3A_24 = arith.constant 0 : i32
    %scan3A_25 = arith.constant 2560 : i32
    %scan3A_26 = arith.addi %scan3A_24, %scan3A_25 : i32
    %scan3A_27 = arith.constant 1 : i32
    scf.for %scan3A_35 = %scan3A_24 to %scan3A_26 step %scan3A_27  : i32 {
      %jit3A_36 = arith.constant 640 : i32
      %div3A_37 = arith.divsi %scan3A_35, %jit3A_36 : i32
      %sign3A_38 = arith.constant 0 : i32
      %sign3A_39 = arith.cmpi sgt, %scan3A_35, %sign3A_38 : i32
      %sign3A_40 = arith.extui %sign3A_39 : i1 to i32
      %sign3A_41 = arith.constant 0 : i32
      %sign3A_42 = arith.cmpi slt, %scan3A_35, %sign3A_41 : i32
      %sign3A_43 = arith.extui %sign3A_42 : i1 to i32
      %sign3A_44 = arith.subi %sign3A_40, %sign3A_43 : i32
      %sign3A_45 = arith.constant 0 : i32
      %sign3A_46 = arith.cmpi sgt, %jit3A_36, %sign3A_45 : i32
      %sign3A_47 = arith.extui %sign3A_46 : i1 to i32
      %sign3A_48 = arith.constant 0 : i32
      %sign3A_49 = arith.cmpi slt, %jit3A_36, %sign3A_48 : i32
      %sign3A_50 = arith.extui %sign3A_49 : i1 to i32
      %sign3A_51 = arith.subi %sign3A_47, %sign3A_50 : i32
      %ne3A_52 = arith.cmpi ne, %sign3A_44, %sign3A_51 : i32
      %rem3A_53 = arith.remsi %scan3A_35, %jit3A_36 : i32
      %ne3A_54 = arith.constant 0 : i32
      %ne3A_55 = arith.cmpi ne, %rem3A_53, %ne3A_54 : i32
      %and3A_56 = arith.andi %ne3A_52, %ne3A_55 : i1
      %sub3A_57 = arith.constant 1 : i32
      %sub3A_58 = arith.subi %div3A_37, %sub3A_57 : i32
      %select_n3A_59 = arith.select %and3A_56, %sub3A_58, %div3A_37 : i32
      %jit3A_60 = arith.constant 640 : i32
      %eq3A = arith.constant 0 : i32
      %eq3A_61 = arith.cmpi eq, %jit3A_60, %eq3A : i32
      %jit3A_62 = arith.constant 1 : i32
      %select_n3A_63 = arith.select %eq3A_61, %jit3A_62, %jit3A_60 : i32
      %rem3A_64 = arith.remsi %scan3A_35, %select_n3A_63 : i32
      %ne3A_65 = arith.constant 0 : i32
      %ne3A_66 = arith.cmpi ne, %rem3A_64, %ne3A_65 : i32
      %lt3A = arith.constant 0 : i32
      %lt3A_67 = arith.cmpi slt, %rem3A_64, %lt3A : i32
      %lt3A_68 = arith.constant 0 : i32
      %lt3A_69 = arith.cmpi slt, %select_n3A_63, %lt3A_68 : i32
      %ne3A_70 = arith.xori %lt3A_67, %lt3A_69 : i1
      %and3A_71 = arith.andi %ne3A_70, %ne3A_66 : i1
      %add3A_72 = arith.addi %rem3A_64, %select_n3A_63 : i32
      %select_n3A_73 = arith.select %and3A_71, %add3A_72, %rem3A_64 : i32
      %mul3A_74 = arith.constant 16 : i32
      %mul3A_75 = arith.muli %select_n3A_73, %mul3A_74 : i32
      %swap3A = arith.index_cast %select_n3A_59 : i32 to index
      %swap3A_76 = arith.index_cast %mul3A_75 : i32 to index
      %swap3A_77 = tpu.vector_load %arg7[%swap3A, %swap3A_76] {strides = array<i32>} : memref<4x10240xf32, #tpu.memory_space<vmem>>, vector<16xf32>,
      tpu.vector_store %arg7[%swap3A, %swap3A_76], %broadcast_in_dim3A_23 {strides = array<i32>} : memref<4x10240xf32, #tpu.memory_space<vmem>>, vector<16xf32>,
    }
    %scan3A_28 = arith.constant 2560 : i32
    %iota3A = tpu.iota {dimensions = array<i32: 0>} : vector<16xi32>
    %scan3A_29 = arith.constant 0 : i32
    %scan3A_30 = arith.constant 0 : i32
    %scan3A_31 = arith.constant 328 : i32
    %scan3A_32 = arith.addi %scan3A_30, %scan3A_31 : i32
    %scan3A_33 = arith.constant 1 : i32
    scf.for %scan3A_35 = %scan3A_30 to %scan3A_32 step %scan3A_33  : i32 {
      %mul3A_36 = arith.constant 16 : i32
      %mul3A_37 = arith.muli %scan3A_35, %mul3A_36 : i32
      %add3A_38 = vector.broadcast %mul3A_37 : i32 to vector<16xi32>
      %add3A_39 = arith.addi %add3A_38, %iota3A : vector<16xi32>
      %ge3A = vector.broadcast %sub3A_22 : i32 to vector<16xi32>
      %ge3A_40 = arith.cmpi sge, %add3A_39, %ge3A : vector<16xi32>
      %add3A_41 = arith.constant 5000 : i32
      %add3A_42 = arith.addi %sub3A_22, %add3A_41 : i32
      %lt3A = vector.broadcast %add3A_42 : i32 to vector<16xi32>
      %lt3A_43 = arith.cmpi slt, %add3A_39, %lt3A : vector<16xi32>
      %and3A_44 = arith.andi %ge3A_40, %lt3A_43 : vector<16xi1>
      %mul3A_45 = arith.constant 16 : i32
      %mul3A_46 = arith.muli %scan3A_35, %mul3A_45 : i32
      %get3A = arith.index_cast %mul3A_46 : i32 to index
      %get3A_47 = tpu.vector_load %arg6[%get3A] {strides = array<i32>} : memref<5248xi32, #tpu.memory_space<vmem>>, vector<16xi32>,
      %mul3A_48 = arith.constant 16 : i32
      %mul3A_49 = arith.muli %scan3A_35, %mul3A_48 : i32
      %get3A_50 = arith.constant 0 : i32
      %get3A_51 = arith.index_cast %get3A_50 : i32 to index
      %get3A_52 = arith.index_cast %mul3A_49 : i32 to index
      %get3A_53 = tpu.vector_load %arg5[%get3A_51, %get3A_52] {strides = array<i32>} : memref<4x5248xf32, #tpu.memory_space<vmem>>, vector<16xf32>,
      %broadcast_in_dim3A_54 = arith.constant 0 : i32
      %broadcast_in_dim3A_55 = vector.broadcast %broadcast_in_dim3A_54 : i32 to vector<16xi32>
      tpu.vector_store_idx %arg7[%broadcast_in_dim3A_55, %get3A_47], %get3A_53 masked %and3A_44 {add = true} : memref<4x10240xf32, #tpu.memory_space<vmem>>[vector<16xi32>, vector<16xi32>], vector<16xf32>, vector<16xi1>
      %mul3A_56 = arith.constant 16 : i32
      %mul3A_57 = arith.muli %scan3A_35, %mul3A_56 : i32
      %get3A_58 = arith.constant 1 : i32
      %get3A_59 = arith.index_cast %get3A_58 : i32 to index
      %get3A_60 = arith.index_cast %mul3A_57 : i32 to index
      %get3A_61 = tpu.vector_load %arg5[%get3A_59, %get3A_60] {strides = array<i32>} : memref<4x5248xf32, #tpu.memory_space<vmem>>, vector<16xf32>,
      %broadcast_in_dim3A_62 = arith.constant 1 : i32
      %broadcast_in_dim3A_63 = vector.broadcast %broadcast_in_dim3A_62 : i32 to vector<16xi32>
      tpu.vector_store_idx %arg7[%broadcast_in_dim3A_63, %get3A_47], %get3A_61 masked %and3A_44 {add = true} : memref<4x10240xf32, #tpu.memory_space<vmem>>[vector<16xi32>, vector<16xi32>], vector<16xf32>, vector<16xi1>
      %mul3A_64 = arith.constant 16 : i32
      %mul3A_65 = arith.muli %scan3A_35, %mul3A_64 : i32
      %get3A_66 = arith.constant 2 : i32
      %get3A_67 = arith.index_cast %get3A_66 : i32 to index
      %get3A_68 = arith.index_cast %mul3A_65 : i32 to index
      %get3A_69 = tpu.vector_load %arg5[%get3A_67, %get3A_68] {strides = array<i32>} : memref<4x5248xf32, #tpu.memory_space<vmem>>, vector<16xf32>,
      %broadcast_in_dim3A_70 = arith.constant 2 : i32
      %broadcast_in_dim3A_71 = vector.broadcast %broadcast_in_dim3A_70 : i32 to vector<16xi32>
      tpu.vector_store_idx %arg7[%broadcast_in_dim3A_71, %get3A_47], %get3A_69 masked %and3A_44 {add = true} : memref<4x10240xf32, #tpu.memory_space<vmem>>[vector<16xi32>, vector<16xi32>], vector<16xf32>, vector<16xi1>
      %mul3A_72 = arith.constant 16 : i32
      %mul3A_73 = arith.muli %scan3A_35, %mul3A_72 : i32
      %get3A_74 = arith.constant 3 : i32
      %get3A_75 = arith.index_cast %get3A_74 : i32 to index
      %get3A_76 = arith.index_cast %mul3A_73 : i32 to index
      %get3A_77 = tpu.vector_load %arg5[%get3A_75, %get3A_76] {strides = array<i32>} : memref<4x5248xf32, #tpu.memory_space<vmem>>, vector<16xf32>,
      %broadcast_in_dim3A_78 = arith.constant 3 : i32
      %broadcast_in_dim3A_79 = vector.broadcast %broadcast_in_dim3A_78 : i32 to vector<16xi32>
      tpu.vector_store_idx %arg7[%broadcast_in_dim3A_79, %get3A_47], %get3A_77 masked %and3A_44 {add = true} : memref<4x10240xf32, #tpu.memory_space<vmem>>[vector<16xi32>, vector<16xi32>], vector<16xf32>, vector<16xi1>
    }
    %scan3A_34 = arith.constant 328 : i32
    "tpu.region"() ({
      %run_scoped3A = tpu.sem_alloc : memref<!tpu.dma_semaphore, #tpu.memory_space<semaphore_mem>>
      %dma_start3A = arith.constant 0 : i32
      %dma_start3A_35 = arith.constant 0 : i32
      %dma_start3A_36 = tpu.memref_slice %arg4[%add3A, %dma_start3A, %dma_start3A_35] : memref<32x4x10240xf32, #tpu.memory_space<hbm>> -> memref<1x4x10240xf32, #tpu.memory_space<hbm>>
      %dma_start3A_37 = tpu.memref_squeeze %dma_start3A_36 : memref<1x4x10240xf32, #tpu.memory_space<hbm>> -> memref<4x10240xf32, #tpu.memory_space<hbm>>
      %dma_start3A_38 = arith.constant 0 : i32
      %dma_start3A_39 = arith.constant 0 : i32
      %dma_start3A_40 = tpu.memref_slice %arg4[%add3A, %dma_start3A_38, %dma_start3A_39] : memref<32x4x10240xf32, #tpu.memory_space<hbm>> -> memref<1x4x10240xf32, #tpu.memory_space<hbm>>
      %dma_start3A_41 = tpu.memref_squeeze %dma_start3A_40 : memref<1x4x10240xf32, #tpu.memory_space<hbm>> -> memref<4x10240xf32, #tpu.memory_space<hbm>>
      tpu.enqueue_dma source(%arg7 : memref<4x10240xf32, #tpu.memory_space<vmem>>) target(%dma_start3A_41 : memref<4x10240xf32, #tpu.memory_space<hbm>>) target_semaphore(%run_scoped3A : memref<!tpu.dma_semaphore, #tpu.memory_space<semaphore_mem>>)
      %dma_wait3A = arith.constant 0 : i32
      %dma_wait3A_42 = arith.constant 0 : i32
      %dma_wait3A_43 = tpu.memref_slice %arg4[%add3A, %dma_wait3A, %dma_wait3A_42] : memref<32x4x10240xf32, #tpu.memory_space<hbm>> -> memref<1x4x10240xf32, #tpu.memory_space<hbm>>
      %dma_wait3A_44 = tpu.memref_squeeze %dma_wait3A_43 : memref<1x4x10240xf32, #tpu.memory_space<hbm>> -> memref<4x10240xf32, #tpu.memory_space<hbm>>
      %dma_wait3A_45 = arith.constant 0 : i32
      %dma_wait3A_46 = arith.constant 0 : i32
      %dma_wait3A_47 = tpu.memref_slice %arg4[%add3A, %dma_wait3A_45, %dma_wait3A_46] : memref<32x4x10240xf32, #tpu.memory_space<hbm>> -> memref<1x4x10240xf32, #tpu.memory_space<hbm>>
      %dma_wait3A_48 = tpu.memref_squeeze %dma_wait3A_47 : memref<1x4x10240xf32, #tpu.memory_space<hbm>> -> memref<4x10240xf32, #tpu.memory_space<hbm>>
      tpu.wait_dma2 semaphore(%run_scoped3A : memref<!tpu.dma_semaphore, #tpu.memory_space<semaphore_mem>>) src(%arg7 : memref<4x10240xf32, #tpu.memory_space<vmem>>) dst(%dma_wait3A_48 : memref<4x10240xf32, #tpu.memory_space<hbm>>)
      tpu.yield
    }) : () -> ()
    return
  }
}

#map = affine_map<(d0, d1) -> (0, 0)>
#map1 = affine_map<(d0, d1) -> (0)>
#map2 = affine_map<(d0, d1) -> (0, 0, 0)>
module attributes {stable_mosaic.version = 14 : i64} {
  func.func @body(%arg0: i32, %arg1: i32, %arg2: memref<4x160000xf32, #tpu.memory_space<hbm>>, %arg3: memref<160000xi32, #tpu.memory_space<hbm>>, %arg4: memref<32x4x10240xf32, #tpu.memory_space<hbm>>, %arg5: memref<4x5248xf32, #tpu.memory_space<vmem>>, %arg6: memref<5248xi32, #tpu.memory_space<vmem>>, %arg7: memref<4x10240xf32, #tpu.memory_space<vmem>>) attributes {dimension_semantics = [#tpu.dimension_semantics<core_parallel>, #tpu.dimension_semantics<subcore_parallel>], iteration_bounds = array<i64: 2, 16>, scalar_prefetch = 0 : i64, scratch_operands = 3 : i64, tpu.core_type = #tpu.core_type<sc_vector_subcore>, window_params = [{transform_indices = #map}, {transform_indices = #map1}, {transform_indices = #map2}]} {
    %mul3A = arith.constant 2 : i32
    %mul3A_0 = arith.muli %arg1, %mul3A : i32
    %add3A = arith.addi %mul3A_0, %arg0 : i32
    %mul3A_1 = arith.constant 5000 : i32
    %mul3A_2 = arith.muli %add3A, %mul3A_1 : i32
    %jit3A = arith.constant 128 : i32
    %div3A = arith.divsi %mul3A_2, %jit3A : i32
    %sign3A = arith.constant 0 : i32
    %sign3A_3 = arith.cmpi sgt, %mul3A_2, %sign3A : i32
    %sign3A_4 = arith.extui %sign3A_3 : i1 to i32
    %sign3A_5 = arith.constant 0 : i32
    %sign3A_6 = arith.cmpi slt, %mul3A_2, %sign3A_5 : i32
    %sign3A_7 = arith.extui %sign3A_6 : i1 to i32
    %sign3A_8 = arith.subi %sign3A_4, %sign3A_7 : i32
    %sign3A_9 = arith.constant 0 : i32
    %sign3A_10 = arith.cmpi sgt, %jit3A, %sign3A_9 : i32
    %sign3A_11 = arith.extui %sign3A_10 : i1 to i32
    %sign3A_12 = arith.constant 0 : i32
    %sign3A_13 = arith.cmpi slt, %jit3A, %sign3A_12 : i32
    %sign3A_14 = arith.extui %sign3A_13 : i1 to i32
    %sign3A_15 = arith.subi %sign3A_11, %sign3A_14 : i32
    %ne3A = arith.cmpi ne, %sign3A_8, %sign3A_15 : i32
    %rem3A = arith.remsi %mul3A_2, %jit3A : i32
    %ne3A_16 = arith.constant 0 : i32
    %ne3A_17 = arith.cmpi ne, %rem3A, %ne3A_16 : i32
    %and3A = arith.andi %ne3A, %ne3A_17 : i1
    %sub3A = arith.constant 1 : i32
    %sub3A_18 = arith.subi %div3A, %sub3A : i32
    %select_n3A = arith.select %and3A, %sub3A_18, %div3A : i32
    %mul3A_19 = arith.constant 128 : i32
    %mul3A_20 = arith.muli %select_n3A, %mul3A_19 : i32
    %min3A = arith.constant 154752 : i32
    %min3A_21 = arith.minsi %mul3A_20, %min3A : i32
    %sub3A_22 = arith.subi %mul3A_2, %min3A_21 : i32
    "tpu.region"() ({
      %run_scoped3A = tpu.sem_alloc : memref<!tpu.dma_semaphore, #tpu.memory_space<semaphore_mem>>
      %dma_start3A = arith.constant 0 : i32
      %dma_start3A_35 = tpu.memref_slice %arg2[%dma_start3A, %min3A_21] : memref<4x160000xf32, #tpu.memory_space<hbm>> -> memref<4x5248xf32, #tpu.memory_space<hbm>>
      %dma_start3A_36 = arith.constant 0 : i32
      %dma_start3A_37 = tpu.memref_slice %arg2[%dma_start3A_36, %min3A_21] : memref<4x160000xf32, #tpu.memory_space<hbm>> -> memref<4x5248xf32, #tpu.memory_space<hbm>>
      tpu.enqueue_dma source(%dma_start3A_37 : memref<4x5248xf32, #tpu.memory_space<hbm>>) target(%arg5 : memref<4x5248xf32, #tpu.memory_space<vmem>>) target_semaphore(%run_scoped3A : memref<!tpu.dma_semaphore, #tpu.memory_space<semaphore_mem>>)
      %dma_wait3A = arith.constant 0 : i32
      %dma_wait3A_38 = tpu.memref_slice %arg2[%dma_wait3A, %min3A_21] : memref<4x160000xf32, #tpu.memory_space<hbm>> -> memref<4x5248xf32, #tpu.memory_space<hbm>>
      %dma_wait3A_39 = arith.constant 0 : i32
      %dma_wait3A_40 = tpu.memref_slice %arg2[%dma_wait3A_39, %min3A_21] : memref<4x160000xf32, #tpu.memory_space<hbm>> -> memref<4x5248xf32, #tpu.memory_space<hbm>>
      tpu.wait_dma2 semaphore(%run_scoped3A : memref<!tpu.dma_semaphore, #tpu.memory_space<semaphore_mem>>) src(%dma_wait3A_40 : memref<4x5248xf32, #tpu.memory_space<hbm>>) dst(%arg5 : memref<4x5248xf32, #tpu.memory_space<vmem>>)
      tpu.yield
    }) : () -> ()
    "tpu.region"() ({
      %run_scoped3A = tpu.sem_alloc : memref<!tpu.dma_semaphore, #tpu.memory_space<semaphore_mem>>
      %dma_start3A = tpu.memref_slice %arg3[%min3A_21] : memref<160000xi32, #tpu.memory_space<hbm>> -> memref<5248xi32, #tpu.memory_space<hbm>>
      %dma_start3A_35 = tpu.memref_slice %arg3[%min3A_21] : memref<160000xi32, #tpu.memory_space<hbm>> -> memref<5248xi32, #tpu.memory_space<hbm>>
      tpu.enqueue_dma source(%dma_start3A_35 : memref<5248xi32, #tpu.memory_space<hbm>>) target(%arg6 : memref<5248xi32, #tpu.memory_space<vmem>>) target_semaphore(%run_scoped3A : memref<!tpu.dma_semaphore, #tpu.memory_space<semaphore_mem>>)
      %dma_wait3A = tpu.memref_slice %arg3[%min3A_21] : memref<160000xi32, #tpu.memory_space<hbm>> -> memref<5248xi32, #tpu.memory_space<hbm>>
      %dma_wait3A_36 = tpu.memref_slice %arg3[%min3A_21] : memref<160000xi32, #tpu.memory_space<hbm>> -> memref<5248xi32, #tpu.memory_space<hbm>>
      tpu.wait_dma2 semaphore(%run_scoped3A : memref<!tpu.dma_semaphore, #tpu.memory_space<semaphore_mem>>) src(%dma_wait3A_36 : memref<5248xi32, #tpu.memory_space<hbm>>) dst(%arg6 : memref<5248xi32, #tpu.memory_space<vmem>>)
      tpu.yield
    }) : () -> ()
    %broadcast_in_dim3A = arith.constant 0.000000e+00 : f32
    %broadcast_in_dim3A_23 = vector.broadcast %broadcast_in_dim3A : f32 to vector<16xf32>
    %scan3A = arith.constant 0 : i32
    %scan3A_24 = arith.constant 0 : i32
    %scan3A_25 = arith.constant 2560 : i32
    %scan3A_26 = arith.addi %scan3A_24, %scan3A_25 : i32
    %scan3A_27 = arith.constant 1 : i32
    scf.for %scan3A_35 = %scan3A_24 to %scan3A_26 step %scan3A_27  : i32 {
      %jit3A_36 = arith.constant 640 : i32
      %div3A_37 = arith.divsi %scan3A_35, %jit3A_36 : i32
      %sign3A_38 = arith.constant 0 : i32
      %sign3A_39 = arith.cmpi sgt, %scan3A_35, %sign3A_38 : i32
      %sign3A_40 = arith.extui %sign3A_39 : i1 to i32
      %sign3A_41 = arith.constant 0 : i32
      %sign3A_42 = arith.cmpi slt, %scan3A_35, %sign3A_41 : i32
      %sign3A_43 = arith.extui %sign3A_42 : i1 to i32
      %sign3A_44 = arith.subi %sign3A_40, %sign3A_43 : i32
      %sign3A_45 = arith.constant 0 : i32
      %sign3A_46 = arith.cmpi sgt, %jit3A_36, %sign3A_45 : i32
      %sign3A_47 = arith.extui %sign3A_46 : i1 to i32
      %sign3A_48 = arith.constant 0 : i32
      %sign3A_49 = arith.cmpi slt, %jit3A_36, %sign3A_48 : i32
      %sign3A_50 = arith.extui %sign3A_49 : i1 to i32
      %sign3A_51 = arith.subi %sign3A_47, %sign3A_50 : i32
      %ne3A_52 = arith.cmpi ne, %sign3A_44, %sign3A_51 : i32
      %rem3A_53 = arith.remsi %scan3A_35, %jit3A_36 : i32
      %ne3A_54 = arith.constant 0 : i32
      %ne3A_55 = arith.cmpi ne, %rem3A_53, %ne3A_54 : i32
      %and3A_56 = arith.andi %ne3A_52, %ne3A_55 : i1
      %sub3A_57 = arith.constant 1 : i32
      %sub3A_58 = arith.subi %div3A_37, %sub3A_57 : i32
      %select_n3A_59 = arith.select %and3A_56, %sub3A_58, %div3A_37 : i32
      %jit3A_60 = arith.constant 640 : i32
      %eq3A = arith.constant 0 : i32
      %eq3A_61 = arith.cmpi eq, %jit3A_60, %eq3A : i32
      %jit3A_62 = arith.constant 1 : i32
      %select_n3A_63 = arith.select %eq3A_61, %jit3A_62, %jit3A_60 : i32
      %rem3A_64 = arith.remsi %scan3A_35, %select_n3A_63 : i32
      %ne3A_65 = arith.constant 0 : i32
      %ne3A_66 = arith.cmpi ne, %rem3A_64, %ne3A_65 : i32
      %lt3A = arith.constant 0 : i32
      %lt3A_67 = arith.cmpi slt, %rem3A_64, %lt3A : i32
      %lt3A_68 = arith.constant 0 : i32
      %lt3A_69 = arith.cmpi slt, %select_n3A_63, %lt3A_68 : i32
      %ne3A_70 = arith.xori %lt3A_67, %lt3A_69 : i1
      %and3A_71 = arith.andi %ne3A_70, %ne3A_66 : i1
      %add3A_72 = arith.addi %rem3A_64, %select_n3A_63 : i32
      %select_n3A_73 = arith.select %and3A_71, %add3A_72, %rem3A_64 : i32
      %mul3A_74 = arith.constant 16 : i32
      %mul3A_75 = arith.muli %select_n3A_73, %mul3A_74 : i32
      %swap3A = arith.index_cast %select_n3A_59 : i32 to index
      %swap3A_76 = arith.index_cast %mul3A_75 : i32 to index
      %swap3A_77 = tpu.vector_load %arg7[%swap3A, %swap3A_76] {strides = array<i32>} : memref<4x10240xf32, #tpu.memory_space<vmem>>, vector<16xf32>,
      tpu.vector_store %arg7[%swap3A, %swap3A_76], %broadcast_in_dim3A_23 {strides = array<i32>} : memref<4x10240xf32, #tpu.memory_space<vmem>>, vector<16xf32>,
    }
    %scan3A_28 = arith.constant 2560 : i32
    %iota3A = tpu.iota {dimensions = array<i32: 0>} : vector<16xi32>
    %scan3A_29 = arith.constant 0 : i32
    %scan3A_30 = arith.constant 0 : i32
    %scan3A_31 = arith.constant 328 : i32
    %scan3A_32 = arith.addi %scan3A_30, %scan3A_31 : i32
    %scan3A_33 = arith.constant 1 : i32
    scf.for %scan3A_35 = %scan3A_30 to %scan3A_32 step %scan3A_33  : i32 {
      %mul3A_36 = arith.constant 16 : i32
      %mul3A_37 = arith.muli %scan3A_35, %mul3A_36 : i32
      %add3A_38 = vector.broadcast %mul3A_37 : i32 to vector<16xi32>
      %add3A_39 = arith.addi %add3A_38, %iota3A : vector<16xi32>
      %ge3A = vector.broadcast %sub3A_22 : i32 to vector<16xi32>
      %ge3A_40 = arith.cmpi sge, %add3A_39, %ge3A : vector<16xi32>
      %add3A_41 = arith.constant 5000 : i32
      %add3A_42 = arith.addi %sub3A_22, %add3A_41 : i32
      %lt3A = vector.broadcast %add3A_42 : i32 to vector<16xi32>
      %lt3A_43 = arith.cmpi slt, %add3A_39, %lt3A : vector<16xi32>
      %and3A_44 = arith.andi %ge3A_40, %lt3A_43 : vector<16xi1>
      %mul3A_45 = arith.constant 16 : i32
      %mul3A_46 = arith.muli %scan3A_35, %mul3A_45 : i32
      %get3A = arith.index_cast %mul3A_46 : i32 to index
      %get3A_47 = tpu.vector_load %arg6[%get3A] {strides = array<i32>} : memref<5248xi32, #tpu.memory_space<vmem>>, vector<16xi32>,
      %mul3A_48 = arith.constant 16 : i32
      %mul3A_49 = arith.muli %scan3A_35, %mul3A_48 : i32
      %get3A_50 = arith.constant 0 : i32
      %get3A_51 = arith.index_cast %get3A_50 : i32 to index
      %get3A_52 = arith.index_cast %mul3A_49 : i32 to index
      %get3A_53 = tpu.vector_load %arg5[%get3A_51, %get3A_52] {strides = array<i32>} : memref<4x5248xf32, #tpu.memory_space<vmem>>, vector<16xf32>,
      %broadcast_in_dim3A_54 = arith.constant 0 : i32
      %broadcast_in_dim3A_55 = vector.broadcast %broadcast_in_dim3A_54 : i32 to vector<16xi32>
      tpu.vector_store_idx %arg7[%broadcast_in_dim3A_55, %get3A_47], %get3A_53 masked %and3A_44 {add = true} : memref<4x10240xf32, #tpu.memory_space<vmem>>[vector<16xi32>, vector<16xi32>], vector<16xf32>, vector<16xi1>
      %mul3A_56 = arith.constant 16 : i32
      %mul3A_57 = arith.muli %scan3A_35, %mul3A_56 : i32
      %get3A_58 = arith.constant 1 : i32
      %get3A_59 = arith.index_cast %get3A_58 : i32 to index
      %get3A_60 = arith.index_cast %mul3A_57 : i32 to index
      %get3A_61 = tpu.vector_load %arg5[%get3A_59, %get3A_60] {strides = array<i32>} : memref<4x5248xf32, #tpu.memory_space<vmem>>, vector<16xf32>,
      %broadcast_in_dim3A_62 = arith.constant 1 : i32
      %broadcast_in_dim3A_63 = vector.broadcast %broadcast_in_dim3A_62 : i32 to vector<16xi32>
      tpu.vector_store_idx %arg7[%broadcast_in_dim3A_63, %get3A_47], %get3A_61 masked %and3A_44 {add = true} : memref<4x10240xf32, #tpu.memory_space<vmem>>[vector<16xi32>, vector<16xi32>], vector<16xf32>, vector<16xi1>
      %mul3A_64 = arith.constant 16 : i32
      %mul3A_65 = arith.muli %scan3A_35, %mul3A_64 : i32
      %get3A_66 = arith.constant 2 : i32
      %get3A_67 = arith.index_cast %get3A_66 : i32 to index
      %get3A_68 = arith.index_cast %mul3A_65 : i32 to index
      %get3A_69 = tpu.vector_load %arg5[%get3A_67, %get3A_68] {strides = array<i32>} : memref<4x5248xf32, #tpu.memory_space<vmem>>, vector<16xf32>,
      %broadcast_in_dim3A_70 = arith.constant 2 : i32
      %broadcast_in_dim3A_71 = vector.broadcast %broadcast_in_dim3A_70 : i32 to vector<16xi32>
      tpu.vector_store_idx %arg7[%broadcast_in_dim3A_71, %get3A_47], %get3A_69 masked %and3A_44 {add = true} : memref<4x10240xf32, #tpu.memory_space<vmem>>[vector<16xi32>, vector<16xi32>], vector<16xf32>, vector<16xi1>
      %mul3A_72 = arith.constant 16 : i32
      %mul3A_73 = arith.muli %scan3A_35, %mul3A_72 : i32
      %get3A_74 = arith.constant 3 : i32
      %get3A_75 = arith.index_cast %get3A_74 : i32 to index
      %get3A_76 = arith.index_cast %mul3A_73 : i32 to index
      %get3A_77 = tpu.vector_load %arg5[%get3A_75, %get3A_76] {strides = array<i32>} : memref<4x5248xf32, #tpu.memory_space<vmem>>, vector<16xf32>,
      %broadcast_in_dim3A_78 = arith.constant 3 : i32
      %broadcast_in_dim3A_79 = vector.broadcast %broadcast_in_dim3A_78 : i32 to vector<16xi32>
      tpu.vector_store_idx %arg7[%broadcast_in_dim3A_79, %get3A_47], %get3A_77 masked %and3A_44 {add = true} : memref<4x10240xf32, #tpu.memory_space<vmem>>[vector<16xi32>, vector<16xi32>], vector<16xf32>, vector<16xi1>
    }
    %scan3A_34 = arith.constant 328 : i32
    "tpu.region"() ({
      %run_scoped3A = tpu.sem_alloc : memref<!tpu.dma_semaphore, #tpu.memory_space<semaphore_mem>>
      %dma_start3A = arith.constant 0 : i32
      %dma_start3A_35 = arith.constant 0 : i32
      %dma_start3A_36 = tpu.memref_slice %arg4[%add3A, %dma_start3A, %dma_start3A_35] : memref<32x4x10240xf32, #tpu.memory_space<hbm>> -> memref<1x4x10240xf32, #tpu.memory_space<hbm>>
      %dma_start3A_37 = tpu.memref_squeeze %dma_start3A_36 : memref<1x4x10240xf32, #tpu.memory_space<hbm>> -> memref<4x10240xf32, #tpu.memory_space<hbm>>
      %dma_start3A_38 = arith.constant 0 : i32
      %dma_start3A_39 = arith.constant 0 : i32
      %dma_start3A_40 = tpu.memref_slice %arg4[%add3A, %dma_start3A_38, %dma_start3A_39] : memref<32x4x10240xf32, #tpu.memory_space<hbm>> -> memref<1x4x10240xf32, #tpu.memory_space<hbm>>
      %dma_start3A_41 = tpu.memref_squeeze %dma_start3A_40 : memref<1x4x10240xf32, #tpu.memory_space<hbm>> -> memref<4x10240xf32, #tpu.memory_space<hbm>>
      tpu.enqueue_dma source(%arg7 : memref<4x10240xf32, #tpu.memory_space<vmem>>) target(%dma_start3A_41 : memref<4x10240xf32, #tpu.memory_space<hbm>>) target_semaphore(%run_scoped3A : memref<!tpu.dma_semaphore, #tpu.memory_space<semaphore_mem>>)
      %dma_wait3A = arith.constant 0 : i32
      %dma_wait3A_42 = arith.constant 0 : i32
      %dma_wait3A_43 = tpu.memref_slice %arg4[%add3A, %dma_wait3A, %dma_wait3A_42] : memref<32x4x10240xf32, #tpu.memory_space<hbm>> -> memref<1x4x10240xf32, #tpu.memory_space<hbm>>
      %dma_wait3A_44 = tpu.memref_squeeze %dma_wait3A_43 : memref<1x4x10240xf32, #tpu.memory_space<hbm>> -> memref<4x10240xf32, #tpu.memory_space<hbm>>
      %dma_wait3A_45 = arith.constant 0 : i32
      %dma_wait3A_46 = arith.constant 0 : i32
      %dma_wait3A_47 = tpu.memref_slice %arg4[%add3A, %dma_wait3A_45, %dma_wait3A_46] : memref<32x4x10240xf32, #tpu.memory_space<hbm>> -> memref<1x4x10240xf32, #tpu.memory_space<hbm>>
      %dma_wait3A_48 = tpu.memref_squeeze %dma_wait3A_47 : memref<1x4x10240xf32, #tpu.memory_space<hbm>> -> memref<4x10240xf32, #tpu.memory_space<hbm>>
      tpu.wait_dma2 semaphore(%run_scoped3A : memref<!tpu.dma_semaphore, #tpu.memory_space<semaphore_mem>>) src(%arg7 : memref<4x10240xf32, #tpu.memory_space<vmem>>) dst(%dma_wait3A_48 : memref<4x10240xf32, #tpu.memory_space<hbm>>)
      tpu.yield
    }) : () -> ()
    return
  }
}

module attributes {stable_mosaic.version = 14 : i64} {
  func.func @_edge_body(%arg0: i32, %arg1: memref<16x1280xf32, #tpu.memory_space<vmem>>, %arg2: memref<1280x128xf32, #tpu.memory_space<vmem>>, %arg3: memref<1280x128xf32, #tpu.memory_space<vmem>>, %arg4: memref<1x1280xf32, #tpu.memory_space<vmem>>, %arg5: memref<1x1280xf32, #tpu.memory_space<vmem>>, %arg6: memref<16x128xbf16, #tpu.memory_space<vmem>>, %arg7: memref<128x128xbf16, #tpu.memory_space<vmem>>, %arg8: memref<128x128xbf16, #tpu.memory_space<vmem>>, %arg9: memref<16x128xbf16, #tpu.memory_space<vmem>>, %arg10: memref<128x128xbf16, #tpu.memory_space<vmem>>, %arg11: memref<128x128xbf16, #tpu.memory_space<vmem>>, %arg12: memref<128x512xbf16, #tpu.memory_space<vmem>>, %arg13: memref<4x1280xf32, #tpu.memory_space<vmem>>, %arg14: memref<1280x128xf32, #tpu.memory_space<vmem>>) attributes {dimension_semantics = [#tpu.dimension_semantics<arbitrary>], iteration_bounds = array<i64: 125>, scalar_prefetch = 0 : i64, scratch_operands = 0 : i64, tpu.core_type = #tpu.core_type<tc>, window_params = [{transform_indices = @transform_0, window_bounds = array<i64: 16, 1280>}, {transform_indices = @transform_1, window_bounds = array<i64: 1280, 128>}, {transform_indices = @transform_2, window_bounds = array<i64: 1280, 128>}, {transform_indices = @transform_3, window_bounds = array<i64: 1, 1280>}, {transform_indices = @transform_4, window_bounds = array<i64: 1, 1280>}, {pipeline_mode = #tpu.pipeline_mode<synchronous>, transform_indices = @transform_5, window_bounds = array<i64: 16, 128>}, {pipeline_mode = #tpu.pipeline_mode<synchronous>, transform_indices = @transform_6, window_bounds = array<i64: 128, 128>}, {pipeline_mode = #tpu.pipeline_mode<synchronous>, transform_indices = @transform_7, window_bounds = array<i64: 128, 128>}, {pipeline_mode = #tpu.pipeline_mode<synchronous>, transform_indices = @transform_8, window_bounds = array<i64: 16, 128>}, {pipeline_mode = #tpu.pipeline_mode<synchronous>, transform_indices = @transform_9, window_bounds = array<i64: 128, 128>}, {pipeline_mode = #tpu.pipeline_mode<synchronous>, transform_indices = @transform_10, window_bounds = array<i64: 128, 128>}, {pipeline_mode = #tpu.pipeline_mode<synchronous>, transform_indices = @transform_11, window_bounds = array<i64: 128, 512>}, {transform_indices = @transform_12, window_bounds = array<i64: 4, 1280>}, {transform_indices = @transform_13, window_bounds = array<i64: 1280, 128>}]} {
    %get3A = arith.constant 0 : index
    %get3A_0 = arith.constant 0 : index
    %get3A_1 = vector.load %arg1[%get3A, %get3A_0] : memref<16x1280xf32, #tpu.memory_space<vmem>>, vector<16x1280xf32>
    %convert_element_type3A = arith.truncf %get3A_1 : vector<16x1280xf32> to vector<16x1280xbf16>
    %get3A_2 = arith.constant 0 : index
    %get3A_3 = arith.constant 0 : index
    %get3A_4 = vector.load %arg6[%get3A_2, %get3A_3] : memref<16x128xbf16, #tpu.memory_space<vmem>>, vector<16x128xbf16>
    %dot_general3A = arith.constant dense<0.000000e+00> : vector<1280x128xf32>
    %dot_general3A_5 = tpu.matmul %convert_element_type3A, %get3A_4, %dot_general3A {dimension_numbers = #tpu.dot_dimension_numbers<[0], [0], [1], [1], [0, 1, 1, 1], [], []>, transpose_lhs_hint = false} : vector<16x1280xbf16>, vector<16x128xbf16>, vector<1280x128xf32> -> vector<1280x128xf32>
    %mul3A = arith.constant 2.500000e-01 : f32
    %mul3A_6 = vector.broadcast %mul3A : f32 to vector<1280x128xf32>
    %mul3A_7 = arith.mulf %dot_general3A_5, %mul3A_6 : vector<1280x128xf32>
    %integer_pow3A = arith.mulf %mul3A_7, %mul3A_7 : vector<1280x128xf32>
    %integer_pow3A_8 = arith.mulf %mul3A_7, %integer_pow3A : vector<1280x128xf32>
    %mul3A_9 = arith.constant 4.471500e-02 : f32
    %mul3A_10 = vector.broadcast %mul3A_9 : f32 to vector<1280x128xf32>
    %mul3A_11 = arith.mulf %mul3A_10, %integer_pow3A_8 : vector<1280x128xf32>
    %add3A = arith.addf %mul3A_7, %mul3A_11 : vector<1280x128xf32>
    %mul3A_12 = arith.constant 0.797884583 : f32
    %mul3A_13 = vector.broadcast %mul3A_12 : f32 to vector<1280x128xf32>
    %mul3A_14 = arith.mulf %mul3A_13, %add3A : vector<1280x128xf32>
    %tanh3A = math.tanh %mul3A_14 : vector<1280x128xf32>
    %add3A_15 = arith.constant 1.000000e+00 : f32
    %add3A_16 = vector.broadcast %add3A_15 : f32 to vector<1280x128xf32>
    %add3A_17 = arith.addf %add3A_16, %tanh3A : vector<1280x128xf32>
    %mul3A_18 = arith.constant 5.000000e-01 : f32
    %mul3A_19 = vector.broadcast %mul3A_18 : f32 to vector<1280x128xf32>
    %mul3A_20 = arith.mulf %mul3A_19, %add3A_17 : vector<1280x128xf32>
    %mul3A_21 = arith.mulf %mul3A_7, %mul3A_20 : vector<1280x128xf32>
    %convert_element_type3A_22 = arith.truncf %mul3A_21 : vector<1280x128xf32> to vector<1280x128xbf16>
    %get3A_23 = arith.constant 0 : index
    %get3A_24 = arith.constant 0 : index
    %get3A_25 = vector.load %arg7[%get3A_23, %get3A_24] : memref<128x128xbf16, #tpu.memory_space<vmem>>, vector<128x128xbf16>
    %dot_general3A_26 = arith.constant dense<0.000000e+00> : vector<1280x128xf32>
    %dot_general3A_27 = tpu.matmul %convert_element_type3A_22, %get3A_25, %dot_general3A_26 {dimension_numbers = #tpu.dot_dimension_numbers<[1], [0], [0], [1], [0, 0, 1, 1], [], []>, transpose_lhs_hint = false} : vector<1280x128xbf16>, vector<128x128xbf16>, vector<1280x128xf32> -> vector<1280x128xf32>
    %mul3A_28 = arith.constant 0.0883883461 : f32
    %mul3A_29 = vector.broadcast %mul3A_28 : f32 to vector<1280x128xf32>
    %mul3A_30 = arith.mulf %dot_general3A_27, %mul3A_29 : vector<1280x128xf32>
    %integer_pow3A_31 = arith.mulf %mul3A_30, %mul3A_30 : vector<1280x128xf32>
    %integer_pow3A_32 = arith.mulf %mul3A_30, %integer_pow3A_31 : vector<1280x128xf32>
    %mul3A_33 = arith.constant 4.471500e-02 : f32
    %mul3A_34 = vector.broadcast %mul3A_33 : f32 to vector<1280x128xf32>
    %mul3A_35 = arith.mulf %mul3A_34, %integer_pow3A_32 : vector<1280x128xf32>
    %add3A_36 = arith.addf %mul3A_30, %mul3A_35 : vector<1280x128xf32>
    %mul3A_37 = arith.constant 0.797884583 : f32
    %mul3A_38 = vector.broadcast %mul3A_37 : f32 to vector<1280x128xf32>
    %mul3A_39 = arith.mulf %mul3A_38, %add3A_36 : vector<1280x128xf32>
    %tanh3A_40 = math.tanh %mul3A_39 : vector<1280x128xf32>
    %add3A_41 = arith.constant 1.000000e+00 : f32
    %add3A_42 = vector.broadcast %add3A_41 : f32 to vector<1280x128xf32>
    %add3A_43 = arith.addf %add3A_42, %tanh3A_40 : vector<1280x128xf32>
    %mul3A_44 = arith.constant 5.000000e-01 : f32
    %mul3A_45 = vector.broadcast %mul3A_44 : f32 to vector<1280x128xf32>
    %mul3A_46 = arith.mulf %mul3A_45, %add3A_43 : vector<1280x128xf32>
    %mul3A_47 = arith.mulf %mul3A_30, %mul3A_46 : vector<1280x128xf32>
    %convert_element_type3A_48 = arith.truncf %mul3A_47 : vector<1280x128xf32> to vector<1280x128xbf16>
    %get3A_49 = arith.constant 0 : index
    %get3A_50 = arith.constant 0 : index
    %get3A_51 = vector.load %arg8[%get3A_49, %get3A_50] : memref<128x128xbf16, #tpu.memory_space<vmem>>, vector<128x128xbf16>
    %dot_general3A_52 = arith.constant dense<0.000000e+00> : vector<1280x128xf32>
    %dot_general3A_53 = tpu.matmul %convert_element_type3A_48, %get3A_51, %dot_general3A_52 {dimension_numbers = #tpu.dot_dimension_numbers<[1], [0], [0], [1], [0, 0, 1, 1], [], []>, transpose_lhs_hint = false} : vector<1280x128xbf16>, vector<128x128xbf16>, vector<1280x128xf32> -> vector<1280x128xf32>
    %mul3A_54 = arith.constant 0.0883883461 : f32
    %mul3A_55 = vector.broadcast %mul3A_54 : f32 to vector<1280x128xf32>
    %mul3A_56 = arith.mulf %dot_general3A_53, %mul3A_55 : vector<1280x128xf32>
    %get3A_57 = arith.constant 0 : index
    %get3A_58 = arith.constant 0 : index
    %get3A_59 = vector.load %arg9[%get3A_57, %get3A_58] : memref<16x128xbf16, #tpu.memory_space<vmem>>, vector<16x128xbf16>
    %dot_general3A_60 = arith.constant dense<0.000000e+00> : vector<1280x128xf32>
    %dot_general3A_61 = tpu.matmul %convert_element_type3A, %get3A_59, %dot_general3A_60 {dimension_numbers = #tpu.dot_dimension_numbers<[0], [0], [1], [1], [0, 1, 1, 1], [], []>, transpose_lhs_hint = false} : vector<16x1280xbf16>, vector<16x128xbf16>, vector<1280x128xf32> -> vector<1280x128xf32>
    %mul3A_62 = arith.constant 2.500000e-01 : f32
    %mul3A_63 = vector.broadcast %mul3A_62 : f32 to vector<1280x128xf32>
    %mul3A_64 = arith.mulf %dot_general3A_61, %mul3A_63 : vector<1280x128xf32>
    %integer_pow3A_65 = arith.mulf %mul3A_64, %mul3A_64 : vector<1280x128xf32>
    %integer_pow3A_66 = arith.mulf %mul3A_64, %integer_pow3A_65 : vector<1280x128xf32>
    %mul3A_67 = arith.constant 4.471500e-02 : f32
    %mul3A_68 = vector.broadcast %mul3A_67 : f32 to vector<1280x128xf32>
    %mul3A_69 = arith.mulf %mul3A_68, %integer_pow3A_66 : vector<1280x128xf32>
    %add3A_70 = arith.addf %mul3A_64, %mul3A_69 : vector<1280x128xf32>
    %mul3A_71 = arith.constant 0.797884583 : f32
    %mul3A_72 = vector.broadcast %mul3A_71 : f32 to vector<1280x128xf32>
    %mul3A_73 = arith.mulf %mul3A_72, %add3A_70 : vector<1280x128xf32>
    %tanh3A_74 = math.tanh %mul3A_73 : vector<1280x128xf32>
    %add3A_75 = arith.constant 1.000000e+00 : f32
    %add3A_76 = vector.broadcast %add3A_75 : f32 to vector<1280x128xf32>
    %add3A_77 = arith.addf %add3A_76, %tanh3A_74 : vector<1280x128xf32>
    %mul3A_78 = arith.constant 5.000000e-01 : f32
    %mul3A_79 = vector.broadcast %mul3A_78 : f32 to vector<1280x128xf32>
    %mul3A_80 = arith.mulf %mul3A_79, %add3A_77 : vector<1280x128xf32>
    %mul3A_81 = arith.mulf %mul3A_64, %mul3A_80 : vector<1280x128xf32>
    %convert_element_type3A_82 = arith.truncf %mul3A_81 : vector<1280x128xf32> to vector<1280x128xbf16>
    %get3A_83 = arith.constant 0 : index
    %get3A_84 = arith.constant 0 : index
    %get3A_85 = vector.load %arg10[%get3A_83, %get3A_84] : memref<128x128xbf16, #tpu.memory_space<vmem>>, vector<128x128xbf16>
    %dot_general3A_86 = arith.constant dense<0.000000e+00> : vector<1280x128xf32>
    %dot_general3A_87 = tpu.matmul %convert_element_type3A_82, %get3A_85, %dot_general3A_86 {dimension_numbers = #tpu.dot_dimension_numbers<[1], [0], [0], [1], [0, 0, 1, 1], [], []>, transpose_lhs_hint = false} : vector<1280x128xbf16>, vector<128x128xbf16>, vector<1280x128xf32> -> vector<1280x128xf32>
    %mul3A_88 = arith.constant 0.0883883461 : f32
    %mul3A_89 = vector.broadcast %mul3A_88 : f32 to vector<1280x128xf32>
    %mul3A_90 = arith.mulf %dot_general3A_87, %mul3A_89 : vector<1280x128xf32>
    %integer_pow3A_91 = arith.mulf %mul3A_90, %mul3A_90 : vector<1280x128xf32>
    %integer_pow3A_92 = arith.mulf %mul3A_90, %integer_pow3A_91 : vector<1280x128xf32>
    %mul3A_93 = arith.constant 4.471500e-02 : f32
    %mul3A_94 = vector.broadcast %mul3A_93 : f32 to vector<1280x128xf32>
    %mul3A_95 = arith.mulf %mul3A_94, %integer_pow3A_92 : vector<1280x128xf32>
    %add3A_96 = arith.addf %mul3A_90, %mul3A_95 : vector<1280x128xf32>
    %mul3A_97 = arith.constant 0.797884583 : f32
    %mul3A_98 = vector.broadcast %mul3A_97 : f32 to vector<1280x128xf32>
    %mul3A_99 = arith.mulf %mul3A_98, %add3A_96 : vector<1280x128xf32>
    %tanh3A_100 = math.tanh %mul3A_99 : vector<1280x128xf32>
    %add3A_101 = arith.constant 1.000000e+00 : f32
    %add3A_102 = vector.broadcast %add3A_101 : f32 to vector<1280x128xf32>
    %add3A_103 = arith.addf %add3A_102, %tanh3A_100 : vector<1280x128xf32>
    %mul3A_104 = arith.constant 5.000000e-01 : f32
    %mul3A_105 = vector.broadcast %mul3A_104 : f32 to vector<1280x128xf32>
    %mul3A_106 = arith.mulf %mul3A_105, %add3A_103 : vector<1280x128xf32>
    %mul3A_107 = arith.mulf %mul3A_90, %mul3A_106 : vector<1280x128xf32>
    %convert_element_type3A_108 = arith.truncf %mul3A_107 : vector<1280x128xf32> to vector<1280x128xbf16>
    %get3A_109 = arith.constant 0 : index
    %get3A_110 = arith.constant 0 : index
    %get3A_111 = vector.load %arg11[%get3A_109, %get3A_110] : memref<128x128xbf16, #tpu.memory_space<vmem>>, vector<128x128xbf16>
    %dot_general3A_112 = arith.constant dense<0.000000e+00> : vector<1280x128xf32>
    %dot_general3A_113 = tpu.matmul %convert_element_type3A_108, %get3A_111, %dot_general3A_112 {dimension_numbers = #tpu.dot_dimension_numbers<[1], [0], [0], [1], [0, 0, 1, 1], [], []>, transpose_lhs_hint = false} : vector<1280x128xbf16>, vector<128x128xbf16>, vector<1280x128xf32> -> vector<1280x128xf32>
    %mul3A_114 = arith.constant 0.0883883461 : f32
    %mul3A_115 = vector.broadcast %mul3A_114 : f32 to vector<1280x128xf32>
    %mul3A_116 = arith.mulf %dot_general3A_113, %mul3A_115 : vector<1280x128xf32>
    %get3A_117 = arith.constant 0 : index
    %get3A_118 = arith.constant 0 : index
    %get3A_119 = vector.load %arg2[%get3A_117, %get3A_118] : memref<1280x128xf32, #tpu.memory_space<vmem>>, vector<1280x128xf32>
    %get3A_120 = arith.constant 0 : index
    %get3A_121 = arith.constant 0 : index
    %get3A_122 = vector.load %arg4[%get3A_120, %get3A_121] : memref<1x1280xf32, #tpu.memory_space<vmem>>, vector<1x1280xf32>
    %transpose3A = tpu.transpose %get3A_122, [1, 0] : vector<1x1280xf32> -> vector<1280x1xf32>
    %mul3A_123 = arith.mulf %mul3A_56, %get3A_119 : vector<1280x128xf32>
    %mul3A_124 = vector.broadcast %transpose3A : vector<1280x1xf32> to vector<1280x128xf32>
    %mul3A_125 = arith.mulf %mul3A_123, %mul3A_124 : vector<1280x128xf32>
    %convert_element_type3A_126 = arith.truncf %mul3A_125 : vector<1280x128xf32> to vector<1280x128xbf16>
    %get3A_127 = arith.constant 0 : index
    %get3A_128 = arith.constant 0 : index
    %get3A_129 = vector.load %arg12[%get3A_127, %get3A_128] : memref<128x512xbf16, #tpu.memory_space<vmem>>, vector<128x512xbf16>
    %dot_general3A_130 = arith.constant dense<0.000000e+00> : vector<1280x512xf32>
    %dot_general3A_131 = tpu.matmul %convert_element_type3A_126, %get3A_129, %dot_general3A_130 {dimension_numbers = #tpu.dot_dimension_numbers<[1], [0], [0], [1], [0, 0, 1, 1], [], []>, transpose_lhs_hint = false} : vector<1280x128xbf16>, vector<128x512xbf16>, vector<1280x512xf32> -> vector<1280x512xf32>
    %get3A_132 = arith.constant 0 : index
    %get3A_133 = arith.constant 0 : index
    %get3A_134 = vector.load %arg3[%get3A_132, %get3A_133] : memref<1280x128xf32, #tpu.memory_space<vmem>>, vector<1280x128xf32>
    %concatenate3A = tpu.concatenate %get3A_134, %get3A_134, %get3A_134, %get3A_134 in 1 : vector<1280x128xf32>, vector<1280x128xf32>, vector<1280x128xf32>, vector<1280x128xf32> -> vector<1280x512xf32>
    %mul3A_135 = arith.mulf %dot_general3A_131, %concatenate3A : vector<1280x512xf32>
    %iota3A = tpu.iota {dimensions = array<i32: 0>} : vector<512x4xi32>
    %jit3A = arith.constant 128 : i32
    %div3A = vector.broadcast %jit3A : i32 to vector<512x4xi32>
    %div3A_136 = arith.divsi %iota3A, %div3A : vector<512x4xi32>
    %sign3A = arith.constant 0 : i32
    %sign3A_137 = vector.broadcast %sign3A : i32 to vector<512x4xi32>
    %sign3A_138 = arith.cmpi sgt, %iota3A, %sign3A_137 : vector<512x4xi32>
    %sign3A_139 = arith.extui %sign3A_138 : vector<512x4xi1> to vector<512x4xi32>
    %sign3A_140 = arith.constant 0 : i32
    %sign3A_141 = vector.broadcast %sign3A_140 : i32 to vector<512x4xi32>
    %sign3A_142 = arith.cmpi slt, %iota3A, %sign3A_141 : vector<512x4xi32>
    %sign3A_143 = arith.extui %sign3A_142 : vector<512x4xi1> to vector<512x4xi32>
    %sign3A_144 = arith.subi %sign3A_139, %sign3A_143 : vector<512x4xi32>
    %sign3A_145 = arith.constant 0 : i32
    %sign3A_146 = arith.cmpi sgt, %jit3A, %sign3A_145 : i32
    %sign3A_147 = arith.extui %sign3A_146 : i1 to i32
    %sign3A_148 = arith.constant 0 : i32
    %sign3A_149 = arith.cmpi slt, %jit3A, %sign3A_148 : i32
    %sign3A_150 = arith.extui %sign3A_149 : i1 to i32
    %sign3A_151 = arith.subi %sign3A_147, %sign3A_150 : i32
    %ne3A = vector.broadcast %sign3A_151 : i32 to vector<512x4xi32>
    %ne3A_152 = arith.cmpi ne, %sign3A_144, %ne3A : vector<512x4xi32>
    %rem3A = vector.broadcast %jit3A : i32 to vector<512x4xi32>
    %rem3A_153 = arith.remsi %iota3A, %rem3A : vector<512x4xi32>
    %ne3A_154 = arith.constant 0 : i32
    %ne3A_155 = vector.broadcast %ne3A_154 : i32 to vector<512x4xi32>
    %ne3A_156 = arith.cmpi ne, %rem3A_153, %ne3A_155 : vector<512x4xi32>
    %and3A = arith.andi %ne3A_152, %ne3A_156 : vector<512x4xi1>
    %sub3A = arith.constant 1 : i32
    %sub3A_157 = vector.broadcast %sub3A : i32 to vector<512x4xi32>
    %sub3A_158 = arith.subi %div3A_136, %sub3A_157 : vector<512x4xi32>
    %select_n3A = arith.select %and3A, %sub3A_158, %div3A_136 : vector<512x4xi1>, vector<512x4xi32>
    %iota3A_159 = tpu.iota {dimensions = array<i32: 1>} : vector<512x4xi32>
    %eq3A = arith.cmpi eq, %select_n3A, %iota3A_159 : vector<512x4xi32>
    %convert_element_type3A_160 = arith.extui %eq3A : vector<512x4xi1> to vector<512x4xi32>
    %convert_element_type3A_161 = arith.sitofp %convert_element_type3A_160 : vector<512x4xi32> to vector<512x4xf32>
    %dot_general3A_162 = arith.constant dense<0.000000e+00> : vector<1280x4xf32>
    %dot_general3A_163 = tpu.matmul %mul3A_135, %convert_element_type3A_161, %dot_general3A_162 {dimension_numbers = #tpu.dot_dimension_numbers<[1], [0], [0], [1], [0, 0, 1, 1], [], []>, transpose_lhs_hint = false} : vector<1280x512xf32>, vector<512x4xf32>, vector<1280x4xf32> -> vector<1280x4xf32>
    %mul3A_164 = arith.constant 7.812500e-03 : f32
    %mul3A_165 = vector.broadcast %mul3A_164 : f32 to vector<1280x4xf32>
    %mul3A_166 = arith.mulf %dot_general3A_163, %mul3A_165 : vector<1280x4xf32>
    %get3A_167 = arith.constant 0 : index
    %get3A_168 = arith.constant 0 : index
    %get3A_169 = vector.load %arg5[%get3A_167, %get3A_168] : memref<1x1280xf32, #tpu.memory_space<vmem>>, vector<1x1280xf32>
    %transpose3A_170 = tpu.transpose %get3A_169, [1, 0] : vector<1x1280xf32> -> vector<1280x1xf32>
    %mul3A_171 = arith.constant 5.000000e-01 : f32
    %mul3A_172 = vector.broadcast %mul3A_171 : f32 to vector<1280x4xf32>
    %mul3A_173 = arith.mulf %mul3A_172, %mul3A_166 : vector<1280x4xf32>
    %exp3A = math.exp %mul3A_173 : vector<1280x4xf32>
    %mul3A_174 = vector.broadcast %transpose3A_170 : vector<1280x1xf32> to vector<1280x4xf32>
    %mul3A_175 = arith.mulf %mul3A_174, %exp3A : vector<1280x4xf32>
    %mul3A_176 = arith.mulf %mul3A_175, %exp3A : vector<1280x4xf32>
    %transpose3A_177 = tpu.transpose %mul3A_176, [1, 0] : vector<1280x4xf32> -> vector<4x1280xf32>
    %swap3A = arith.constant 0 : index
    %swap3A_178 = arith.constant 0 : index
    %swap3A_179 = vector.load %arg13[%swap3A, %swap3A_178] : memref<4x1280xf32, #tpu.memory_space<vmem>>, vector<4x1280xf32>
    tpu.vector_store %arg13[%swap3A, %swap3A_178], %transpose3A_177 {strides = array<i32>} : memref<4x1280xf32, #tpu.memory_space<vmem>>, vector<4x1280xf32>,
    %sqrt3A = math.sqrt %transpose3A_170 : vector<1280x1xf32>
    %mul3A_180 = vector.broadcast %sqrt3A : vector<1280x1xf32> to vector<1280x4xf32>
    %mul3A_181 = arith.mulf %mul3A_180, %exp3A : vector<1280x4xf32>
    %mul3A_182 = arith.mulf %mul3A_116, %get3A_119 : vector<1280x128xf32>
    %mul3A_183 = vector.broadcast %transpose3A : vector<1280x1xf32> to vector<1280x128xf32>
    %mul3A_184 = arith.mulf %mul3A_182, %mul3A_183 : vector<1280x128xf32>
    %iota3A_185 = tpu.iota {dimensions = array<i32: 1>} : vector<4x128xi32>
    %jit3A_186 = arith.constant 32 : i32
    %div3A_187 = vector.broadcast %jit3A_186 : i32 to vector<4x128xi32>
    %div3A_188 = arith.divsi %iota3A_185, %div3A_187 : vector<4x128xi32>
    %sign3A_189 = arith.constant 0 : i32
    %sign3A_190 = vector.broadcast %sign3A_189 : i32 to vector<4x128xi32>
    %sign3A_191 = arith.cmpi sgt, %iota3A_185, %sign3A_190 : vector<4x128xi32>
    %sign3A_192 = arith.extui %sign3A_191 : vector<4x128xi1> to vector<4x128xi32>
    %sign3A_193 = arith.constant 0 : i32
    %sign3A_194 = vector.broadcast %sign3A_193 : i32 to vector<4x128xi32>
    %sign3A_195 = arith.cmpi slt, %iota3A_185, %sign3A_194 : vector<4x128xi32>
    %sign3A_196 = arith.extui %sign3A_195 : vector<4x128xi1> to vector<4x128xi32>
    %sign3A_197 = arith.subi %sign3A_192, %sign3A_196 : vector<4x128xi32>
    %sign3A_198 = arith.constant 0 : i32
    %sign3A_199 = arith.cmpi sgt, %jit3A_186, %sign3A_198 : i32
    %sign3A_200 = arith.extui %sign3A_199 : i1 to i32
    %sign3A_201 = arith.constant 0 : i32
    %sign3A_202 = arith.cmpi slt, %jit3A_186, %sign3A_201 : i32
    %sign3A_203 = arith.extui %sign3A_202 : i1 to i32
    %sign3A_204 = arith.subi %sign3A_200, %sign3A_203 : i32
    %ne3A_205 = vector.broadcast %sign3A_204 : i32 to vector<4x128xi32>
    %ne3A_206 = arith.cmpi ne, %sign3A_197, %ne3A_205 : vector<4x128xi32>
    %rem3A_207 = vector.broadcast %jit3A_186 : i32 to vector<4x128xi32>
    %rem3A_208 = arith.remsi %iota3A_185, %rem3A_207 : vector<4x128xi32>
    %ne3A_209 = arith.constant 0 : i32
    %ne3A_210 = vector.broadcast %ne3A_209 : i32 to vector<4x128xi32>
    %ne3A_211 = arith.cmpi ne, %rem3A_208, %ne3A_210 : vector<4x128xi32>
    %and3A_212 = arith.andi %ne3A_206, %ne3A_211 : vector<4x128xi1>
    %sub3A_213 = arith.constant 1 : i32
    %sub3A_214 = vector.broadcast %sub3A_213 : i32 to vector<4x128xi32>
    %sub3A_215 = arith.subi %div3A_188, %sub3A_214 : vector<4x128xi32>
    %select_n3A_216 = arith.select %and3A_212, %sub3A_215, %div3A_188 : vector<4x128xi1>, vector<4x128xi32>
    %iota3A_217 = tpu.iota {dimensions = array<i32: 0>} : vector<4x128xi32>
    %eq3A_218 = arith.cmpi eq, %select_n3A_216, %iota3A_217 : vector<4x128xi32>
    %convert_element_type3A_219 = arith.extui %eq3A_218 : vector<4x128xi1> to vector<4x128xi32>
    %convert_element_type3A_220 = arith.sitofp %convert_element_type3A_219 : vector<4x128xi32> to vector<4x128xf32>
    %dot_general3A_221 = arith.constant dense<0.000000e+00> : vector<1280x128xf32>
    %dot_general3A_222 = tpu.matmul %mul3A_181, %convert_element_type3A_220, %dot_general3A_221 {dimension_numbers = #tpu.dot_dimension_numbers<[1], [0], [0], [1], [0, 0, 1, 1], [], []>, transpose_lhs_hint = false} : vector<1280x4xf32>, vector<4x128xf32>, vector<1280x128xf32> -> vector<1280x128xf32>
    %mul3A_223 = arith.mulf %mul3A_184, %dot_general3A_222 : vector<1280x128xf32>
    %swap3A_224 = arith.constant 0 : index
    %swap3A_225 = arith.constant 0 : index
    %swap3A_226 = vector.load %arg14[%swap3A_224, %swap3A_225] : memref<1280x128xf32, #tpu.memory_space<vmem>>, vector<1280x128xf32>
    tpu.vector_store %arg14[%swap3A_224, %swap3A_225], %mul3A_223 {strides = array<i32>} : memref<1280x128xf32, #tpu.memory_space<vmem>>, vector<1280x128xf32>,
    return
  }
  func.func @transform_0(%arg0: i32) -> (i32, i32) {
    %c0_i32 = arith.constant 0 : i32
    %c0_i32_0 = arith.constant 0 : i32
    return %c0_i32, %arg0 : i32, i32
  }
  func.func @transform_1(%arg0: i32) -> (i32, i32) {
    %c0_i32 = arith.constant 0 : i32
    %c0_i32_0 = arith.constant 0 : i32
    return %arg0, %c0_i32 : i32, i32
  }
  func.func @transform_2(%arg0: i32) -> (i32, i32) {
    %c0_i32 = arith.constant 0 : i32
    %c0_i32_0 = arith.constant 0 : i32
    return %arg0, %c0_i32 : i32, i32
  }
  func.func @transform_3(%arg0: i32) -> (i32, i32) {
    %c0_i32 = arith.constant 0 : i32
    %c0_i32_0 = arith.constant 0 : i32
    return %c0_i32, %arg0 : i32, i32
  }
  func.func @transform_4(%arg0: i32) -> (i32, i32) {
    %c0_i32 = arith.constant 0 : i32
    %c0_i32_0 = arith.constant 0 : i32
    return %c0_i32, %arg0 : i32, i32
  }
  func.func @transform_5(%arg0: i32) -> (i32, i32) {
    %c0_i32 = arith.constant 0 : i32
    %c0_i32_0 = arith.constant 0 : i32
    %c0_i32_1 = arith.constant 0 : i32
    return %c0_i32, %c0_i32_0 : i32, i32
  }
  func.func @transform_6(%arg0: i32) -> (i32, i32) {
    %c0_i32 = arith.constant 0 : i32
    %c0_i32_0 = arith.constant 0 : i32
    %c0_i32_1 = arith.constant 0 : i32
    return %c0_i32, %c0_i32_0 : i32, i32
  }
  func.func @transform_7(%arg0: i32) -> (i32, i32) {
    %c0_i32 = arith.constant 0 : i32
    %c0_i32_0 = arith.constant 0 : i32
    %c0_i32_1 = arith.constant 0 : i32
    return %c0_i32, %c0_i32_0 : i32, i32
  }
  func.func @transform_8(%arg0: i32) -> (i32, i32) {
    %c0_i32 = arith.constant 0 : i32
    %c0_i32_0 = arith.constant 0 : i32
    %c0_i32_1 = arith.constant 0 : i32
    return %c0_i32, %c0_i32_0 : i32, i32
  }
  func.func @transform_9(%arg0: i32) -> (i32, i32) {
    %c0_i32 = arith.constant 0 : i32
    %c0_i32_0 = arith.constant 0 : i32
    %c0_i32_1 = arith.constant 0 : i32
    return %c0_i32, %c0_i32_0 : i32, i32
  }
  func.func @transform_10(%arg0: i32) -> (i32, i32) {
    %c0_i32 = arith.constant 0 : i32
    %c0_i32_0 = arith.constant 0 : i32
    %c0_i32_1 = arith.constant 0 : i32
    return %c0_i32, %c0_i32_0 : i32, i32
  }
  func.func @transform_11(%arg0: i32) -> (i32, i32) {
    %c0_i32 = arith.constant 0 : i32
    %c0_i32_0 = arith.constant 0 : i32
    %c0_i32_1 = arith.constant 0 : i32
    return %c0_i32, %c0_i32_0 : i32, i32
  }
  func.func @transform_12(%arg0: i32) -> (i32, i32) {
    %c0_i32 = arith.constant 0 : i32
    %c0_i32_0 = arith.constant 0 : i32
    return %c0_i32, %arg0 : i32, i32
  }
  func.func @transform_13(%arg0: i32) -> (i32, i32) {
    %c0_i32 = arith.constant 0 : i32
    %c0_i32_0 = arith.constant 0 : i32
    return %arg0, %c0_i32 : i32, i32
  }
}

module attributes {stable_mosaic.version = 14 : i64} {
  func.func @_final_body(%arg0: i32, %arg1: memref<4x1024x128xf32, #tpu.memory_space<vmem>>, %arg2: memref<64x4x1024xf32, #tpu.memory_space<vmem>>, %arg3: memref<128x128xf32, #tpu.memory_space<vmem>>, %arg4: memref<1024x128xf32, #tpu.memory_space<vmem>>) attributes {dimension_semantics = [#tpu.dimension_semantics<arbitrary>], iteration_bounds = array<i64: 10>, scalar_prefetch = 0 : i64, scratch_operands = 0 : i64, tpu.core_type = #tpu.core_type<tc>, window_params = [{transform_indices = @transform_0, window_bounds = array<i64: 4, 1024, 128>}, {transform_indices = @transform_1, window_bounds = array<i64: 64, 4, 1024>}, {pipeline_mode = #tpu.pipeline_mode<synchronous>, transform_indices = @transform_2, window_bounds = array<i64: 128, 128>}, {transform_indices = @transform_3, window_bounds = array<i64: 1024, 128>}]} {
    %get3A = arith.constant 0 : index
    %get3A_0 = arith.constant 0 : index
    %get3A_1 = arith.constant 0 : index
    %get3A_2 = vector.load %arg1[%get3A, %get3A_0, %get3A_1] : memref<4x1024x128xf32, #tpu.memory_space<vmem>>, vector<1x1024x128xf32>
    %get3A_3 = vector.shape_cast %get3A_2 : vector<1x1024x128xf32> to vector<1024x128xf32>
    %get3A_4 = arith.constant 1 : index
    %get3A_5 = arith.constant 0 : index
    %get3A_6 = arith.constant 0 : index
    %get3A_7 = vector.load %arg1[%get3A_4, %get3A_5, %get3A_6] : memref<4x1024x128xf32, #tpu.memory_space<vmem>>, vector<1x1024x128xf32>
    %get3A_8 = vector.shape_cast %get3A_7 : vector<1x1024x128xf32> to vector<1024x128xf32>
    %add3A = arith.addf %get3A_3, %get3A_8 : vector<1024x128xf32>
    %get3A_9 = arith.constant 2 : index
    %get3A_10 = arith.constant 0 : index
    %get3A_11 = arith.constant 0 : index
    %get3A_12 = vector.load %arg1[%get3A_9, %get3A_10, %get3A_11] : memref<4x1024x128xf32, #tpu.memory_space<vmem>>, vector<1x1024x128xf32>
    %get3A_13 = vector.shape_cast %get3A_12 : vector<1x1024x128xf32> to vector<1024x128xf32>
    %add3A_14 = arith.addf %add3A, %get3A_13 : vector<1024x128xf32>
    %get3A_15 = arith.constant 3 : index
    %get3A_16 = arith.constant 0 : index
    %get3A_17 = arith.constant 0 : index
    %get3A_18 = vector.load %arg1[%get3A_15, %get3A_16, %get3A_17] : memref<4x1024x128xf32, #tpu.memory_space<vmem>>, vector<1x1024x128xf32>
    %get3A_19 = vector.shape_cast %get3A_18 : vector<1x1024x128xf32> to vector<1024x128xf32>
    %add3A_20 = arith.addf %add3A_14, %get3A_19 : vector<1024x128xf32>
    %get3A_21 = arith.constant 0 : index
    %get3A_22 = arith.constant 0 : index
    %get3A_23 = arith.constant 0 : index
    %get3A_24 = vector.load %arg2[%get3A_21, %get3A_22, %get3A_23] : memref<64x4x1024xf32, #tpu.memory_space<vmem>>, vector<1x4x1024xf32>
    %get3A_25 = vector.shape_cast %get3A_24 : vector<1x4x1024xf32> to vector<4x1024xf32>
    %get3A_26 = arith.constant 1 : index
    %get3A_27 = arith.constant 0 : index
    %get3A_28 = arith.constant 0 : index
    %get3A_29 = vector.load %arg2[%get3A_26, %get3A_27, %get3A_28] : memref<64x4x1024xf32, #tpu.memory_space<vmem>>, vector<1x4x1024xf32>
    %get3A_30 = vector.shape_cast %get3A_29 : vector<1x4x1024xf32> to vector<4x1024xf32>
    %add3A_31 = arith.addf %get3A_25, %get3A_30 : vector<4x1024xf32>
    %get3A_32 = arith.constant 2 : index
    %get3A_33 = arith.constant 0 : index
    %get3A_34 = arith.constant 0 : index
    %get3A_35 = vector.load %arg2[%get3A_32, %get3A_33, %get3A_34] : memref<64x4x1024xf32, #tpu.memory_space<vmem>>, vector<1x4x1024xf32>
    %get3A_36 = vector.shape_cast %get3A_35 : vector<1x4x1024xf32> to vector<4x1024xf32>
    %add3A_37 = arith.addf %add3A_31, %get3A_36 : vector<4x1024xf32>
    %get3A_38 = arith.constant 3 : index
    %get3A_39 = arith.constant 0 : index
    %get3A_40 = arith.constant 0 : index
    %get3A_41 = vector.load %arg2[%get3A_38, %get3A_39, %get3A_40] : memref<64x4x1024xf32, #tpu.memory_space<vmem>>, vector<1x4x1024xf32>
    %get3A_42 = vector.shape_cast %get3A_41 : vector<1x4x1024xf32> to vector<4x1024xf32>
    %add3A_43 = arith.addf %add3A_37, %get3A_42 : vector<4x1024xf32>
    %get3A_44 = arith.constant 4 : index
    %get3A_45 = arith.constant 0 : index
    %get3A_46 = arith.constant 0 : index
    %get3A_47 = vector.load %arg2[%get3A_44, %get3A_45, %get3A_46] : memref<64x4x1024xf32, #tpu.memory_space<vmem>>, vector<1x4x1024xf32>
    %get3A_48 = vector.shape_cast %get3A_47 : vector<1x4x1024xf32> to vector<4x1024xf32>
    %add3A_49 = arith.addf %add3A_43, %get3A_48 : vector<4x1024xf32>
    %get3A_50 = arith.constant 5 : index
    %get3A_51 = arith.constant 0 : index
    %get3A_52 = arith.constant 0 : index
    %get3A_53 = vector.load %arg2[%get3A_50, %get3A_51, %get3A_52] : memref<64x4x1024xf32, #tpu.memory_space<vmem>>, vector<1x4x1024xf32>
    %get3A_54 = vector.shape_cast %get3A_53 : vector<1x4x1024xf32> to vector<4x1024xf32>
    %add3A_55 = arith.addf %add3A_49, %get3A_54 : vector<4x1024xf32>
    %get3A_56 = arith.constant 6 : index
    %get3A_57 = arith.constant 0 : index
    %get3A_58 = arith.constant 0 : index
    %get3A_59 = vector.load %arg2[%get3A_56, %get3A_57, %get3A_58] : memref<64x4x1024xf32, #tpu.memory_space<vmem>>, vector<1x4x1024xf32>
    %get3A_60 = vector.shape_cast %get3A_59 : vector<1x4x1024xf32> to vector<4x1024xf32>
    %add3A_61 = arith.addf %add3A_55, %get3A_60 : vector<4x1024xf32>
    %get3A_62 = arith.constant 7 : index
    %get3A_63 = arith.constant 0 : index
    %get3A_64 = arith.constant 0 : index
    %get3A_65 = vector.load %arg2[%get3A_62, %get3A_63, %get3A_64] : memref<64x4x1024xf32, #tpu.memory_space<vmem>>, vector<1x4x1024xf32>
    %get3A_66 = vector.shape_cast %get3A_65 : vector<1x4x1024xf32> to vector<4x1024xf32>
    %add3A_67 = arith.addf %add3A_61, %get3A_66 : vector<4x1024xf32>
    %get3A_68 = arith.constant 8 : index
    %get3A_69 = arith.constant 0 : index
    %get3A_70 = arith.constant 0 : index
    %get3A_71 = vector.load %arg2[%get3A_68, %get3A_69, %get3A_70] : memref<64x4x1024xf32, #tpu.memory_space<vmem>>, vector<1x4x1024xf32>
    %get3A_72 = vector.shape_cast %get3A_71 : vector<1x4x1024xf32> to vector<4x1024xf32>
    %add3A_73 = arith.addf %add3A_67, %get3A_72 : vector<4x1024xf32>
    %get3A_74 = arith.constant 9 : index
    %get3A_75 = arith.constant 0 : index
    %get3A_76 = arith.constant 0 : index
    %get3A_77 = vector.load %arg2[%get3A_74, %get3A_75, %get3A_76] : memref<64x4x1024xf32, #tpu.memory_space<vmem>>, vector<1x4x1024xf32>
    %get3A_78 = vector.shape_cast %get3A_77 : vector<1x4x1024xf32> to vector<4x1024xf32>
    %add3A_79 = arith.addf %add3A_73, %get3A_78 : vector<4x1024xf32>
    %get3A_80 = arith.constant 10 : index
    %get3A_81 = arith.constant 0 : index
    %get3A_82 = arith.constant 0 : index
    %get3A_83 = vector.load %arg2[%get3A_80, %get3A_81, %get3A_82] : memref<64x4x1024xf32, #tpu.memory_space<vmem>>, vector<1x4x1024xf32>
    %get3A_84 = vector.shape_cast %get3A_83 : vector<1x4x1024xf32> to vector<4x1024xf32>
    %add3A_85 = arith.addf %add3A_79, %get3A_84 : vector<4x1024xf32>
    %get3A_86 = arith.constant 11 : index
    %get3A_87 = arith.constant 0 : index
    %get3A_88 = arith.constant 0 : index
    %get3A_89 = vector.load %arg2[%get3A_86, %get3A_87, %get3A_88] : memref<64x4x1024xf32, #tpu.memory_space<vmem>>, vector<1x4x1024xf32>
    %get3A_90 = vector.shape_cast %get3A_89 : vector<1x4x1024xf32> to vector<4x1024xf32>
    %add3A_91 = arith.addf %add3A_85, %get3A_90 : vector<4x1024xf32>
    %get3A_92 = arith.constant 12 : index
    %get3A_93 = arith.constant 0 : index
    %get3A_94 = arith.constant 0 : index
    %get3A_95 = vector.load %arg2[%get3A_92, %get3A_93, %get3A_94] : memref<64x4x1024xf32, #tpu.memory_space<vmem>>, vector<1x4x1024xf32>
    %get3A_96 = vector.shape_cast %get3A_95 : vector<1x4x1024xf32> to vector<4x1024xf32>
    %add3A_97 = arith.addf %add3A_91, %get3A_96 : vector<4x1024xf32>
    %get3A_98 = arith.constant 13 : index
    %get3A_99 = arith.constant 0 : index
    %get3A_100 = arith.constant 0 : index
    %get3A_101 = vector.load %arg2[%get3A_98, %get3A_99, %get3A_100] : memref<64x4x1024xf32, #tpu.memory_space<vmem>>, vector<1x4x1024xf32>
    %get3A_102 = vector.shape_cast %get3A_101 : vector<1x4x1024xf32> to vector<4x1024xf32>
    %add3A_103 = arith.addf %add3A_97, %get3A_102 : vector<4x1024xf32>
    %get3A_104 = arith.constant 14 : index
    %get3A_105 = arith.constant 0 : index
    %get3A_106 = arith.constant 0 : index
    %get3A_107 = vector.load %arg2[%get3A_104, %get3A_105, %get3A_106] : memref<64x4x1024xf32, #tpu.memory_space<vmem>>, vector<1x4x1024xf32>
    %get3A_108 = vector.shape_cast %get3A_107 : vector<1x4x1024xf32> to vector<4x1024xf32>
    %add3A_109 = arith.addf %add3A_103, %get3A_108 : vector<4x1024xf32>
    %get3A_110 = arith.constant 15 : index
    %get3A_111 = arith.constant 0 : index
    %get3A_112 = arith.constant 0 : index
    %get3A_113 = vector.load %arg2[%get3A_110, %get3A_111, %get3A_112] : memref<64x4x1024xf32, #tpu.memory_space<vmem>>, vector<1x4x1024xf32>
    %get3A_114 = vector.shape_cast %get3A_113 : vector<1x4x1024xf32> to vector<4x1024xf32>
    %add3A_115 = arith.addf %add3A_109, %get3A_114 : vector<4x1024xf32>
    %get3A_116 = arith.constant 16 : index
    %get3A_117 = arith.constant 0 : index
    %get3A_118 = arith.constant 0 : index
    %get3A_119 = vector.load %arg2[%get3A_116, %get3A_117, %get3A_118] : memref<64x4x1024xf32, #tpu.memory_space<vmem>>, vector<1x4x1024xf32>
    %get3A_120 = vector.shape_cast %get3A_119 : vector<1x4x1024xf32> to vector<4x1024xf32>
    %add3A_121 = arith.addf %add3A_115, %get3A_120 : vector<4x1024xf32>
    %get3A_122 = arith.constant 17 : index
    %get3A_123 = arith.constant 0 : index
    %get3A_124 = arith.constant 0 : index
    %get3A_125 = vector.load %arg2[%get3A_122, %get3A_123, %get3A_124] : memref<64x4x1024xf32, #tpu.memory_space<vmem>>, vector<1x4x1024xf32>
    %get3A_126 = vector.shape_cast %get3A_125 : vector<1x4x1024xf32> to vector<4x1024xf32>
    %add3A_127 = arith.addf %add3A_121, %get3A_126 : vector<4x1024xf32>
    %get3A_128 = arith.constant 18 : index
    %get3A_129 = arith.constant 0 : index
    %get3A_130 = arith.constant 0 : index
    %get3A_131 = vector.load %arg2[%get3A_128, %get3A_129, %get3A_130] : memref<64x4x1024xf32, #tpu.memory_space<vmem>>, vector<1x4x1024xf32>
    %get3A_132 = vector.shape_cast %get3A_131 : vector<1x4x1024xf32> to vector<4x1024xf32>
    %add3A_133 = arith.addf %add3A_127, %get3A_132 : vector<4x1024xf32>
    %get3A_134 = arith.constant 19 : index
    %get3A_135 = arith.constant 0 : index
    %get3A_136 = arith.constant 0 : index
    %get3A_137 = vector.load %arg2[%get3A_134, %get3A_135, %get3A_136] : memref<64x4x1024xf32, #tpu.memory_space<vmem>>, vector<1x4x1024xf32>
    %get3A_138 = vector.shape_cast %get3A_137 : vector<1x4x1024xf32> to vector<4x1024xf32>
    %add3A_139 = arith.addf %add3A_133, %get3A_138 : vector<4x1024xf32>
    %get3A_140 = arith.constant 20 : index
    %get3A_141 = arith.constant 0 : index
    %get3A_142 = arith.constant 0 : index
    %get3A_143 = vector.load %arg2[%get3A_140, %get3A_141, %get3A_142] : memref<64x4x1024xf32, #tpu.memory_space<vmem>>, vector<1x4x1024xf32>
    %get3A_144 = vector.shape_cast %get3A_143 : vector<1x4x1024xf32> to vector<4x1024xf32>
    %add3A_145 = arith.addf %add3A_139, %get3A_144 : vector<4x1024xf32>
    %get3A_146 = arith.constant 21 : index
    %get3A_147 = arith.constant 0 : index
    %get3A_148 = arith.constant 0 : index
    %get3A_149 = vector.load %arg2[%get3A_146, %get3A_147, %get3A_148] : memref<64x4x1024xf32, #tpu.memory_space<vmem>>, vector<1x4x1024xf32>
    %get3A_150 = vector.shape_cast %get3A_149 : vector<1x4x1024xf32> to vector<4x1024xf32>
    %add3A_151 = arith.addf %add3A_145, %get3A_150 : vector<4x1024xf32>
    %get3A_152 = arith.constant 22 : index
    %get3A_153 = arith.constant 0 : index
    %get3A_154 = arith.constant 0 : index
    %get3A_155 = vector.load %arg2[%get3A_152, %get3A_153, %get3A_154] : memref<64x4x1024xf32, #tpu.memory_space<vmem>>, vector<1x4x1024xf32>
    %get3A_156 = vector.shape_cast %get3A_155 : vector<1x4x1024xf32> to vector<4x1024xf32>
    %add3A_157 = arith.addf %add3A_151, %get3A_156 : vector<4x1024xf32>
    %get3A_158 = arith.constant 23 : index
    %get3A_159 = arith.constant 0 : index
    %get3A_160 = arith.constant 0 : index
    %get3A_161 = vector.load %arg2[%get3A_158, %get3A_159, %get3A_160] : memref<64x4x1024xf32, #tpu.memory_space<vmem>>, vector<1x4x1024xf32>
    %get3A_162 = vector.shape_cast %get3A_161 : vector<1x4x1024xf32> to vector<4x1024xf32>
    %add3A_163 = arith.addf %add3A_157, %get3A_162 : vector<4x1024xf32>
    %get3A_164 = arith.constant 24 : index
    %get3A_165 = arith.constant 0 : index
    %get3A_166 = arith.constant 0 : index
    %get3A_167 = vector.load %arg2[%get3A_164, %get3A_165, %get3A_166] : memref<64x4x1024xf32, #tpu.memory_space<vmem>>, vector<1x4x1024xf32>
    %get3A_168 = vector.shape_cast %get3A_167 : vector<1x4x1024xf32> to vector<4x1024xf32>
    %add3A_169 = arith.addf %add3A_163, %get3A_168 : vector<4x1024xf32>
    %get3A_170 = arith.constant 25 : index
    %get3A_171 = arith.constant 0 : index
    %get3A_172 = arith.constant 0 : index
    %get3A_173 = vector.load %arg2[%get3A_170, %get3A_171, %get3A_172] : memref<64x4x1024xf32, #tpu.memory_space<vmem>>, vector<1x4x1024xf32>
    %get3A_174 = vector.shape_cast %get3A_173 : vector<1x4x1024xf32> to vector<4x1024xf32>
    %add3A_175 = arith.addf %add3A_169, %get3A_174 : vector<4x1024xf32>
    %get3A_176 = arith.constant 26 : index
    %get3A_177 = arith.constant 0 : index
    %get3A_178 = arith.constant 0 : index
    %get3A_179 = vector.load %arg2[%get3A_176, %get3A_177, %get3A_178] : memref<64x4x1024xf32, #tpu.memory_space<vmem>>, vector<1x4x1024xf32>
    %get3A_180 = vector.shape_cast %get3A_179 : vector<1x4x1024xf32> to vector<4x1024xf32>
    %add3A_181 = arith.addf %add3A_175, %get3A_180 : vector<4x1024xf32>
    %get3A_182 = arith.constant 27 : index
    %get3A_183 = arith.constant 0 : index
    %get3A_184 = arith.constant 0 : index
    %get3A_185 = vector.load %arg2[%get3A_182, %get3A_183, %get3A_184] : memref<64x4x1024xf32, #tpu.memory_space<vmem>>, vector<1x4x1024xf32>
    %get3A_186 = vector.shape_cast %get3A_185 : vector<1x4x1024xf32> to vector<4x1024xf32>
    %add3A_187 = arith.addf %add3A_181, %get3A_186 : vector<4x1024xf32>
    %get3A_188 = arith.constant 28 : index
    %get3A_189 = arith.constant 0 : index
    %get3A_190 = arith.constant 0 : index
    %get3A_191 = vector.load %arg2[%get3A_188, %get3A_189, %get3A_190] : memref<64x4x1024xf32, #tpu.memory_space<vmem>>, vector<1x4x1024xf32>
    %get3A_192 = vector.shape_cast %get3A_191 : vector<1x4x1024xf32> to vector<4x1024xf32>
    %add3A_193 = arith.addf %add3A_187, %get3A_192 : vector<4x1024xf32>
    %get3A_194 = arith.constant 29 : index
    %get3A_195 = arith.constant 0 : index
    %get3A_196 = arith.constant 0 : index
    %get3A_197 = vector.load %arg2[%get3A_194, %get3A_195, %get3A_196] : memref<64x4x1024xf32, #tpu.memory_space<vmem>>, vector<1x4x1024xf32>
    %get3A_198 = vector.shape_cast %get3A_197 : vector<1x4x1024xf32> to vector<4x1024xf32>
    %add3A_199 = arith.addf %add3A_193, %get3A_198 : vector<4x1024xf32>
    %get3A_200 = arith.constant 30 : index
    %get3A_201 = arith.constant 0 : index
    %get3A_202 = arith.constant 0 : index
    %get3A_203 = vector.load %arg2[%get3A_200, %get3A_201, %get3A_202] : memref<64x4x1024xf32, #tpu.memory_space<vmem>>, vector<1x4x1024xf32>
    %get3A_204 = vector.shape_cast %get3A_203 : vector<1x4x1024xf32> to vector<4x1024xf32>
    %add3A_205 = arith.addf %add3A_199, %get3A_204 : vector<4x1024xf32>
    %get3A_206 = arith.constant 31 : index
    %get3A_207 = arith.constant 0 : index
    %get3A_208 = arith.constant 0 : index
    %get3A_209 = vector.load %arg2[%get3A_206, %get3A_207, %get3A_208] : memref<64x4x1024xf32, #tpu.memory_space<vmem>>, vector<1x4x1024xf32>
    %get3A_210 = vector.shape_cast %get3A_209 : vector<1x4x1024xf32> to vector<4x1024xf32>
    %add3A_211 = arith.addf %add3A_205, %get3A_210 : vector<4x1024xf32>
    %get3A_212 = arith.constant 32 : index
    %get3A_213 = arith.constant 0 : index
    %get3A_214 = arith.constant 0 : index
    %get3A_215 = vector.load %arg2[%get3A_212, %get3A_213, %get3A_214] : memref<64x4x1024xf32, #tpu.memory_space<vmem>>, vector<1x4x1024xf32>
    %get3A_216 = vector.shape_cast %get3A_215 : vector<1x4x1024xf32> to vector<4x1024xf32>
    %add3A_217 = arith.addf %add3A_211, %get3A_216 : vector<4x1024xf32>
    %get3A_218 = arith.constant 33 : index
    %get3A_219 = arith.constant 0 : index
    %get3A_220 = arith.constant 0 : index
    %get3A_221 = vector.load %arg2[%get3A_218, %get3A_219, %get3A_220] : memref<64x4x1024xf32, #tpu.memory_space<vmem>>, vector<1x4x1024xf32>
    %get3A_222 = vector.shape_cast %get3A_221 : vector<1x4x1024xf32> to vector<4x1024xf32>
    %add3A_223 = arith.addf %add3A_217, %get3A_222 : vector<4x1024xf32>
    %get3A_224 = arith.constant 34 : index
    %get3A_225 = arith.constant 0 : index
    %get3A_226 = arith.constant 0 : index
    %get3A_227 = vector.load %arg2[%get3A_224, %get3A_225, %get3A_226] : memref<64x4x1024xf32, #tpu.memory_space<vmem>>, vector<1x4x1024xf32>
    %get3A_228 = vector.shape_cast %get3A_227 : vector<1x4x1024xf32> to vector<4x1024xf32>
    %add3A_229 = arith.addf %add3A_223, %get3A_228 : vector<4x1024xf32>
    %get3A_230 = arith.constant 35 : index
    %get3A_231 = arith.constant 0 : index
    %get3A_232 = arith.constant 0 : index
    %get3A_233 = vector.load %arg2[%get3A_230, %get3A_231, %get3A_232] : memref<64x4x1024xf32, #tpu.memory_space<vmem>>, vector<1x4x1024xf32>
    %get3A_234 = vector.shape_cast %get3A_233 : vector<1x4x1024xf32> to vector<4x1024xf32>
    %add3A_235 = arith.addf %add3A_229, %get3A_234 : vector<4x1024xf32>
    %get3A_236 = arith.constant 36 : index
    %get3A_237 = arith.constant 0 : index
    %get3A_238 = arith.constant 0 : index
    %get3A_239 = vector.load %arg2[%get3A_236, %get3A_237, %get3A_238] : memref<64x4x1024xf32, #tpu.memory_space<vmem>>, vector<1x4x1024xf32>
    %get3A_240 = vector.shape_cast %get3A_239 : vector<1x4x1024xf32> to vector<4x1024xf32>
    %add3A_241 = arith.addf %add3A_235, %get3A_240 : vector<4x1024xf32>
    %get3A_242 = arith.constant 37 : index
    %get3A_243 = arith.constant 0 : index
    %get3A_244 = arith.constant 0 : index
    %get3A_245 = vector.load %arg2[%get3A_242, %get3A_243, %get3A_244] : memref<64x4x1024xf32, #tpu.memory_space<vmem>>, vector<1x4x1024xf32>
    %get3A_246 = vector.shape_cast %get3A_245 : vector<1x4x1024xf32> to vector<4x1024xf32>
    %add3A_247 = arith.addf %add3A_241, %get3A_246 : vector<4x1024xf32>
    %get3A_248 = arith.constant 38 : index
    %get3A_249 = arith.constant 0 : index
    %get3A_250 = arith.constant 0 : index
    %get3A_251 = vector.load %arg2[%get3A_248, %get3A_249, %get3A_250] : memref<64x4x1024xf32, #tpu.memory_space<vmem>>, vector<1x4x1024xf32>
    %get3A_252 = vector.shape_cast %get3A_251 : vector<1x4x1024xf32> to vector<4x1024xf32>
    %add3A_253 = arith.addf %add3A_247, %get3A_252 : vector<4x1024xf32>
    %get3A_254 = arith.constant 39 : index
    %get3A_255 = arith.constant 0 : index
    %get3A_256 = arith.constant 0 : index
    %get3A_257 = vector.load %arg2[%get3A_254, %get3A_255, %get3A_256] : memref<64x4x1024xf32, #tpu.memory_space<vmem>>, vector<1x4x1024xf32>
    %get3A_258 = vector.shape_cast %get3A_257 : vector<1x4x1024xf32> to vector<4x1024xf32>
    %add3A_259 = arith.addf %add3A_253, %get3A_258 : vector<4x1024xf32>
    %get3A_260 = arith.constant 40 : index
    %get3A_261 = arith.constant 0 : index
    %get3A_262 = arith.constant 0 : index
    %get3A_263 = vector.load %arg2[%get3A_260, %get3A_261, %get3A_262] : memref<64x4x1024xf32, #tpu.memory_space<vmem>>, vector<1x4x1024xf32>
    %get3A_264 = vector.shape_cast %get3A_263 : vector<1x4x1024xf32> to vector<4x1024xf32>
    %add3A_265 = arith.addf %add3A_259, %get3A_264 : vector<4x1024xf32>
    %get3A_266 = arith.constant 41 : index
    %get3A_267 = arith.constant 0 : index
    %get3A_268 = arith.constant 0 : index
    %get3A_269 = vector.load %arg2[%get3A_266, %get3A_267, %get3A_268] : memref<64x4x1024xf32, #tpu.memory_space<vmem>>, vector<1x4x1024xf32>
    %get3A_270 = vector.shape_cast %get3A_269 : vector<1x4x1024xf32> to vector<4x1024xf32>
    %add3A_271 = arith.addf %add3A_265, %get3A_270 : vector<4x1024xf32>
    %get3A_272 = arith.constant 42 : index
    %get3A_273 = arith.constant 0 : index
    %get3A_274 = arith.constant 0 : index
    %get3A_275 = vector.load %arg2[%get3A_272, %get3A_273, %get3A_274] : memref<64x4x1024xf32, #tpu.memory_space<vmem>>, vector<1x4x1024xf32>
    %get3A_276 = vector.shape_cast %get3A_275 : vector<1x4x1024xf32> to vector<4x1024xf32>
    %add3A_277 = arith.addf %add3A_271, %get3A_276 : vector<4x1024xf32>
    %get3A_278 = arith.constant 43 : index
    %get3A_279 = arith.constant 0 : index
    %get3A_280 = arith.constant 0 : index
    %get3A_281 = vector.load %arg2[%get3A_278, %get3A_279, %get3A_280] : memref<64x4x1024xf32, #tpu.memory_space<vmem>>, vector<1x4x1024xf32>
    %get3A_282 = vector.shape_cast %get3A_281 : vector<1x4x1024xf32> to vector<4x1024xf32>
    %add3A_283 = arith.addf %add3A_277, %get3A_282 : vector<4x1024xf32>
    %get3A_284 = arith.constant 44 : index
    %get3A_285 = arith.constant 0 : index
    %get3A_286 = arith.constant 0 : index
    %get3A_287 = vector.load %arg2[%get3A_284, %get3A_285, %get3A_286] : memref<64x4x1024xf32, #tpu.memory_space<vmem>>, vector<1x4x1024xf32>
    %get3A_288 = vector.shape_cast %get3A_287 : vector<1x4x1024xf32> to vector<4x1024xf32>
    %add3A_289 = arith.addf %add3A_283, %get3A_288 : vector<4x1024xf32>
    %get3A_290 = arith.constant 45 : index
    %get3A_291 = arith.constant 0 : index
    %get3A_292 = arith.constant 0 : index
    %get3A_293 = vector.load %arg2[%get3A_290, %get3A_291, %get3A_292] : memref<64x4x1024xf32, #tpu.memory_space<vmem>>, vector<1x4x1024xf32>
    %get3A_294 = vector.shape_cast %get3A_293 : vector<1x4x1024xf32> to vector<4x1024xf32>
    %add3A_295 = arith.addf %add3A_289, %get3A_294 : vector<4x1024xf32>
    %get3A_296 = arith.constant 46 : index
    %get3A_297 = arith.constant 0 : index
    %get3A_298 = arith.constant 0 : index
    %get3A_299 = vector.load %arg2[%get3A_296, %get3A_297, %get3A_298] : memref<64x4x1024xf32, #tpu.memory_space<vmem>>, vector<1x4x1024xf32>
    %get3A_300 = vector.shape_cast %get3A_299 : vector<1x4x1024xf32> to vector<4x1024xf32>
    %add3A_301 = arith.addf %add3A_295, %get3A_300 : vector<4x1024xf32>
    %get3A_302 = arith.constant 47 : index
    %get3A_303 = arith.constant 0 : index
    %get3A_304 = arith.constant 0 : index
    %get3A_305 = vector.load %arg2[%get3A_302, %get3A_303, %get3A_304] : memref<64x4x1024xf32, #tpu.memory_space<vmem>>, vector<1x4x1024xf32>
    %get3A_306 = vector.shape_cast %get3A_305 : vector<1x4x1024xf32> to vector<4x1024xf32>
    %add3A_307 = arith.addf %add3A_301, %get3A_306 : vector<4x1024xf32>
    %get3A_308 = arith.constant 48 : index
    %get3A_309 = arith.constant 0 : index
    %get3A_310 = arith.constant 0 : index
    %get3A_311 = vector.load %arg2[%get3A_308, %get3A_309, %get3A_310] : memref<64x4x1024xf32, #tpu.memory_space<vmem>>, vector<1x4x1024xf32>
    %get3A_312 = vector.shape_cast %get3A_311 : vector<1x4x1024xf32> to vector<4x1024xf32>
    %add3A_313 = arith.addf %add3A_307, %get3A_312 : vector<4x1024xf32>
    %get3A_314 = arith.constant 49 : index
    %get3A_315 = arith.constant 0 : index
    %get3A_316 = arith.constant 0 : index
    %get3A_317 = vector.load %arg2[%get3A_314, %get3A_315, %get3A_316] : memref<64x4x1024xf32, #tpu.memory_space<vmem>>, vector<1x4x1024xf32>
    %get3A_318 = vector.shape_cast %get3A_317 : vector<1x4x1024xf32> to vector<4x1024xf32>
    %add3A_319 = arith.addf %add3A_313, %get3A_318 : vector<4x1024xf32>
    %get3A_320 = arith.constant 50 : index
    %get3A_321 = arith.constant 0 : index
    %get3A_322 = arith.constant 0 : index
    %get3A_323 = vector.load %arg2[%get3A_320, %get3A_321, %get3A_322] : memref<64x4x1024xf32, #tpu.memory_space<vmem>>, vector<1x4x1024xf32>
    %get3A_324 = vector.shape_cast %get3A_323 : vector<1x4x1024xf32> to vector<4x1024xf32>
    %add3A_325 = arith.addf %add3A_319, %get3A_324 : vector<4x1024xf32>
    %get3A_326 = arith.constant 51 : index
    %get3A_327 = arith.constant 0 : index
    %get3A_328 = arith.constant 0 : index
    %get3A_329 = vector.load %arg2[%get3A_326, %get3A_327, %get3A_328] : memref<64x4x1024xf32, #tpu.memory_space<vmem>>, vector<1x4x1024xf32>
    %get3A_330 = vector.shape_cast %get3A_329 : vector<1x4x1024xf32> to vector<4x1024xf32>
    %add3A_331 = arith.addf %add3A_325, %get3A_330 : vector<4x1024xf32>
    %get3A_332 = arith.constant 52 : index
    %get3A_333 = arith.constant 0 : index
    %get3A_334 = arith.constant 0 : index
    %get3A_335 = vector.load %arg2[%get3A_332, %get3A_333, %get3A_334] : memref<64x4x1024xf32, #tpu.memory_space<vmem>>, vector<1x4x1024xf32>
    %get3A_336 = vector.shape_cast %get3A_335 : vector<1x4x1024xf32> to vector<4x1024xf32>
    %add3A_337 = arith.addf %add3A_331, %get3A_336 : vector<4x1024xf32>
    %get3A_338 = arith.constant 53 : index
    %get3A_339 = arith.constant 0 : index
    %get3A_340 = arith.constant 0 : index
    %get3A_341 = vector.load %arg2[%get3A_338, %get3A_339, %get3A_340] : memref<64x4x1024xf32, #tpu.memory_space<vmem>>, vector<1x4x1024xf32>
    %get3A_342 = vector.shape_cast %get3A_341 : vector<1x4x1024xf32> to vector<4x1024xf32>
    %add3A_343 = arith.addf %add3A_337, %get3A_342 : vector<4x1024xf32>
    %get3A_344 = arith.constant 54 : index
    %get3A_345 = arith.constant 0 : index
    %get3A_346 = arith.constant 0 : index
    %get3A_347 = vector.load %arg2[%get3A_344, %get3A_345, %get3A_346] : memref<64x4x1024xf32, #tpu.memory_space<vmem>>, vector<1x4x1024xf32>
    %get3A_348 = vector.shape_cast %get3A_347 : vector<1x4x1024xf32> to vector<4x1024xf32>
    %add3A_349 = arith.addf %add3A_343, %get3A_348 : vector<4x1024xf32>
    %get3A_350 = arith.constant 55 : index
    %get3A_351 = arith.constant 0 : index
    %get3A_352 = arith.constant 0 : index
    %get3A_353 = vector.load %arg2[%get3A_350, %get3A_351, %get3A_352] : memref<64x4x1024xf32, #tpu.memory_space<vmem>>, vector<1x4x1024xf32>
    %get3A_354 = vector.shape_cast %get3A_353 : vector<1x4x1024xf32> to vector<4x1024xf32>
    %add3A_355 = arith.addf %add3A_349, %get3A_354 : vector<4x1024xf32>
    %get3A_356 = arith.constant 56 : index
    %get3A_357 = arith.constant 0 : index
    %get3A_358 = arith.constant 0 : index
    %get3A_359 = vector.load %arg2[%get3A_356, %get3A_357, %get3A_358] : memref<64x4x1024xf32, #tpu.memory_space<vmem>>, vector<1x4x1024xf32>
    %get3A_360 = vector.shape_cast %get3A_359 : vector<1x4x1024xf32> to vector<4x1024xf32>
    %add3A_361 = arith.addf %add3A_355, %get3A_360 : vector<4x1024xf32>
    %get3A_362 = arith.constant 57 : index
    %get3A_363 = arith.constant 0 : index
    %get3A_364 = arith.constant 0 : index
    %get3A_365 = vector.load %arg2[%get3A_362, %get3A_363, %get3A_364] : memref<64x4x1024xf32, #tpu.memory_space<vmem>>, vector<1x4x1024xf32>
    %get3A_366 = vector.shape_cast %get3A_365 : vector<1x4x1024xf32> to vector<4x1024xf32>
    %add3A_367 = arith.addf %add3A_361, %get3A_366 : vector<4x1024xf32>
    %get3A_368 = arith.constant 58 : index
    %get3A_369 = arith.constant 0 : index
    %get3A_370 = arith.constant 0 : index
    %get3A_371 = vector.load %arg2[%get3A_368, %get3A_369, %get3A_370] : memref<64x4x1024xf32, #tpu.memory_space<vmem>>, vector<1x4x1024xf32>
    %get3A_372 = vector.shape_cast %get3A_371 : vector<1x4x1024xf32> to vector<4x1024xf32>
    %add3A_373 = arith.addf %add3A_367, %get3A_372 : vector<4x1024xf32>
    %get3A_374 = arith.constant 59 : index
    %get3A_375 = arith.constant 0 : index
    %get3A_376 = arith.constant 0 : index
    %get3A_377 = vector.load %arg2[%get3A_374, %get3A_375, %get3A_376] : memref<64x4x1024xf32, #tpu.memory_space<vmem>>, vector<1x4x1024xf32>
    %get3A_378 = vector.shape_cast %get3A_377 : vector<1x4x1024xf32> to vector<4x1024xf32>
    %add3A_379 = arith.addf %add3A_373, %get3A_378 : vector<4x1024xf32>
    %get3A_380 = arith.constant 60 : index
    %get3A_381 = arith.constant 0 : index
    %get3A_382 = arith.constant 0 : index
    %get3A_383 = vector.load %arg2[%get3A_380, %get3A_381, %get3A_382] : memref<64x4x1024xf32, #tpu.memory_space<vmem>>, vector<1x4x1024xf32>
    %get3A_384 = vector.shape_cast %get3A_383 : vector<1x4x1024xf32> to vector<4x1024xf32>
    %add3A_385 = arith.addf %add3A_379, %get3A_384 : vector<4x1024xf32>
    %get3A_386 = arith.constant 61 : index
    %get3A_387 = arith.constant 0 : index
    %get3A_388 = arith.constant 0 : index
    %get3A_389 = vector.load %arg2[%get3A_386, %get3A_387, %get3A_388] : memref<64x4x1024xf32, #tpu.memory_space<vmem>>, vector<1x4x1024xf32>
    %get3A_390 = vector.shape_cast %get3A_389 : vector<1x4x1024xf32> to vector<4x1024xf32>
    %add3A_391 = arith.addf %add3A_385, %get3A_390 : vector<4x1024xf32>
    %get3A_392 = arith.constant 62 : index
    %get3A_393 = arith.constant 0 : index
    %get3A_394 = arith.constant 0 : index
    %get3A_395 = vector.load %arg2[%get3A_392, %get3A_393, %get3A_394] : memref<64x4x1024xf32, #tpu.memory_space<vmem>>, vector<1x4x1024xf32>
    %get3A_396 = vector.shape_cast %get3A_395 : vector<1x4x1024xf32> to vector<4x1024xf32>
    %add3A_397 = arith.addf %add3A_391, %get3A_396 : vector<4x1024xf32>
    %get3A_398 = arith.constant 63 : index
    %get3A_399 = arith.constant 0 : index
    %get3A_400 = arith.constant 0 : index
    %get3A_401 = vector.load %arg2[%get3A_398, %get3A_399, %get3A_400] : memref<64x4x1024xf32, #tpu.memory_space<vmem>>, vector<1x4x1024xf32>
    %get3A_402 = vector.shape_cast %get3A_401 : vector<1x4x1024xf32> to vector<4x1024xf32>
    %add3A_403 = arith.addf %add3A_397, %get3A_402 : vector<4x1024xf32>
    %eq3A = arith.constant 0.000000e+00 : f32
    %eq3A_404 = vector.broadcast %eq3A : f32 to vector<4x1024xf32>
    %eq3A_405 = arith.cmpf oeq, %add3A_403, %eq3A_404 : vector<4x1024xf32>
    %jit3A = arith.constant 1.000000e+00 : f32
    %broadcast_in_dim3A = vector.broadcast %jit3A : f32 to vector<4x1024xf32>
    %select_n3A = arith.select %eq3A_405, %broadcast_in_dim3A, %add3A_403 : vector<4x1024xi1>, vector<4x1024xf32>
    %rsqrt3A = math.rsqrt %select_n3A : vector<4x1024xf32>
    %iota3A = tpu.iota {dimensions = array<i32: 1>} : vector<4x128xi32>
    %jit3A_406 = arith.constant 32 : i32
    %div3A = vector.broadcast %jit3A_406 : i32 to vector<4x128xi32>
    %div3A_407 = arith.divsi %iota3A, %div3A : vector<4x128xi32>
    %sign3A = arith.constant 0 : i32
    %sign3A_408 = vector.broadcast %sign3A : i32 to vector<4x128xi32>
    %sign3A_409 = arith.cmpi sgt, %iota3A, %sign3A_408 : vector<4x128xi32>
    %sign3A_410 = arith.extui %sign3A_409 : vector<4x128xi1> to vector<4x128xi32>
    %sign3A_411 = arith.constant 0 : i32
    %sign3A_412 = vector.broadcast %sign3A_411 : i32 to vector<4x128xi32>
    %sign3A_413 = arith.cmpi slt, %iota3A, %sign3A_412 : vector<4x128xi32>
    %sign3A_414 = arith.extui %sign3A_413 : vector<4x128xi1> to vector<4x128xi32>
    %sign3A_415 = arith.subi %sign3A_410, %sign3A_414 : vector<4x128xi32>
    %sign3A_416 = arith.constant 0 : i32
    %sign3A_417 = arith.cmpi sgt, %jit3A_406, %sign3A_416 : i32
    %sign3A_418 = arith.extui %sign3A_417 : i1 to i32
    %sign3A_419 = arith.constant 0 : i32
    %sign3A_420 = arith.cmpi slt, %jit3A_406, %sign3A_419 : i32
    %sign3A_421 = arith.extui %sign3A_420 : i1 to i32
    %sign3A_422 = arith.subi %sign3A_418, %sign3A_421 : i32
    %ne3A = vector.broadcast %sign3A_422 : i32 to vector<4x128xi32>
    %ne3A_423 = arith.cmpi ne, %sign3A_415, %ne3A : vector<4x128xi32>
    %rem3A = vector.broadcast %jit3A_406 : i32 to vector<4x128xi32>
    %rem3A_424 = arith.remsi %iota3A, %rem3A : vector<4x128xi32>
    %ne3A_425 = arith.constant 0 : i32
    %ne3A_426 = vector.broadcast %ne3A_425 : i32 to vector<4x128xi32>
    %ne3A_427 = arith.cmpi ne, %rem3A_424, %ne3A_426 : vector<4x128xi32>
    %and3A = arith.andi %ne3A_423, %ne3A_427 : vector<4x128xi1>
    %sub3A = arith.constant 1 : i32
    %sub3A_428 = vector.broadcast %sub3A : i32 to vector<4x128xi32>
    %sub3A_429 = arith.subi %div3A_407, %sub3A_428 : vector<4x128xi32>
    %select_n3A_430 = arith.select %and3A, %sub3A_429, %div3A_407 : vector<4x128xi1>, vector<4x128xi32>
    %iota3A_431 = tpu.iota {dimensions = array<i32: 0>} : vector<4x128xi32>
    %eq3A_432 = arith.cmpi eq, %select_n3A_430, %iota3A_431 : vector<4x128xi32>
    %convert_element_type3A = arith.extui %eq3A_432 : vector<4x128xi1> to vector<4x128xi32>
    %convert_element_type3A_433 = arith.sitofp %convert_element_type3A : vector<4x128xi32> to vector<4x128xf32>
    %dot_general3A = arith.constant dense<0.000000e+00> : vector<1024x128xf32>
    %dot_general3A_434 = tpu.matmul %rsqrt3A, %convert_element_type3A_433, %dot_general3A {dimension_numbers = #tpu.dot_dimension_numbers<[0], [0], [1], [1], [0, 1, 1, 1], [], []>, transpose_lhs_hint = false} : vector<4x1024xf32>, vector<4x128xf32>, vector<1024x128xf32> -> vector<1024x128xf32>
    %mul3A = arith.mulf %add3A_20, %dot_general3A_434 : vector<1024x128xf32>
    %get3A_435 = arith.constant 0 : index
    %get3A_436 = arith.constant 0 : index
    %get3A_437 = vector.load %arg3[%get3A_435, %get3A_436] : memref<128x128xf32, #tpu.memory_space<vmem>>, vector<128x128xf32>
    %dot_general3A_438 = arith.constant dense<0.000000e+00> : vector<1024x128xf32>
    %dot_general3A_439 = tpu.matmul %mul3A, %get3A_437, %dot_general3A_438 {dimension_numbers = #tpu.dot_dimension_numbers<[1], [0], [0], [1], [0, 0, 1, 1], [], []>, transpose_lhs_hint = false} : vector<1024x128xf32>, vector<128x128xf32>, vector<1024x128xf32> -> vector<1024x128xf32>
    %mul3A_440 = arith.constant 0.0883883461 : f32
    %mul3A_441 = vector.broadcast %mul3A_440 : f32 to vector<1024x128xf32>
    %mul3A_442 = arith.mulf %dot_general3A_439, %mul3A_441 : vector<1024x128xf32>
    %swap3A = arith.constant 0 : index
    %swap3A_443 = arith.constant 0 : index
    %swap3A_444 = vector.load %arg4[%swap3A, %swap3A_443] : memref<1024x128xf32, #tpu.memory_space<vmem>>, vector<1024x128xf32>
    tpu.vector_store %arg4[%swap3A, %swap3A_443], %mul3A_442 {strides = array<i32>} : memref<1024x128xf32, #tpu.memory_space<vmem>>, vector<1024x128xf32>,
    return
  }
  func.func @transform_0(%arg0: i32) -> (i32, i32, i32) {
    %c0_i32 = arith.constant 0 : i32
    %c0_i32_0 = arith.constant 0 : i32
    %c0_i32_1 = arith.constant 0 : i32
    return %c0_i32, %arg0, %c0_i32_0 : i32, i32, i32
  }
  func.func @transform_1(%arg0: i32) -> (i32, i32, i32) {
    %c0_i32 = arith.constant 0 : i32
    %c0_i32_0 = arith.constant 0 : i32
    %c0_i32_1 = arith.constant 0 : i32
    return %c0_i32, %c0_i32_0, %arg0 : i32, i32, i32
  }
  func.func @transform_2(%arg0: i32) -> (i32, i32) {
    %c0_i32 = arith.constant 0 : i32
    %c0_i32_0 = arith.constant 0 : i32
    %c0_i32_1 = arith.constant 0 : i32
    return %c0_i32, %c0_i32_0 : i32, i32
  }
  func.func @transform_3(%arg0: i32) -> (i32, i32) {
    %c0_i32 = arith.constant 0 : i32
    %c0_i32_0 = arith.constant 0 : i32
    return %arg0, %c0_i32 : i32, i32
  }
}

</mosaic_0001>

<sc_bundles>
// kernel: kernel.11.cloned.1.call-start
scs
__scs_entry_jumppad:
0x0: {  	(pc) =	sbr.rel $0x88, $3  }
0x1: {  	(tag) =	ssettag $0x0;
	lr =	simm.s32 $0x1  }
0x2: {  	[smem:$0x3F93] =	sst lr;
	_ =	strace $0xD0000000  }
0x3: {  	_ = 	snop  }
0x4: {  	_ = 	snop  }
0x5: {  	_ = 	snop  }
0x6: {  	_ = 	snop  }
0x7: {  	_ = 	snop  }
__scs_overlays_trampoline_lowered:
0x8: {  	[smem:$0x3FA2] =	sst s0  }
0x9: {  	[smem:$0x3FA3] =	sst s1  }
0xa: {  	[smem:$0x3FA4] =	sst s2  }
0xb: {  	[smem:$0x3FA5] =	sst s3  }
0xc: {  	[smem:$0x3FA6] =	sst s4  }
0xd: {  	[smem:$0x3FA7] =	sst s5  }
0xe: {  	[smem:$0x3FA8] =	sst s6  }
0xf: {  	[smem:$0x3FA9] =	sst s7  }
0x10: {  	[smem:$0x3FAA] =	sst s8  }
0x11: {  	[smem:$0x3FAB] =	sst s9;
	s0 =	simm.s32 @!p0 $0x0  }
0x12: {  	s1 =	sld [smem:$0x3F91];
	s0 =	simm.s32 @p0 $0x1  }
0x13: {  	[smem:$0x3FAC] =	sst s0;
	s0 =	simm.s32 @!p1 $0x0  }
0x14: {  	s2 =	sld [smem:$0x3F90];
	s0 =	simm.s32 @p1 $0x1  }
0x15: {  	[smem:$0x3FAD] =	sst s0;
	s0 =	simm.s32 @!p2 $0x0  }
0x16: {  	s3 =	sld [smem:$0x3FDB];
	s0 =	simm.s32 @p2 $0x1  }
0x17: {  	s4 =	simm.s32 $0x1BF5;
	[smem:$0x3FAF] =	sst s0  }
0x18: {  	s0 =	sld [smem:$0x3F92];
	_ =	swait.ge [sflag:s4], $0x0  }
0x19: {  	s7 =	sld [smem:$0x3F93]  }
0x1a: {  	s8 =	sadd.s32 $0xFFFFE003, lr  }
0x1b: {  	s9 =	sadd.s32 $0xFFFFFEF7, lr;
	s5 =	simm.s32 $0xFFFFFFFF;
	p2 =	slt.u32 s8, $0xFFFFF086  }
0x1c: {  	p1 =	slt.u32 s9, $0xF7A;
	s5 =	simm.s32 @!p2 $0x0  }
0x1d: {  	s5 =	simm.s32 @p1 $0x1;
	p0 =	seq.s32 s7, s2  }
0x1e: {  	s7 =	smul.u32 @!p0 $0xF7A, s2;
	p2 =	seq.s32 @!p0 s5, $0x0  }
0x1f: {  	s9 =	smul.u32 $0xF7A, s1;
	s8 =	simm.s32 @!p0 $0x1BF5;
	p2 =	por !p2, p0  }
0x20: {  	[sflag:s8] =	ssyncset.s32 @!p0 $0xFFFFF086;
	s6 =	sadd.s32 @!p0 s3, s7;
	s7 =	simm.s32 @!p0 $0x108  }
0x21: {  	s3 =	sadd.s32 s3, s9;
	s6 =	sadd.s32 @!p0 $0x88, s6;
	s7 =	simm.s32 @p2 $0x1082  }
0x22: {  	[simem:s7], [sflag:s8] =	dma.local @!p0 [hbm:s6], $0xF7A  }
0x23: {  	s9 =	sor.u32 $0xD0000000, s2;
	s6 =	simm.s32 $0x108;
	_ =	swait.ge @!p0 [sflag:s8], $0x0  }
0x24: {  	s3 =	sadd.s32 $0x88, s3;
	s6 =	simm.s32 @!p1 $0x1082;
	[sflag:s4] =	ssyncset.s32 $0xFFFFF086  }
0x25: {  	[simem:s6], [sflag:s4] =	dma.local [hbm:s3], $0xF7A  }
0x26: {  	[smem:$0x3F93] =	sst s1;
	(tag) =	ssettag s2;
	_ =	strace s9  }
0x27: {  	s1 =	sld [smem:$0x3FA3]  }
0x28: {  	s2 =	sld [smem:$0x3FA4]  }
0x29: {  	s4 =	sld [smem:$0x3FA6]  }
0x2a: {  	p0 =	seq.s32 s5, $0x0;
	s5 =	sld [smem:$0x3FA7]  }
0x2b: {  	s6 =	sld [smem:$0x3FA8]  }
0x2c: {  	s7 =	sld [smem:$0x3FA9]  }
0x2d: {  	s3 =	simm.s32 $0x108;
	s8 =	sld [smem:$0x3FAA]  }
0x2e: {  	s3 =	simm.s32 @!p0 $0x1082;
	s9 =	sld [smem:$0x3FAB]  }
0x2f: {  	lr =	sadd.s32 s0, s3;
	s0 =	sld [smem:$0x3FA2]  }
0x30: {  	s3 =	sld [smem:$0x3FA5]  }
0x31: {  	[smem:$0x3FAE] =	sst s10  }
0x32: {  	s10 =	sld [smem:$0x3FAC];
	_ =	sdelay $0x3  }
0x33: {  	p0 =	seq.s32 s10, $0x1;
	s10 =	sld [smem:$0x3FAE];
	_ =	sdelay $0x3  }
0x34: {  	[smem:$0x3FAE] =	sst s10  }
0x35: {  	s10 =	sld [smem:$0x3FAD];
	_ =	sdelay $0x3  }
0x36: {  	p1 =	seq.s32 s10, $0x1;
	s10 =	sld [smem:$0x3FAE];
	_ =	sdelay $0x3  }
0x37: {  	[smem:$0x3FAE] =	sst s10  }
0x38: {  	s10 =	sld [smem:$0x3FAF]  }
0x39: {  	_ = 	snop;
	(pc) =	sbr.ind lr, $3  }
0x3a: {  	_ = 	snop  }
0x3b: {  	_ = 	snop  }
0x3c: {  	p2 =	seq.s32 s10, $0x1;
	s10 =	sld [smem:$0x3FAE]  }
0x3d: {  	_ =	shalt  }
0x3e: {  	_ =	shalt  }
0x3f: {  	_ =	shalt  }
0x40: {  	_ =	shalt  }
0x41: {  	_ =	shalt  }
0x42: {  	_ =	shalt  }
0x43: {  	_ =	shalt  }
0x44: {  	_ =	shalt  }
0x45: {  	_ =	shalt  }
0x46: {  	_ =	shalt  }
0x47: {  	_ =	shalt  }
0x48: {  	_ =	shalt  }
0x49: {  	_ =	shalt  }
0x4a: {  	_ =	shalt  }
0x4b: {  	_ =	shalt  }
0x4c: {  	_ =	shalt  }
0x4d: {  	_ =	shalt  }
0x4e: {  	_ =	shalt  }
0x4f: {  	_ =	shalt  }
0x50: {  	_ =	shalt  }
0x51: {  	_ =	shalt  }
0x52: {  	_ =	shalt  }
0x53: {  	_ =	shalt  }
0x54: {  	_ =	shalt  }
0x55: {  	_ =	shalt  }
0x56: {  	_ =	shalt  }
0x57: {  	_ =	shalt  }
0x58: {  	_ =	shalt  }
0x59: {  	_ =	shalt  }
0x5a: {  	_ =	shalt  }
0x5b: {  	_ =	shalt  }
0x5c: {  	_ =	shalt  }
0x5d: {  	_ =	shalt  }
0x5e: {  	_ =	shalt  }
0x5f: {  	_ =	shalt  }
0x60: {  	_ =	shalt  }
0x61: {  	_ =	shalt  }
0x62: {  	_ =	shalt  }
0x63: {  	_ =	shalt  }
0x64: {  	_ =	shalt  }
0x65: {  	_ =	shalt  }
0x66: {  	_ =	shalt  }
0x67: {  	_ =	shalt  }
0x68: {  	_ =	shalt  }
0x69: {  	_ =	shalt  }
0x6a: {  	_ =	shalt  }
0x6b: {  	_ =	shalt  }
0x6c: {  	_ =	shalt  }
0x6d: {  	_ =	shalt  }
0x6e: {  	_ =	shalt  }
0x6f: {  	_ =	shalt  }
0x70: {  	_ =	shalt  }
0x71: {  	_ =	shalt  }
0x72: {  	_ =	shalt  }
0x73: {  	_ =	shalt  }
0x74: {  	_ =	shalt  }
0x75: {  	_ =	shalt  }
0x76: {  	_ =	shalt  }
0x77: {  	_ =	shalt  }
0x78: {  	_ =	shalt  }
0x79: {  	_ =	shalt  }
0x7a: {  	_ =	shalt  }
0x7b: {  	_ =	shalt  }
0x7c: {  	_ =	shalt  }
0x7d: {  	_ =	shalt  }
0x7e: {  	_ =	shalt  }
0x7f: {  	_ =	shalt  }
0x80: {  	_ =	shalt  }
0x81: {  	_ =	shalt  }
0x82: {  	_ =	shalt  }
0x83: {  	_ =	shalt  }
0x84: {  	_ =	shalt  }
0x85: {  	_ =	shalt  }
0x86: {  	_ =	shalt  }
0x87: {  	_ =	shalt  }
.Lfunc_end0:
.L_simem_size_0:
called_computation_lowered:
.L_overlay_start_0:
0x88: {  	s2 =	sld [smem:$0x3FD9]  }
0x89: {  	s3 =	sld [smem:$0x3FFE];
	_ =	sdelay $0x1  }
0x8a: {  	s1 =	srdreg.scid  }
0x8b: {  	s0 =	sand.u32 $0x1, s1  }
0x8c: {  	s17 =	sshll.u32 s0, $0xA;
	s2 =	sadd.s32 s3, s2  }
0x8d: {  	s2 =	sadd.s32 s2, s17  }
0x8e: {  	[smem:$0x3FBA] =	sst s2  }
0x8f: {  	_ = 	snop  }
0x90: {  	s18 =	sld [smem:$0x3FC4];
	(tm) =	ssettm $0x1  }
0x91: {  	s19 =	sld [smem:$0x3FFB];
	_ =	sdelay $0x3  }
0x92: {  	_ =	strace s19  }
0x93: {  	s2 =	sld [smem:$0x3FFC];
	_ =	sdelay $0x3  }
0x94: {  	_ =	strace s2  }
0x95: {  	s2 =	sld [smem:$0x3FFD];
	_ =	sdelay $0x3  }
0x96: {  	_ =	strace s2  }
0x97: {  	_ =	strace $0x8FFFFFFF  }
0x98: {  	s20 =	sld [smem:$0x3FDB];
	_ =	sdelay $0x1  }
0x99: {  	s4 =	simm.s32 $_scs_section_size  }
0x9a: {  	s5 =	simm.s32 $_size__tile_overlayer_lowered;
	s6 =	simm.s32 $_tile_overlayer_lowered  }
0x9b: {  	s7 =	simm.s32 $0x1BFF;
	s21 =	sshll.u32 s6, $0x1;
	s4 =	sadd.s32 s4, s20  }
0x9c: {  	s22 =	simm.s32 $0x0;
	s5 =	sshll.u32 s5, $0x1;
	s6 =	sadd.s32 s21, s4  }
0x9d: {  	[timem:s22], [sflag:s7] =	dma.local [hbm:s6], s5  }
0x9e: {  	_ =	swait.ge [sflag:s7], s5  }
0x9f: {  	s5 =	ssub.s32 $0x0, s5;
	[sflag:s7] =	ssyncset.done $0x0  }
0xa0: {  	[sflag:s7] =	ssyncadd.s32 s5;
	_ =	sdelay $0x1  }
0xa1: {  	s23 =	simm.s32 $0x1B8B  }
0xa2: {  	_ =	swait.ge [sflag:s23], $0x1  }
0xa3: {  	[sflag:s23] =	ssyncset.done $0x0  }
0xa4: {  	[sflag:s23] =	ssyncadd.s32 $0xFFFFFFFF  }
0xa5: {  	s5 =	sld [smem:$0x0]  }
0xa6: {  	s6 =	sand.u32 $0xFFFFFFFE, s1  }
0xa7: {  	p0 =	sne.s32 s1, s6  }
0xa8: {  	s6 =	sshll.u32 @p0 s6, $0xE  }
0xa9: {  	s6 =	sadd.s32 @p0 $0x11B8D, s6;
	s7 =	sshll.u32 @p0 s5, $0x11  }
0xaa: {  	s6 =	sor.u32 @p0 s7, s6  }
0xab: {  	[sflag:s6] =	ssyncadd.remote.s32 @p0 $0x1;
	_ =	sdelay $0x1  }
0xac: {  	s6 =	simm.s32 @p0 $0x1B8D  }
0xad: {  	_ =	swait.eq @p0 [sflag:s6], $0x1  }
0xae: {  	[sflag:s6] =	ssyncadd.s32 @p0 $0xFFFFFFFF  }
0xaf: {  	s7 =	sshll.u32 @!p0 s1, $0xE  }
0xb0: {  	s7 =	sor.u32 @!p0 $0x4000, s7;
	s6 =	simm.s32 @!p0 $0x1B8D  }
0xb1: {  	s5 =	sshll.u32 @!p0 s5, $0x11;
	s7 =	sadd.s32 @!p0 $0x11B8D, s7;
	_ =	swait.eq @!p0 [sflag:s6], $0x1  }
0xb2: {  	s5 =	sor.u32 @!p0 s5, s7;
	[sflag:s6] =	ssyncadd.s32 @!p0 $0xFFFFFFFF  }
0xb3: {  	s25 =	simm.s32 $0x1B8E;
	s24 =	sld [smem:$0x3FFE];
	[sflag:s5] =	ssyncadd.remote.s32 @!p0 $0x1  }
0xb4: {  	s26 =	simm.s32 $execute0_lowered;
	[smem:$0x3FD2] =	sst s25  }
0xb5: {  	s6 =	sshll.u32 s26, $0x1;
	_ =	strace $0x80000049;
	[dreg:$0x1] =	wrdreg $0xFFFFFFFF  }
0xb6: {  	s28 =	simm.s32 $_size_execute0_lowered;
	s4 =	sadd.s32 s4, s6;
	[dreg:$0x0] =	wrdreg $0x0  }
0xb7: {  	s6 =	sshll.u32 s28, $0x1;
	[dreg:$0x2] =	wrdreg s4  }
0xb8: {  	[dreg:$0x3] =	wrdreg s6  }
0xb9: {  	[dreg:$0x4] =	wrdreg $0xC0  }
0xba: {  	_ =	task [dreg:s22], $0x5FFFF  }
0xbb: {  	[dreg:$0x1] =	wrdreg $0xFFFFFFFF  }
0xbc: {  	[dreg:$0x0] =	wrdreg $0x60  }
0xbd: {  	[dreg:$0x2] =	wrdreg s18  }
0xbe: {  	[dreg:$0x3] =	wrdreg s24  }
0xbf: {  	[dreg:$0x4] =	wrdreg $0xA  }
0xc0: {  	_ =	task.clear_ibuf [dreg:s22], $0x5FFFF;
	_ =	strace $0x90000049  }
0xc1: {  	s29 =	simm.s32 $0xA;
	_ =	strace $0x8000004B  }
0xc2: {  	_ =	swait.ge [sflag:s29], $0x1  }
0xc3: {  	[sflag:s29] =	ssyncadd.s32 $0xFFFFFFFF  }
0xc4: {  	_ =	strace $0x9000004B  }
0xc5: {  	_ =	sfence  }
0xc6: {  	s30 =	sld [smem:$0x0];
	_ =	sdelay $0x2  }
0xc7: {  	s31 =	sshll.u32 s1, $0xD;
	s1 =	sshrl.u32 s1, $0x2  }
0xc8: {  	s4 =	sand.u32 $0x4000, s31;
	s1 =	sadd.s32 s1, s30  }
0xc9: {  	s0 =	sor.u32 s4, s0;
	s1 =	sshll.u32 s1, $0x11  }
0xca: {  	s0 =	sor.u32 s1, s0  }
0xcb: {  	s0 =	sadd.s32 $0x8F2B, s0  }
0xcc: {  	[sflag:s0] =	ssyncadd.remote.s32 $0x1  }
0xcd: {  	_ =	sfence.sel $0xFFFF  }
0xce: {  	[dreg:$0x0] =	wrdreg $0xFFFFFFFF;
	(pc) =	sbr.abs _section_cstart, $3  }
0xcf: {  	[dreg:$0x1] =	wrdreg $0xFFFFFFFF  }
0xd0: {  	_ =	task.clear_ibuf [dreg:s22], $0x2FFFF;
	_ =	strace $0x9FFFFFFF  }
0xd1: {  	(tm) =	ssettm $0x7FFFFFFF  }
tec
execute0_lowered:
.L_overlay_start_1:
0x0: {  	(tag) =	ssettag $0x1  }
0x1: {  	s2 =	rddreg [dreg:$0x0];
	s1 =	srdreg.scid  }
0x2: {  	s0 =	stileid.u32;
	s4 =	rddreg [dreg:$0x1]  }
0x3: {  	s3 =	simm.s32 $0x0;
	s10 =	simm.s32 $0x3E8;
	s6 =	smul.u32 $0x2710, s0  }
0x4: {  	s11 =	simm.s32 $0x400;
	s5 =	sand.u32 $0x1, s1;
	s8 =	smul.u32 $0x27100, s0  }
0x5: {  	s12 =	simm.s32 $0x1;
	s1 =	rddreg [dreg:$0x2];
	s7 =	smul.u32 $0x1388, s5  }
0x6: {  	s13 =	simm.s32 $0x0;
	[smem:$0x7FF] =	sst s3;
	s9 =	smul.u32 $0x13880, s5  }
0x7: {  	_ =	strace $0x8000004A;
	s5 =	ssub.s32 $0x2, s5;
	s29 =	sadd.s32 s8, s4  }
0x8: {  	s30 =	sshrl.u32 s5, $0x1;
	s6 =	sadd.s32 s7, s6;
	s7 =	sadd.s32 s9, s29  }
0x9: {  	s5 =	ssub.s32 s5, s30;
	s9 =	simm.s32 $0x2;
	s6 =	sshrl.u32 s6, $0x3  }
0xa: {  	s5 =	smax.u32 s5, $0x1;
	s31 =	sadd.s32 s6, s4;
	s4 =	sadd.s32 $0x4F5200, s7  }
0xb: {  	s6 =	sadd.s32 $0x766200, s7;
	s7 =	sadd.s32 $0xE200, s31;
	s8 =	sadd.s32 $0x4200, s31  }
.LBB2_1:
0xc: {  	s14 =	sadd.s32 $0x0, s8  }
0xd: {  	[tilespmem:s3], [sflag:$0x2] =	stream.linear.gather [hbm4b:s14+s3], $0x3E8, $0x38;
	[tilespmem:$0x1F800] =	vst v63  }
0xe: {  	_ =	swait.ge [sflag:s9], $0x3E8  }
0xf: {  	[sflag:s9] =	ssyncset.done $0x0  }
0x10: {  	[sflag:s9] =	ssyncadd.s32 $0xFFFFFC18  }
0x11: {  	[tilespmem:s11], [sflag:$0x1] =	stream.indirect.gather [hbm4b:s2+s10], $0x80, s3, s10, $0xb8;
	[tilespmem:$0x1F800] =	vst v63  }
0x12: {  	_ =	swait.ge [sflag:s12], $0x1F400  }
0x13: {  	[sflag:s12] =	ssyncset.done $0x0  }
0x14: {  	[sflag:s12] =	ssyncadd.s32 $0xFFFE0C00  }
0x15: {  	[hbm4b:s4+s3] =	stream.linear.scatter [tilespmem:s11], [sflag:$0x2], $0x1F400, $0x38;
	[tilespmem:$0x1F800] =	vst v63  }
0x16: {  	_ =	swait.ge [sflag:s9], $0x1F400  }
0x17: {  	[sflag:s9] =	ssyncset.done $0x0  }
0x18: {  	s31 =	sadd.s32 $0x0, s7;
	[sflag:s9] =	ssyncadd.s32 $0xFFFE0C00  }
0x19: {  	[tilespmem:s3], [sflag:$0x2] =	stream.linear.gather [hbm4b:s31+s3], $0x3E8, $0x38;
	[tilespmem:$0x1F800] =	vst v63  }
0x1a: {  	_ =	swait.ge [sflag:s9], $0x3E8  }
0x1b: {  	[sflag:s9] =	ssyncset.done $0x0  }
0x1c: {  	[sflag:s9] =	ssyncadd.s32 $0xFFFFFC18  }
0x1d: {  	[tilespmem:s11], [sflag:$0x1] =	stream.indirect.gather [hbm4b:s2+s10], $0x80, s3, s10, $0xb8;
	[tilespmem:$0x1F800] =	vst v63  }
0x1e: {  	_ =	swait.ge [sflag:s12], $0x1F400  }
0x1f: {  	[sflag:s12] =	ssyncset.done $0x0  }
0x20: {  	[sflag:s12] =	ssyncadd.s32 $0xFFFE0C00  }
0x21: {  	[hbm4b:s6+s3] =	stream.linear.scatter [tilespmem:s11], [sflag:$0x2], $0x1F400, $0x38;
	[tilespmem:$0x1F800] =	vst v63  }
0x22: {  	s15 =	simm.s32 $0x7D;
	s17 =	simm.s32 $0xFA;
	_ =	swait.ge [sflag:s9], $0x1F400  }
0x23: {  	s16 =	sadd.s32 $0x3E80, s4;
	s14 =	sadd.s32 $0x3E80, s6;
	[sflag:s9] =	ssyncset.done $0x0  }
.LBB2_2:
0x24: {  	s18 =	sadd.s32 s15, s8  }
0x25: {  	[sflag:s9] =	ssyncadd.s32 $0xFFFE0C00;
	s19 =	smov.u32 s17;
	s20 =	sadd.s32 $0x7D, s17  }
0x26: {  	[tilespmem:s3], [sflag:$0x2] =	stream.linear.gather [hbm4b:s18+s3], $0x3E8, $0x38;
	[tilespmem:$0x1F800] =	vst v63  }
0x27: {  	p0 =	sne.s32 s17, $0x1F4;
	_ =	swait.ge [sflag:s9], $0x3E8  }
0x28: {  	[sflag:s9] =	ssyncset.done $0x0  }
0x29: {  	[sflag:s9] =	ssyncadd.s32 $0xFFFFFC18  }
0x2a: {  	[tilespmem:s11], [sflag:$0x1] =	stream.indirect.gather [hbm4b:s2+s10], $0x80, s3, s10, $0xb8;
	[tilespmem:$0x1F800] =	vst v63  }
0x2b: {  	_ =	swait.ge [sflag:s12], $0x1F400  }
0x2c: {  	[sflag:s12] =	ssyncset.done $0x0  }
0x2d: {  	[sflag:s12] =	ssyncadd.s32 $0xFFFE0C00  }
0x2e: {  	[hbm4b:s16+s3] =	stream.linear.scatter [tilespmem:s11], [sflag:$0x2], $0x1F400, $0x38;
	[tilespmem:$0x1F800] =	vst v63  }
0x2f: {  	_ =	swait.ge [sflag:s9], $0x1F400  }
0x30: {  	[sflag:s9] =	ssyncset.done $0x0  }
0x31: {  	s17 =	sadd.s32 s15, s7;
	s15 =	smov.u32 s19;
	[sflag:s9] =	ssyncadd.s32 $0xFFFE0C00  }
0x32: {  	[tilespmem:s3], [sflag:$0x2] =	stream.linear.gather [hbm4b:s17+s3], $0x3E8, $0x38;
	[tilespmem:$0x1F800] =	vst v63  }
0x33: {  	_ =	swait.ge [sflag:s9], $0x3E8  }
0x34: {  	[sflag:s9] =	ssyncset.done $0x0  }
0x35: {  	[sflag:s9] =	ssyncadd.s32 $0xFFFFFC18  }
0x36: {  	[tilespmem:s11], [sflag:$0x1] =	stream.indirect.gather [hbm4b:s2+s10], $0x80, s3, s10, $0xb8;
	[tilespmem:$0x1F800] =	vst v63  }
0x37: {  	_ =	swait.ge [sflag:s12], $0x1F400  }
.Ltmp0:
0x38: {  	[sflag:s12] =	ssyncset.done $0x0;
	(pc) =	sbr.rel @p0 .LBB2_2-.Ltmp0, $4  }
0x39: {  	[sflag:s12] =	ssyncadd.s32 $0xFFFE0C00  }
0x3a: {  	[hbm4b:s14+s3] =	stream.linear.scatter [tilespmem:s11], [sflag:$0x2], $0x1F400, $0x38;
	[tilespmem:$0x1F800] =	vst v63  }
0x3b: {  	s16 =	sadd.s32 $0x3E80, s16;
	_ =	swait.ge [sflag:s9], $0x1F400  }
0x3c: {  	s17 =	smov.u32 s20;
	s14 =	sadd.s32 $0x3E80, s14;
	[sflag:s9] =	ssyncset.done $0x0  }
0x3d: {  	s17 =	sadd.s32 s15, s8;
	[sflag:s9] =	ssyncadd.s32 $0xFFFE0C00  }
0x3e: {  	[tilespmem:s3], [sflag:$0x2] =	stream.linear.gather [hbm4b:s17+s3], $0x3E8, $0x38;
	[tilespmem:$0x1F800] =	vst v63  }
0x3f: {  	_ =	swait.ge [sflag:s9], $0x3E8  }
0x40: {  	[sflag:s9] =	ssyncset.done $0x0  }
0x41: {  	[sflag:s9] =	ssyncadd.s32 $0xFFFFFC18  }
0x42: {  	[tilespmem:s11], [sflag:$0x1] =	stream.indirect.gather [hbm4b:s2+s10], $0x80, s3, s10, $0xb8;
	[tilespmem:$0x1F800] =	vst v63  }
0x43: {  	_ =	swait.ge [sflag:s12], $0x1F400  }
0x44: {  	[sflag:s12] =	ssyncset.done $0x0  }
0x45: {  	[sflag:s12] =	ssyncadd.s32 $0xFFFE0C00  }
0x46: {  	[hbm4b:s16+s3] =	stream.linear.scatter [tilespmem:s11], [sflag:$0x2], $0x1F400, $0x38;
	[tilespmem:$0x1F800] =	vst v63  }
0x47: {  	_ =	swait.ge [sflag:s9], $0x1F400  }
0x48: {  	[sflag:s9] =	ssyncset.done $0x0  }
0x49: {  	s31 =	sadd.s32 s15, s7;
	[sflag:s9] =	ssyncadd.s32 $0xFFFE0C00  }
0x4a: {  	[tilespmem:s3], [sflag:$0x2] =	stream.linear.gather [hbm4b:s31+s3], $0x3E8, $0x38;
	[tilespmem:$0x1F800] =	vst v63  }
0x4b: {  	_ =	swait.ge [sflag:s9], $0x3E8  }
0x4c: {  	[sflag:s9] =	ssyncset.done $0x0  }
0x4d: {  	[sflag:s9] =	ssyncadd.s32 $0xFFFFFC18  }
0x4e: {  	[tilespmem:s11], [sflag:$0x1] =	stream.indirect.gather [hbm4b:s2+s10], $0x80, s3, s10, $0xb8;
	[tilespmem:$0x1F800] =	vst v63  }
0x4f: {  	s13 =	sadd.s32 $0x1, s13;
	_ =	swait.ge [sflag:s12], $0x1F400  }
0x50: {  	p0 =	sne.s32 s13, s5;
	[sflag:s12] =	ssyncset.done $0x0  }
.Ltmp1:
0x51: {  	[sflag:s12] =	ssyncadd.s32 $0xFFFE0C00;
	(pc) =	sbr.rel @p0 .LBB2_1-.Ltmp1, $4  }
0x52: {  	[hbm4b:s14+s3] =	stream.linear.scatter [tilespmem:s11], [sflag:$0x2], $0x1F400, $0x38;
	[tilespmem:$0x1F800] =	vst v63  }
0x53: {  	_ =	swait.ge [sflag:s9], $0x1F400  }
0x54: {  	[sflag:s9] =	ssyncset.done $0x0  }
0x55: {  	[sflag:s9] =	ssyncadd.s32 $0xFFFE0C00  }
0x56: {  	_ =	sfence.sel $0x180000  }
0x57: {  	[bflag:$0x0] =	sbarrier.arrive $0xFFFF  }
0x58: {  	p0 =	sne.s32 s0, $0x0;
	_ =	strace $0x9000004A  }
0x59: {  	s0 =	sadd.s32 @!p0 $0x100000, s1;
	[bflag:$0x2] =	sbarrier.arrive $0xFFFF  }
0x5a: {  	[sflag:s0] =	ssyncadd.tile.s32 @!p0 $0x1;
	_ =	shalt  }
.Lfunc_end2:
_tile_overlayer_lowered:
.L_overlay_start_2:
0x5b: {  	(tag) =	ssettag $0x2  }
0x5c: {  	s0 =	rddreg [dreg:$0x0];
	s2 =	stileid.u32  }
0x5d: {  	s1 =	rddreg [dreg:$0x1];
	p0 =	sne.s32 s2, $0x0  }
0x5e: {  	s3 =	rddreg [dreg:$0x2];
	[bflag:$0x3] =	sbarrier.arrive $0xFFFF;
	s2 =	simm.s32 @!p0 $0x1C02  }
0x5f: {  	[timem:s3], [sflag:s2] =	dma.local @!p0 [hbm:s0], s1  }
0x60: {  	s0 =	simm.s32 @!p0 $0x2  }
0x61: {  	_ =	swait.ge @!p0 [sflag:s0], s1  }
0x62: {  	s1 =	ssub.s32 @!p0 $0x0, s1;
	[sflag:s0] =	ssyncset.done @!p0 $0x0  }
0x63: {  	[sflag:s0] =	ssyncadd.s32 @!p0 s1  }
0x64: {  	[bflag:$0x3] =	sbarrier.arrive $0xFFFF  }
0x65: {  	_ =	shalt  }

// kernel: kernel.14.cloned.1.call-start
scs
__scs_entry_jumppad:
0x0: {  	(pc) =	sbr.rel $0x88, $3  }
0x1: {  	(tag) =	ssettag $0x0;
	lr =	simm.s32 $0x1  }
0x2: {  	[smem:$0x3F93] =	sst lr;
	_ =	strace $0xD0000000  }
0x3: {  	_ = 	snop  }
0x4: {  	_ = 	snop  }
0x5: {  	_ = 	snop  }
0x6: {  	_ = 	snop  }
0x7: {  	_ = 	snop  }
__scs_overlays_trampoline_lowered:
0x8: {  	[smem:$0x3FA2] =	sst s0  }
0x9: {  	[smem:$0x3FA3] =	sst s1  }
0xa: {  	[smem:$0x3FA4] =	sst s2  }
0xb: {  	[smem:$0x3FA5] =	sst s3  }
0xc: {  	[smem:$0x3FA6] =	sst s4  }
0xd: {  	[smem:$0x3FA7] =	sst s5  }
0xe: {  	[smem:$0x3FA8] =	sst s6  }
0xf: {  	[smem:$0x3FA9] =	sst s7  }
0x10: {  	[smem:$0x3FAA] =	sst s8  }
0x11: {  	[smem:$0x3FAB] =	sst s9;
	s0 =	simm.s32 @!p0 $0x0  }
0x12: {  	s1 =	sld [smem:$0x3F91];
	s0 =	simm.s32 @p0 $0x1  }
0x13: {  	[smem:$0x3FAC] =	sst s0;
	s0 =	simm.s32 @!p1 $0x0  }
0x14: {  	s2 =	sld [smem:$0x3F90];
	s0 =	simm.s32 @p1 $0x1  }
0x15: {  	[smem:$0x3FAD] =	sst s0;
	s0 =	simm.s32 @!p2 $0x0  }
0x16: {  	s3 =	sld [smem:$0x3FDB];
	s0 =	simm.s32 @p2 $0x1  }
0x17: {  	s4 =	simm.s32 $0x1BF5;
	[smem:$0x3FAF] =	sst s0  }
0x18: {  	s0 =	sld [smem:$0x3F92];
	_ =	swait.ge [sflag:s4], $0x0  }
0x19: {  	s7 =	sld [smem:$0x3F93]  }
0x1a: {  	s8 =	sadd.s32 $0xFFFFE003, lr  }
0x1b: {  	s9 =	sadd.s32 $0xFFFFFEF7, lr;
	s5 =	simm.s32 $0xFFFFFFFF;
	p2 =	slt.u32 s8, $0xFFFFF086  }
0x1c: {  	p1 =	slt.u32 s9, $0xF7A;
	s5 =	simm.s32 @!p2 $0x0  }
0x1d: {  	s5 =	simm.s32 @p1 $0x1;
	p0 =	seq.s32 s7, s2  }
0x1e: {  	s7 =	smul.u32 @!p0 $0xF7A, s2;
	p2 =	seq.s32 @!p0 s5, $0x0  }
0x1f: {  	s9 =	smul.u32 $0xF7A, s1;
	s8 =	simm.s32 @!p0 $0x1BF5;
	p2 =	por !p2, p0  }
0x20: {  	[sflag:s8] =	ssyncset.s32 @!p0 $0xFFFFF086;
	s6 =	sadd.s32 @!p0 s3, s7;
	s7 =	simm.s32 @!p0 $0x108  }
0x21: {  	s3 =	sadd.s32 s3, s9;
	s6 =	sadd.s32 @!p0 $0x88, s6;
	s7 =	simm.s32 @p2 $0x1082  }
0x22: {  	[simem:s7], [sflag:s8] =	dma.local @!p0 [hbm:s6], $0xF7A  }
0x23: {  	s9 =	sor.u32 $0xD0000000, s2;
	s6 =	simm.s32 $0x108;
	_ =	swait.ge @!p0 [sflag:s8], $0x0  }
0x24: {  	s3 =	sadd.s32 $0x88, s3;
	s6 =	simm.s32 @!p1 $0x1082;
	[sflag:s4] =	ssyncset.s32 $0xFFFFF086  }
0x25: {  	[simem:s6], [sflag:s4] =	dma.local [hbm:s3], $0xF7A  }
0x26: {  	[smem:$0x3F93] =	sst s1;
	(tag) =	ssettag s2;
	_ =	strace s9  }
0x27: {  	s1 =	sld [smem:$0x3FA3]  }
0x28: {  	s2 =	sld [smem:$0x3FA4]  }
0x29: {  	s4 =	sld [smem:$0x3FA6]  }
0x2a: {  	p0 =	seq.s32 s5, $0x0;
	s5 =	sld [smem:$0x3FA7]  }
0x2b: {  	s6 =	sld [smem:$0x3FA8]  }
0x2c: {  	s7 =	sld [smem:$0x3FA9]  }
0x2d: {  	s3 =	simm.s32 $0x108;
	s8 =	sld [smem:$0x3FAA]  }
0x2e: {  	s3 =	simm.s32 @!p0 $0x1082;
	s9 =	sld [smem:$0x3FAB]  }
0x2f: {  	lr =	sadd.s32 s0, s3;
	s0 =	sld [smem:$0x3FA2]  }
0x30: {  	s3 =	sld [smem:$0x3FA5]  }
0x31: {  	[smem:$0x3FAE] =	sst s10  }
0x32: {  	s10 =	sld [smem:$0x3FAC];
	_ =	sdelay $0x3  }
0x33: {  	p0 =	seq.s32 s10, $0x1;
	s10 =	sld [smem:$0x3FAE];
	_ =	sdelay $0x3  }
0x34: {  	[smem:$0x3FAE] =	sst s10  }
0x35: {  	s10 =	sld [smem:$0x3FAD];
	_ =	sdelay $0x3  }
0x36: {  	p1 =	seq.s32 s10, $0x1;
	s10 =	sld [smem:$0x3FAE];
	_ =	sdelay $0x3  }
0x37: {  	[smem:$0x3FAE] =	sst s10  }
0x38: {  	s10 =	sld [smem:$0x3FAF]  }
0x39: {  	_ = 	snop;
	(pc) =	sbr.ind lr, $3  }
0x3a: {  	_ = 	snop  }
0x3b: {  	_ = 	snop  }
0x3c: {  	p2 =	seq.s32 s10, $0x1;
	s10 =	sld [smem:$0x3FAE]  }
0x3d: {  	_ =	shalt  }
0x3e: {  	_ =	shalt  }
0x3f: {  	_ =	shalt  }
0x40: {  	_ =	shalt  }
0x41: {  	_ =	shalt  }
0x42: {  	_ =	shalt  }
0x43: {  	_ =	shalt  }
0x44: {  	_ =	shalt  }
0x45: {  	_ =	shalt  }
0x46: {  	_ =	shalt  }
0x47: {  	_ =	shalt  }
0x48: {  	_ =	shalt  }
0x49: {  	_ =	shalt  }
0x4a: {  	_ =	shalt  }
0x4b: {  	_ =	shalt  }
0x4c: {  	_ =	shalt  }
0x4d: {  	_ =	shalt  }
0x4e: {  	_ =	shalt  }
0x4f: {  	_ =	shalt  }
0x50: {  	_ =	shalt  }
0x51: {  	_ =	shalt  }
0x52: {  	_ =	shalt  }
0x53: {  	_ =	shalt  }
0x54: {  	_ =	shalt  }
0x55: {  	_ =	shalt  }
0x56: {  	_ =	shalt  }
0x57: {  	_ =	shalt  }
0x58: {  	_ =	shalt  }
0x59: {  	_ =	shalt  }
0x5a: {  	_ =	shalt  }
0x5b: {  	_ =	shalt  }
0x5c: {  	_ =	shalt  }
0x5d: {  	_ =	shalt  }
0x5e: {  	_ =	shalt  }
0x5f: {  	_ =	shalt  }
0x60: {  	_ =	shalt  }
0x61: {  	_ =	shalt  }
0x62: {  	_ =	shalt  }
0x63: {  	_ =	shalt  }
0x64: {  	_ =	shalt  }
0x65: {  	_ =	shalt  }
0x66: {  	_ =	shalt  }
0x67: {  	_ =	shalt  }
0x68: {  	_ =	shalt  }
0x69: {  	_ =	shalt  }
0x6a: {  	_ =	shalt  }
0x6b: {  	_ =	shalt  }
0x6c: {  	_ =	shalt  }
0x6d: {  	_ =	shalt  }
0x6e: {  	_ =	shalt  }
0x6f: {  	_ =	shalt  }
0x70: {  	_ =	shalt  }
0x71: {  	_ =	shalt  }
0x72: {  	_ =	shalt  }
0x73: {  	_ =	shalt  }
0x74: {  	_ =	shalt  }
0x75: {  	_ =	shalt  }
0x76: {  	_ =	shalt  }
0x77: {  	_ =	shalt  }
0x78: {  	_ =	shalt  }
0x79: {  	_ =	shalt  }
0x7a: {  	_ =	shalt  }
0x7b: {  	_ =	shalt  }
0x7c: {  	_ =	shalt  }
0x7d: {  	_ =	shalt  }
0x7e: {  	_ =	shalt  }
0x7f: {  	_ =	shalt  }
0x80: {  	_ =	shalt  }
0x81: {  	_ =	shalt  }
0x82: {  	_ =	shalt  }
0x83: {  	_ =	shalt  }
0x84: {  	_ =	shalt  }
0x85: {  	_ =	shalt  }
0x86: {  	_ =	shalt  }
0x87: {  	_ =	shalt  }
.Lfunc_end0:
.L_simem_size_0:
called_computation.1_lowered:
.L_overlay_start_0:
0x88: {  	s2 =	sld [smem:$0x3FD9]  }
0x89: {  	s3 =	sld [smem:$0x3FFE];
	_ =	sdelay $0x1  }
0x8a: {  	s1 =	srdreg.scid  }
0x8b: {  	s0 =	sand.u32 $0x1, s1  }
0x8c: {  	s17 =	sshll.u32 s0, $0xA;
	s2 =	sadd.s32 s3, s2  }
0x8d: {  	s2 =	sadd.s32 s2, s17  }
0x8e: {  	[smem:$0x3FBA] =	sst s2  }
0x8f: {  	_ = 	snop  }
0x90: {  	s2 =	sld [smem:$0x3FC4]  }
0x91: {  	s18 =	sld [smem:$0x3FD0];
	(tm) =	ssettm $0x1  }
0x92: {  	s4 =	sld [smem:$0x3FFB];
	_ =	sdelay $0x3  }
0x93: {  	_ =	strace s4  }
0x94: {  	s4 =	sld [smem:$0x3FFC];
	_ =	sdelay $0x3  }
0x95: {  	_ =	strace s4  }
0x96: {  	s4 =	sld [smem:$0x3FFD];
	_ =	sdelay $0x3  }
0x97: {  	_ =	strace s4  }
0x98: {  	_ =	strace $0x8FFFFFFF  }
0x99: {  	s19 =	sld [smem:$0x3FDB];
	_ =	sdelay $0x1  }
0x9a: {  	s5 =	simm.s32 $_scs_section_size  }
0x9b: {  	s6 =	simm.s32 $_size__tile_overlayer_lowered;
	s7 =	simm.s32 $_tile_overlayer_lowered  }
0x9c: {  	s22 =	simm.s32 $0x1BFF;
	s21 =	sshll.u32 s7, $0x1;
	s4 =	sadd.s32 s5, s19  }
0x9d: {  	s8 =	simm.s32 $0x0;
	s20 =	sshll.u32 s6, $0x1;
	s6 =	sadd.s32 s21, s4  }
0x9e: {  	[timem:s8], [sflag:s22] =	dma.local [hbm:s6], s20  }
0x9f: {  	_ =	swait.ge [sflag:s22], s20  }
0xa0: {  	s5 =	ssub.s32 $0x0, s20;
	[sflag:s22] =	ssyncset.done $0x0  }
0xa1: {  	[sflag:s22] =	ssyncadd.s32 s5;
	_ =	sdelay $0x1  }
0xa2: {  	s23 =	simm.s32 $0x1B8B  }
0xa3: {  	_ =	swait.ge [sflag:s23], $0x1  }
0xa4: {  	[sflag:s23] =	ssyncset.done $0x0  }
0xa5: {  	s25 =	simm.s32 $0x1B8E;
	s24 =	sld [smem:$0x3FFE];
	[sflag:s23] =	ssyncadd.s32 $0xFFFFFFFF  }
0xa6: {  	s26 =	simm.s32 $execute0_lowered;
	[smem:$0x3FD2] =	sst s25  }
0xa7: {  	s6 =	sshll.u32 s26, $0x1;
	_ =	strace $0x80000046;
	[dreg:$0x1] =	wrdreg $0xFFFFFFFF  }
0xa8: {  	s28 =	simm.s32 $_size_execute0_lowered;
	s4 =	sadd.s32 s4, s6;
	[dreg:$0x0] =	wrdreg $0x0  }
0xa9: {  	s6 =	sshll.u32 s28, $0x1;
	[dreg:$0x2] =	wrdreg s4  }
0xaa: {  	[dreg:$0x3] =	wrdreg s6  }
0xab: {  	[dreg:$0x4] =	wrdreg $0xC0  }
0xac: {  	_ =	task [dreg:s8], $0x5FFFF  }
0xad: {  	[dreg:$0x1] =	wrdreg $0xFFFFFFFF  }
0xae: {  	[dreg:$0x0] =	wrdreg $0x60  }
0xaf: {  	[dreg:$0x2] =	wrdreg s2  }
0xb0: {  	[dreg:$0x3] =	wrdreg s18  }
0xb1: {  	[dreg:$0x4] =	wrdreg s24  }
0xb2: {  	[dreg:$0x5] =	wrdreg $0x9  }
0xb3: {  	_ =	task.clear_ibuf [dreg:s8], $0x6FFFF;
	_ =	strace $0x90000046  }
0xb4: {  	s29 =	simm.s32 $0x9;
	_ =	strace $0x80000048  }
0xb5: {  	_ =	swait.ge [sflag:s29], $0x1  }
0xb6: {  	[sflag:s29] =	ssyncadd.s32 $0xFFFFFFFF  }
0xb7: {  	_ =	strace $0x90000048  }
0xb8: {  	_ =	sfence  }
0xb9: {  	s30 =	sld [smem:$0x0];
	_ =	sdelay $0x2  }
0xba: {  	s31 =	sshll.u32 s1, $0xD;
	s1 =	sshrl.u32 s1, $0x2  }
0xbb: {  	s3 =	sand.u32 $0x4000, s31;
	s1 =	sadd.s32 s1, s30  }
0xbc: {  	s0 =	sor.u32 s3, s0;
	s1 =	sshll.u32 s1, $0x11  }
0xbd: {  	s0 =	sor.u32 s1, s0  }
0xbe: {  	s0 =	sadd.s32 $0x8F2B, s0  }
0xbf: {  	[sflag:s0] =	ssyncadd.remote.s32 $0x1  }
0xc0: {  	_ =	sfence.sel $0xFFFF  }
0xc1: {  	[dreg:$0x0] =	wrdreg $0xFFFFFFFF;
	(pc) =	sbr.abs _section_cstart, $3  }
0xc2: {  	[dreg:$0x1] =	wrdreg $0xFFFFFFFF  }
0xc3: {  	_ =	task.clear_ibuf [dreg:s8], $0x2FFFF;
	_ =	strace $0x9FFFFFFF  }
0xc4: {  	(tm) =	ssettm $0x7FFFFFFF  }
0xc5: {  	_ =	shalt  }
tec
execute0_lowered:
.L_overlay_start_1:
0x0: {  	(tag) =	ssettag $0x1  }
0x1: {  	s1 =	rddreg [dreg:$0x0]  }
0x2: {  	s8 =	rddreg [dreg:$0x1]  }
0x3: {  	s4 =	rddreg [dreg:$0x2]  }
0x4: {  	s0 =	rddreg [dreg:$0x3];
	s2 =	stileid.u32  }
0x5: {  	s5 =	srdreg.scid;
	s3 =	simm.s32 $0x0;
	s6 =	smul.u32 $0x2710, s2  }
0x6: {  	s12 =	simm.s32 $0x1;
	s5 =	sand.u32 $0x1, s5;
	s9 =	smul.u32 $0x27100, s2  }
0x7: {  	s13 =	simm.s32 $0x0;
	[smem:$0x7FF] =	sst s3;
	s7 =	smul.u32 $0x1388, s5  }
0x8: {  	_ =	strace $0x80000047;
	s10 =	ssub.s32 $0x2, s5;
	s5 =	smul.u32 $0x13880, s5  }
0x9: {  	s29 =	sshrl.u32 s10, $0x1;
	s30 =	sadd.s32 s9, s4;
	s6 =	sadd.s32 s7, s6  }
0xa: {  	s9 =	simm.s32 $0x2;
	s7 =	ssub.s32 s10, s29;
	s11 =	sshrl.u32 s6, $0x3  }
0xb: {  	s10 =	simm.s32 $0x3E8;
	s6 =	sadd.s32 s5, s30;
	s31 =	sadd.s32 s11, s4  }
0xc: {  	s4 =	smax.u32 s7, $0x1;
	s5 =	sadd.s32 $0x13200, s6;
	s6 =	sadd.s32 $0x284200, s6  }
0xd: {  	s8 =	sadd.s32 s11, s8;
	s11 =	simm.s32 $0x400;
	s7 =	sadd.s32 $0x9200, s31  }
.LBB2_1:
0xe: {  	s14 =	sadd.s32 $0x0, s8  }
0xf: {  	[tilespmem:s3], [sflag:$0x2] =	stream.linear.gather [hbm4b:s14+s3], $0x3E8, $0x38;
	[tilespmem:$0x1F800] =	vst v63  }
0x10: {  	_ =	swait.ge [sflag:s9], $0x3E8  }
0x11: {  	[sflag:s9] =	ssyncset.done $0x0  }
0x12: {  	[sflag:s9] =	ssyncadd.s32 $0xFFFFFC18  }
0x13: {  	[tilespmem:s11], [sflag:$0x1] =	stream.indirect.gather [hbm4b:s1+s10], $0x80, s3, s10, $0xb8;
	[tilespmem:$0x1F800] =	vst v63  }
0x14: {  	_ =	swait.ge [sflag:s12], $0x1F400  }
0x15: {  	[sflag:s12] =	ssyncset.done $0x0  }
0x16: {  	[sflag:s12] =	ssyncadd.s32 $0xFFFE0C00  }
0x17: {  	[hbm4b:s5+s3] =	stream.linear.scatter [tilespmem:s11], [sflag:$0x2], $0x1F400, $0x38;
	[tilespmem:$0x1F800] =	vst v63  }
0x18: {  	_ =	swait.ge [sflag:s9], $0x1F400  }
0x19: {  	[sflag:s9] =	ssyncset.done $0x0  }
0x1a: {  	s31 =	sadd.s32 $0x0, s7;
	[sflag:s9] =	ssyncadd.s32 $0xFFFE0C00  }
0x1b: {  	[tilespmem:s3], [sflag:$0x2] =	stream.linear.gather [hbm4b:s31+s3], $0x3E8, $0x38;
	[tilespmem:$0x1F800] =	vst v63  }
0x1c: {  	_ =	swait.ge [sflag:s9], $0x3E8  }
0x1d: {  	[sflag:s9] =	ssyncset.done $0x0  }
0x1e: {  	[sflag:s9] =	ssyncadd.s32 $0xFFFFFC18  }
0x1f: {  	[tilespmem:s11], [sflag:$0x1] =	stream.indirect.gather [hbm4b:s1+s10], $0x80, s3, s10, $0xb8;
	[tilespmem:$0x1F800] =	vst v63  }
0x20: {  	_ =	swait.ge [sflag:s12], $0x1F400  }
0x21: {  	[sflag:s12] =	ssyncset.done $0x0  }
0x22: {  	[sflag:s12] =	ssyncadd.s32 $0xFFFE0C00  }
0x23: {  	[hbm4b:s6+s3] =	stream.linear.scatter [tilespmem:s11], [sflag:$0x2], $0x1F400, $0x38;
	[tilespmem:$0x1F800] =	vst v63  }
0x24: {  	s15 =	simm.s32 $0x7D;
	s17 =	simm.s32 $0xFA;
	_ =	swait.ge [sflag:s9], $0x1F400  }
0x25: {  	s16 =	sadd.s32 $0x3E80, s5;
	s14 =	sadd.s32 $0x3E80, s6;
	[sflag:s9] =	ssyncset.done $0x0  }
.LBB2_2:
0x26: {  	s18 =	sadd.s32 s15, s8  }
0x27: {  	[sflag:s9] =	ssyncadd.s32 $0xFFFE0C00;
	s19 =	smov.u32 s17;
	s20 =	sadd.s32 $0x7D, s17  }
0x28: {  	[tilespmem:s3], [sflag:$0x2] =	stream.linear.gather [hbm4b:s18+s3], $0x3E8, $0x38;
	[tilespmem:$0x1F800] =	vst v63  }
0x29: {  	p0 =	sne.s32 s17, $0x1F4;
	_ =	swait.ge [sflag:s9], $0x3E8  }
0x2a: {  	[sflag:s9] =	ssyncset.done $0x0  }
0x2b: {  	[sflag:s9] =	ssyncadd.s32 $0xFFFFFC18  }
0x2c: {  	[tilespmem:s11], [sflag:$0x1] =	stream.indirect.gather [hbm4b:s1+s10], $0x80, s3, s10, $0xb8;
	[tilespmem:$0x1F800] =	vst v63  }
0x2d: {  	_ =	swait.ge [sflag:s12], $0x1F400  }
0x2e: {  	[sflag:s12] =	ssyncset.done $0x0  }
0x2f: {  	[sflag:s12] =	ssyncadd.s32 $0xFFFE0C00  }
0x30: {  	[hbm4b:s16+s3] =	stream.linear.scatter [tilespmem:s11], [sflag:$0x2], $0x1F400, $0x38;
	[tilespmem:$0x1F800] =	vst v63  }
0x31: {  	_ =	swait.ge [sflag:s9], $0x1F400  }
0x32: {  	[sflag:s9] =	ssyncset.done $0x0  }
0x33: {  	s17 =	sadd.s32 s15, s7;
	s15 =	smov.u32 s19;
	[sflag:s9] =	ssyncadd.s32 $0xFFFE0C00  }
0x34: {  	[tilespmem:s3], [sflag:$0x2] =	stream.linear.gather [hbm4b:s17+s3], $0x3E8, $0x38;
	[tilespmem:$0x1F800] =	vst v63  }
0x35: {  	_ =	swait.ge [sflag:s9], $0x3E8  }
0x36: {  	[sflag:s9] =	ssyncset.done $0x0  }
0x37: {  	[sflag:s9] =	ssyncadd.s32 $0xFFFFFC18  }
0x38: {  	[tilespmem:s11], [sflag:$0x1] =	stream.indirect.gather [hbm4b:s1+s10], $0x80, s3, s10, $0xb8;
	[tilespmem:$0x1F800] =	vst v63  }
0x39: {  	_ =	swait.ge [sflag:s12], $0x1F400  }
.Ltmp0:
0x3a: {  	[sflag:s12] =	ssyncset.done $0x0;
	(pc) =	sbr.rel @p0 .LBB2_2-.Ltmp0, $4  }
0x3b: {  	[sflag:s12] =	ssyncadd.s32 $0xFFFE0C00  }
0x3c: {  	[hbm4b:s14+s3] =	stream.linear.scatter [tilespmem:s11], [sflag:$0x2], $0x1F400, $0x38;
	[tilespmem:$0x1F800] =	vst v63  }
0x3d: {  	s16 =	sadd.s32 $0x3E80, s16;
	_ =	swait.ge [sflag:s9], $0x1F400  }
0x3e: {  	s17 =	smov.u32 s20;
	s14 =	sadd.s32 $0x3E80, s14;
	[sflag:s9] =	ssyncset.done $0x0  }
0x3f: {  	s17 =	sadd.s32 s15, s8;
	[sflag:s9] =	ssyncadd.s32 $0xFFFE0C00  }
0x40: {  	[tilespmem:s3], [sflag:$0x2] =	stream.linear.gather [hbm4b:s17+s3], $0x3E8, $0x38;
	[tilespmem:$0x1F800] =	vst v63  }
0x41: {  	_ =	swait.ge [sflag:s9], $0x3E8  }
0x42: {  	[sflag:s9] =	ssyncset.done $0x0  }
0x43: {  	[sflag:s9] =	ssyncadd.s32 $0xFFFFFC18  }
0x44: {  	[tilespmem:s11], [sflag:$0x1] =	stream.indirect.gather [hbm4b:s1+s10], $0x80, s3, s10, $0xb8;
	[tilespmem:$0x1F800] =	vst v63  }
0x45: {  	_ =	swait.ge [sflag:s12], $0x1F400  }
0x46: {  	[sflag:s12] =	ssyncset.done $0x0  }
0x47: {  	[sflag:s12] =	ssyncadd.s32 $0xFFFE0C00  }
0x48: {  	[hbm4b:s16+s3] =	stream.linear.scatter [tilespmem:s11], [sflag:$0x2], $0x1F400, $0x38;
	[tilespmem:$0x1F800] =	vst v63  }
0x49: {  	_ =	swait.ge [sflag:s9], $0x1F400  }
0x4a: {  	[sflag:s9] =	ssyncset.done $0x0  }
0x4b: {  	s31 =	sadd.s32 s15, s7;
	[sflag:s9] =	ssyncadd.s32 $0xFFFE0C00  }
0x4c: {  	[tilespmem:s3], [sflag:$0x2] =	stream.linear.gather [hbm4b:s31+s3], $0x3E8, $0x38;
	[tilespmem:$0x1F800] =	vst v63  }
0x4d: {  	_ =	swait.ge [sflag:s9], $0x3E8  }
0x4e: {  	[sflag:s9] =	ssyncset.done $0x0  }
0x4f: {  	[sflag:s9] =	ssyncadd.s32 $0xFFFFFC18  }
0x50: {  	[tilespmem:s11], [sflag:$0x1] =	stream.indirect.gather [hbm4b:s1+s10], $0x80, s3, s10, $0xb8;
	[tilespmem:$0x1F800] =	vst v63  }
0x51: {  	s13 =	sadd.s32 $0x1, s13;
	_ =	swait.ge [sflag:s12], $0x1F400  }
0x52: {  	p0 =	sne.s32 s13, s4;
	[sflag:s12] =	ssyncset.done $0x0  }
.Ltmp1:
0x53: {  	[sflag:s12] =	ssyncadd.s32 $0xFFFE0C00;
	(pc) =	sbr.rel @p0 .LBB2_1-.Ltmp1, $4  }
0x54: {  	[hbm4b:s14+s3] =	stream.linear.scatter [tilespmem:s11], [sflag:$0x2], $0x1F400, $0x38;
	[tilespmem:$0x1F800] =	vst v63  }
0x55: {  	_ =	swait.ge [sflag:s9], $0x1F400  }
0x56: {  	[sflag:s9] =	ssyncset.done $0x0  }
0x57: {  	[sflag:s9] =	ssyncadd.s32 $0xFFFE0C00  }
0x58: {  	_ =	sfence.sel $0x180000  }
0x59: {  	[bflag:$0x0] =	sbarrier.arrive $0xFFFF  }
0x5a: {  	p0 =	sne.s32 s2, $0x0;
	_ =	strace $0x90000047  }
0x5b: {  	s0 =	sadd.s32 @!p0 $0x100000, s0;
	[bflag:$0x2] =	sbarrier.arrive $0xFFFF  }
0x5c: {  	[sflag:s0] =	ssyncadd.tile.s32 @!p0 $0x1;
	_ =	shalt  }
.Lfunc_end2:
_tile_overlayer_lowered:
.L_overlay_start_2:
0x5d: {  	(tag) =	ssettag $0x2  }
0x5e: {  	s0 =	rddreg [dreg:$0x0];
	s2 =	stileid.u32  }
0x5f: {  	s1 =	rddreg [dreg:$0x1];
	p0 =	sne.s32 s2, $0x0  }
0x60: {  	s3 =	rddreg [dreg:$0x2];
	[bflag:$0x3] =	sbarrier.arrive $0xFFFF;
	s2 =	simm.s32 @!p0 $0x1C02  }
0x61: {  	[timem:s3], [sflag:s2] =	dma.local @!p0 [hbm:s0], s1  }
0x62: {  	s0 =	simm.s32 @!p0 $0x2  }
0x63: {  	_ =	swait.ge @!p0 [sflag:s0], s1  }
0x64: {  	s1 =	ssub.s32 @!p0 $0x0, s1;
	[sflag:s0] =	ssyncset.done @!p0 $0x0  }
0x65: {  	[sflag:s0] =	ssyncadd.s32 @!p0 s1  }
0x66: {  	[bflag:$0x3] =	sbarrier.arrive $0xFFFF  }
0x67: {  	_ =	shalt  }

// kernel: kernel.17.cloned.1.call-start
scs
__scs_entry_jumppad:
0x0: {  	(pc) =	sbr.rel $0x88, $3  }
0x1: {  	(tag) =	ssettag $0x0;
	lr =	simm.s32 $0x1  }
0x2: {  	[smem:$0x3F93] =	sst lr;
	_ =	strace $0xD0000000  }
0x3: {  	_ = 	snop  }
0x4: {  	_ = 	snop  }
0x5: {  	_ = 	snop  }
0x6: {  	_ = 	snop  }
0x7: {  	_ = 	snop  }
__scs_overlays_trampoline_lowered:
0x8: {  	[smem:$0x3FA2] =	sst s0  }
0x9: {  	[smem:$0x3FA3] =	sst s1  }
0xa: {  	[smem:$0x3FA4] =	sst s2  }
0xb: {  	[smem:$0x3FA5] =	sst s3  }
0xc: {  	[smem:$0x3FA6] =	sst s4  }
0xd: {  	[smem:$0x3FA7] =	sst s5  }
0xe: {  	[smem:$0x3FA8] =	sst s6  }
0xf: {  	[smem:$0x3FA9] =	sst s7  }
0x10: {  	[smem:$0x3FAA] =	sst s8  }
0x11: {  	[smem:$0x3FAB] =	sst s9;
	s0 =	simm.s32 @!p0 $0x0  }
0x12: {  	s1 =	sld [smem:$0x3F91];
	s0 =	simm.s32 @p0 $0x1  }
0x13: {  	[smem:$0x3FAC] =	sst s0;
	s0 =	simm.s32 @!p1 $0x0  }
0x14: {  	s2 =	sld [smem:$0x3F90];
	s0 =	simm.s32 @p1 $0x1  }
0x15: {  	[smem:$0x3FAD] =	sst s0;
	s0 =	simm.s32 @!p2 $0x0  }
0x16: {  	s3 =	sld [smem:$0x3FDB];
	s0 =	simm.s32 @p2 $0x1  }
0x17: {  	s4 =	simm.s32 $0x1BF5;
	[smem:$0x3FAF] =	sst s0  }
0x18: {  	s0 =	sld [smem:$0x3F92];
	_ =	swait.ge [sflag:s4], $0x0  }
0x19: {  	s7 =	sld [smem:$0x3F93]  }
0x1a: {  	s8 =	sadd.s32 $0xFFFFE003, lr  }
0x1b: {  	s9 =	sadd.s32 $0xFFFFFEF7, lr;
	s5 =	simm.s32 $0xFFFFFFFF;
	p2 =	slt.u32 s8, $0xFFFFF086  }
0x1c: {  	p1 =	slt.u32 s9, $0xF7A;
	s5 =	simm.s32 @!p2 $0x0  }
0x1d: {  	s5 =	simm.s32 @p1 $0x1;
	p0 =	seq.s32 s7, s2  }
0x1e: {  	s7 =	smul.u32 @!p0 $0xF7A, s2;
	p2 =	seq.s32 @!p0 s5, $0x0  }
0x1f: {  	s9 =	smul.u32 $0xF7A, s1;
	s8 =	simm.s32 @!p0 $0x1BF5;
	p2 =	por !p2, p0  }
0x20: {  	[sflag:s8] =	ssyncset.s32 @!p0 $0xFFFFF086;
	s6 =	sadd.s32 @!p0 s3, s7;
	s7 =	simm.s32 @!p0 $0x108  }
0x21: {  	s3 =	sadd.s32 s3, s9;
	s6 =	sadd.s32 @!p0 $0x88, s6;
	s7 =	simm.s32 @p2 $0x1082  }
0x22: {  	[simem:s7], [sflag:s8] =	dma.local @!p0 [hbm:s6], $0xF7A  }
0x23: {  	s9 =	sor.u32 $0xD0000000, s2;
	s6 =	simm.s32 $0x108;
	_ =	swait.ge @!p0 [sflag:s8], $0x0  }
0x24: {  	s3 =	sadd.s32 $0x88, s3;
	s6 =	simm.s32 @!p1 $0x1082;
	[sflag:s4] =	ssyncset.s32 $0xFFFFF086  }
0x25: {  	[simem:s6], [sflag:s4] =	dma.local [hbm:s3], $0xF7A  }
0x26: {  	[smem:$0x3F93] =	sst s1;
	(tag) =	ssettag s2;
	_ =	strace s9  }
0x27: {  	s1 =	sld [smem:$0x3FA3]  }
0x28: {  	s2 =	sld [smem:$0x3FA4]  }
0x29: {  	s4 =	sld [smem:$0x3FA6]  }
0x2a: {  	p0 =	seq.s32 s5, $0x0;
	s5 =	sld [smem:$0x3FA7]  }
0x2b: {  	s6 =	sld [smem:$0x3FA8]  }
0x2c: {  	s7 =	sld [smem:$0x3FA9]  }
0x2d: {  	s3 =	simm.s32 $0x108;
	s8 =	sld [smem:$0x3FAA]  }
0x2e: {  	s3 =	simm.s32 @!p0 $0x1082;
	s9 =	sld [smem:$0x3FAB]  }
0x2f: {  	lr =	sadd.s32 s0, s3;
	s0 =	sld [smem:$0x3FA2]  }
0x30: {  	s3 =	sld [smem:$0x3FA5]  }
0x31: {  	[smem:$0x3FAE] =	sst s10  }
0x32: {  	s10 =	sld [smem:$0x3FAC];
	_ =	sdelay $0x3  }
0x33: {  	p0 =	seq.s32 s10, $0x1;
	s10 =	sld [smem:$0x3FAE];
	_ =	sdelay $0x3  }
0x34: {  	[smem:$0x3FAE] =	sst s10  }
0x35: {  	s10 =	sld [smem:$0x3FAD];
	_ =	sdelay $0x3  }
0x36: {  	p1 =	seq.s32 s10, $0x1;
	s10 =	sld [smem:$0x3FAE];
	_ =	sdelay $0x3  }
0x37: {  	[smem:$0x3FAE] =	sst s10  }
0x38: {  	s10 =	sld [smem:$0x3FAF]  }
0x39: {  	_ = 	snop;
	(pc) =	sbr.ind lr, $3  }
0x3a: {  	_ = 	snop  }
0x3b: {  	_ = 	snop  }
0x3c: {  	p2 =	seq.s32 s10, $0x1;
	s10 =	sld [smem:$0x3FAE]  }
0x3d: {  	_ =	shalt  }
0x3e: {  	_ =	shalt  }
0x3f: {  	_ =	shalt  }
0x40: {  	_ =	shalt  }
0x41: {  	_ =	shalt  }
0x42: {  	_ =	shalt  }
0x43: {  	_ =	shalt  }
0x44: {  	_ =	shalt  }
0x45: {  	_ =	shalt  }
0x46: {  	_ =	shalt  }
0x47: {  	_ =	shalt  }
0x48: {  	_ =	shalt  }
0x49: {  	_ =	shalt  }
0x4a: {  	_ =	shalt  }
0x4b: {  	_ =	shalt  }
0x4c: {  	_ =	shalt  }
0x4d: {  	_ =	shalt  }
0x4e: {  	_ =	shalt  }
0x4f: {  	_ =	shalt  }
0x50: {  	_ =	shalt  }
0x51: {  	_ =	shalt  }
0x52: {  	_ =	shalt  }
0x53: {  	_ =	shalt  }
0x54: {  	_ =	shalt  }
0x55: {  	_ =	shalt  }
0x56: {  	_ =	shalt  }
0x57: {  	_ =	shalt  }
0x58: {  	_ =	shalt  }
0x59: {  	_ =	shalt  }
0x5a: {  	_ =	shalt  }
0x5b: {  	_ =	shalt  }
0x5c: {  	_ =	shalt  }
0x5d: {  	_ =	shalt  }
0x5e: {  	_ =	shalt  }
0x5f: {  	_ =	shalt  }
0x60: {  	_ =	shalt  }
0x61: {  	_ =	shalt  }
0x62: {  	_ =	shalt  }
0x63: {  	_ =	shalt  }
0x64: {  	_ =	shalt  }
0x65: {  	_ =	shalt  }
0x66: {  	_ =	shalt  }
0x67: {  	_ =	shalt  }
0x68: {  	_ =	shalt  }
0x69: {  	_ =	shalt  }
0x6a: {  	_ =	shalt  }
0x6b: {  	_ =	shalt  }
0x6c: {  	_ =	shalt  }
0x6d: {  	_ =	shalt  }
0x6e: {  	_ =	shalt  }
0x6f: {  	_ =	shalt  }
0x70: {  	_ =	shalt  }
0x71: {  	_ =	shalt  }
0x72: {  	_ =	shalt  }
0x73: {  	_ =	shalt  }
0x74: {  	_ =	shalt  }
0x75: {  	_ =	shalt  }
0x76: {  	_ =	shalt  }
0x77: {  	_ =	shalt  }
0x78: {  	_ =	shalt  }
0x79: {  	_ =	shalt  }
0x7a: {  	_ =	shalt  }
0x7b: {  	_ =	shalt  }
0x7c: {  	_ =	shalt  }
0x7d: {  	_ =	shalt  }
0x7e: {  	_ =	shalt  }
0x7f: {  	_ =	shalt  }
0x80: {  	_ =	shalt  }
0x81: {  	_ =	shalt  }
0x82: {  	_ =	shalt  }
0x83: {  	_ =	shalt  }
0x84: {  	_ =	shalt  }
0x85: {  	_ =	shalt  }
0x86: {  	_ =	shalt  }
0x87: {  	_ =	shalt  }
.Lfunc_end0:
.L_simem_size_0:
called_computation.2_lowered:
.L_overlay_start_0:
0x88: {  	s2 =	sld [smem:$0x3FD9]  }
0x89: {  	s3 =	sld [smem:$0x3FFE];
	_ =	sdelay $0x1  }
0x8a: {  	s1 =	srdreg.scid  }
0x8b: {  	s0 =	sand.u32 $0x1, s1  }
0x8c: {  	s17 =	sshll.u32 s0, $0xA;
	s2 =	sadd.s32 s3, s2  }
0x8d: {  	s2 =	sadd.s32 s2, s17  }
0x8e: {  	[smem:$0x3FBA] =	sst s2  }
0x8f: {  	_ = 	snop  }
0x90: {  	(tm) =	ssettm $0x1  }
0x91: {  	s18 =	sld [smem:$0x3FFB];
	_ =	sdelay $0x3  }
0x92: {  	_ =	strace s18  }
0x93: {  	s2 =	sld [smem:$0x3FFC];
	_ =	sdelay $0x3  }
0x94: {  	_ =	strace s2  }
0x95: {  	s2 =	sld [smem:$0x3FFD];
	_ =	sdelay $0x3  }
0x96: {  	_ =	strace s2  }
0x97: {  	_ =	strace $0x8FFFFFFF  }
0x98: {  	s19 =	sld [smem:$0x3FDB];
	_ =	sdelay $0x1  }
0x99: {  	s20 =	simm.s32 $_scs_section_size  }
0x9a: {  	s4 =	simm.s32 $_size__tile_overlayer_lowered;
	s5 =	simm.s32 $_tile_overlayer_lowered  }
0x9b: {  	s6 =	simm.s32 $0x1BFF;
	s21 =	sshll.u32 s5, $0x1;
	s3 =	sadd.s32 s20, s19  }
0x9c: {  	s22 =	simm.s32 $0x0;
	s4 =	sshll.u32 s4, $0x1;
	s5 =	sadd.s32 s21, s3  }
0x9d: {  	[timem:s22], [sflag:s6] =	dma.local [hbm:s5], s4  }
0x9e: {  	_ =	swait.ge [sflag:s6], s4  }
0x9f: {  	s4 =	ssub.s32 $0x0, s4;
	[sflag:s6] =	ssyncset.done $0x0  }
0xa0: {  	[sflag:s6] =	ssyncadd.s32 s4;
	_ =	sdelay $0x1  }
0xa1: {  	s23 =	simm.s32 $0x1B8B  }
0xa2: {  	_ =	swait.ge [sflag:s23], $0x1  }
0xa3: {  	[sflag:s23] =	ssyncset.done $0x0  }
0xa4: {  	[sflag:s23] =	ssyncadd.s32 $0xFFFFFFFF  }
0xa5: {  	s4 =	sld [smem:$0x0]  }
0xa6: {  	s5 =	sand.u32 $0xFFFFFFFE, s1  }
0xa7: {  	p0 =	sne.s32 s1, s5  }
0xa8: {  	s5 =	sshll.u32 @p0 s5, $0xE  }
0xa9: {  	s5 =	sadd.s32 @p0 $0x11B8D, s5;
	s6 =	sshll.u32 @p0 s4, $0x11  }
0xaa: {  	s5 =	sor.u32 @p0 s6, s5  }
0xab: {  	[sflag:s5] =	ssyncadd.remote.s32 @p0 $0x1;
	_ =	sdelay $0x1  }
0xac: {  	s5 =	simm.s32 @p0 $0x1B8D  }
0xad: {  	_ =	swait.eq @p0 [sflag:s5], $0x1  }
0xae: {  	[sflag:s5] =	ssyncadd.s32 @p0 $0xFFFFFFFF  }
0xaf: {  	s6 =	sshll.u32 @!p0 s1, $0xE  }
0xb0: {  	s6 =	sor.u32 @!p0 $0x4000, s6;
	s5 =	simm.s32 @!p0 $0x1B8D  }
0xb1: {  	s4 =	sshll.u32 @!p0 s4, $0x11;
	s6 =	sadd.s32 @!p0 $0x11B8D, s6;
	_ =	swait.eq @!p0 [sflag:s5], $0x1  }
0xb2: {  	s4 =	sor.u32 @!p0 s4, s6;
	[sflag:s5] =	ssyncadd.s32 @!p0 $0xFFFFFFFF  }
0xb3: {  	s25 =	simm.s32 $0x1B8E;
	s24 =	sld [smem:$0x3FFE];
	[sflag:s4] =	ssyncadd.remote.s32 @!p0 $0x1  }
0xb4: {  	s26 =	simm.s32 $execute0_lowered;
	[smem:$0x3FD2] =	sst s25  }
0xb5: {  	s5 =	sshll.u32 s26, $0x1;
	_ =	strace $0x80000055;
	[dreg:$0x1] =	wrdreg $0xFFFFFFFF  }
0xb6: {  	s28 =	simm.s32 $_size_execute0_lowered;
	s3 =	sadd.s32 s3, s5;
	[dreg:$0x0] =	wrdreg $0x0  }
0xb7: {  	s5 =	sshll.u32 s28, $0x1;
	[dreg:$0x2] =	wrdreg s3  }
0xb8: {  	[dreg:$0x3] =	wrdreg s5  }
0xb9: {  	[dreg:$0x4] =	wrdreg $0xC0  }
0xba: {  	_ =	task [dreg:s22], $0x5FFFF  }
0xbb: {  	[dreg:$0x1] =	wrdreg $0xFFFFFFFF  }
0xbc: {  	[dreg:$0x0] =	wrdreg $0x60  }
0xbd: {  	[dreg:$0x2] =	wrdreg s24  }
0xbe: {  	[dreg:$0x3] =	wrdreg $0xA  }
0xbf: {  	_ =	task.clear_ibuf [dreg:s22], $0x4FFFF;
	_ =	strace $0x90000055  }
0xc0: {  	s29 =	simm.s32 $0xA;
	_ =	strace $0x80000057  }
0xc1: {  	_ =	swait.ge [sflag:s29], $0x1  }
0xc2: {  	[sflag:s29] =	ssyncadd.s32 $0xFFFFFFFF  }
0xc3: {  	_ =	strace $0x90000057  }
0xc4: {  	_ =	sfence  }
0xc5: {  	s30 =	sld [smem:$0x0];
	_ =	sdelay $0x2  }
0xc6: {  	s31 =	sshll.u32 s1, $0xD;
	s1 =	sshrl.u32 s1, $0x2  }
0xc7: {  	s4 =	sand.u32 $0x4000, s31;
	s1 =	sadd.s32 s1, s30  }
0xc8: {  	s0 =	sor.u32 s4, s0;
	s1 =	sshll.u32 s1, $0x11  }
0xc9: {  	s0 =	sor.u32 s1, s0  }
0xca: {  	s0 =	sadd.s32 $0x8F2B, s0  }
0xcb: {  	[sflag:s0] =	ssyncadd.remote.s32 $0x1  }
0xcc: {  	_ =	sfence.sel $0xFFFF  }
0xcd: {  	[dreg:$0x0] =	wrdreg $0xFFFFFFFF;
	(pc) =	sbr.abs _section_cstart, $3  }
0xce: {  	[dreg:$0x1] =	wrdreg $0xFFFFFFFF  }
0xcf: {  	_ =	task.clear_ibuf [dreg:s22], $0x2FFFF;
	_ =	strace $0x9FFFFFFF  }
0xd0: {  	(tm) =	ssettm $0x7FFFFFFF  }
0xd1: {  	_ =	shalt  }
tec
execute0_lowered:
.L_overlay_start_1:
0x0: {  	(tag) =	ssettag $0x1  }
0x1: {  	s1 =	srdreg.scid;
	s0 =	stileid.u32  }
0x2: {  	s3 =	sand.u32 $0x1, s1;
	s30 =	sshll.u32 s0, $0x1  }
0x3: {  	s6 =	rddreg [dreg:$0x0];
	s4 =	sor.u32 s3, s30  }
0x4: {  	s2 =	simm.s32 $0x0;
	s1 =	rddreg [dreg:$0x1];
	s5 =	smul.u32 $0x1388, s4  }
0x5: {  	[smem:$0x7FF] =	sst s2;
	s3 =	ssub.s32 $0x2, s3  }
0x6: {  	_ =	strace $0x80000056;
	s10 =	sshrl.u32 s3, $0x1;
	s7 =	sand.u32 $0x3FF80, s5  }
0x7: {  	s4 =	smul.u32 $0x1400, s4;
	s10 =	ssub.s32 s3, s10;
	s7 =	smin.u32 s7, $0x25C80  }
0x8: {  	s8 =	sshrl.u32 s7, $0x1;
	s9 =	sshrl.u32 s7, $0x3;
	s5 =	ssub.s32 s5, s7  }
0x9: {  	s7 =	simm.s32 $0x1;
	s8 =	sadd.s32 s8, s6;
	s9 =	sadd.s32 s9, s6  }
0xa: {  	s6 =	sadd.s32 s4, s6;
	s31 =	sadd.s32 $0x1388, s5;
	s3 =	sadd.s32 $0x2D4200, s8  }
0xb: {  	v0 =	vmov s5;
	s4 =	sadd.s32 $0xE200, s9;
	s5 =	sadd.s32 $0x35FC00, s6;
	s6 =	smax.u32 s10, $0x1  }
0xc: {  	v2 =	vimm.f32 $0.0e+00;
	v3 =	vlaneseq.u32;
	v1 =	vmov s31;
	s8 =	simm.s32 $0x5200;
	s9 =	simm.s32 $0x6680;
	s10 =	simm.s32 $0x0  }
.LBB2_1:
0xd: {  	[tilespmem:s2], [sflag:$0x1] =	stream.linear.gather [hbm4b:s3+s2], $0x5200, $0x38;
	[tilespmem:$0x10680] =	vst v63  }
0xe: {  	s12 =	smul.u32 $0xCCCD, s2  }
0xf: {  	_ =	swait.ge [sflag:s7], $0x5200  }
0x10: {  	[sflag:s7] =	ssyncset.done $0x0;
	s11 =	sshrl.u32 s12, $0x19;
	s15 =	sshrl.u32 s12, $0x1B  }
0x11: {  	s31 =	sshrl.u32 s12, $0x12;
	[sflag:s7] =	ssyncadd.s32 $0xFFFFAE00;
	s13 =	smul.u32 $0x280, s11  }
0x12: {  	s11 =	simm.s32 $0x1;
	s17 =	smul.u32 $0x28000, s15;
	s15 =	sand.u32 $0x180, s31  }
0x13: {  	[tilespmem:s8], [sflag:$0x1] =	stream.linear.gather [hbm4b:s4+s2], $0x1480, $0x38;
	[tilespmem:$0x10680] =	vst v63  }
0x14: {  	s12 =	smul.u32 $0xCCCD, s11;
	_ =	swait.ge [sflag:s7], $0x1480;
	s14 =	ssub.s32 $0x0, s13  }
0x15: {  	s13 =	simm.s32 $0x2;
	[sflag:s7] =	ssyncset.done $0x0;
	s16 =	sshll.u32 s14, $0x6  }
0x16: {  	s17 =	sshrl.u32 s17, $0x2;
	[sflag:s7] =	ssyncadd.s32 $0xFFFFEB80;
	s16 =	sand.u32 $0xFE00, s16  }
.LBB2_2:
0x17: {  	p0 =	sne.s32 s13, $0x9FF  }
0x18: {  	s14 =	sshll.u32 s14, $0x4;
	s16 =	sadd.s32 s16, s17;
	s17 =	sshrl.u32 s12, $0x19  }
0x19: {  	s14 =	sand.u32 $0x70, s14;
	s15 =	sor.u32 s15, s16;
	s16 =	smul.u32 $0x280, s17  }
.Ltmp0:
0x1a: {  	s14 =	sor.u32 s14, s15;
	(pc) =	sbr.rel @p0 .LBB2_2-.Ltmp0, $4  }
0x1b: {  	s15 =	sshrl.u32 s12, $0x1B;
	[tilespmem:s14+$0x6680] =	vst v2;
	s14 =	smov.u32 s11;
	s11 =	smov.u32 s13  }
0x1c: {  	s17 =	smul.u32 $0x28000, s15;
	s14 =	ssub.s32 s14, s16;
	s16 =	sshrl.u32 s12, $0x12  }
0x1d: {  	s12 =	smul.u32 $0xCCCD, s13;
	s18 =	sshll.u32 s14, $0x6;
	s15 =	sand.u32 $0x180, s16  }
0x1e: {  	s13 =	sadd.s32 $0x1, s13;
	s17 =	sshrl.u32 s17, $0x2;
	s16 =	sand.u32 $0xFE00, s18  }
0x1f: {  	s13 =	sshrl.u32 s12, $0x19  }
0x20: {  	s13 =	smul.u32 $0x280, s13  }
0x21: {  	s16 =	sadd.s32 s16, s17;
	s23 =	sshrl.u32 s12, $0x1B  }
0x22: {  	s24 =	sshll.u32 s14, $0x4;
	s25 =	smul.u32 $0x28000, s23;
	s11 =	ssub.s32 s11, s13  }
0x23: {  	s28 =	sshrl.u32 s12, $0x12;
	s15 =	sor.u32 s15, s16;
	s26 =	sshll.u32 s11, $0x6  }
0x24: {  	s12 =	sand.u32 $0x180, s28;
	s14 =	sshrl.u32 s25, $0x2;
	s16 =	sand.u32 $0xFE00, s26  }
0x25: {  	s13 =	sand.u32 $0x70, s24;
	s11 =	sshll.u32 s11, $0x4;
	s14 =	sadd.s32 s16, s14  }
0x26: {  	s13 =	sor.u32 s13, s15;
	s11 =	sand.u32 $0x70, s11;
	s12 =	sor.u32 s12, s14  }
0x27: {  	[tilespmem:s13+$0x6680] =	vst v2;
	s11 =	sor.u32 s11, s12  }
0x28: {  	s29 =	simm.s32 $0x0;
	[tilespmem:s11+$0x6680] =	vst v2  }
0x29: {  	v4 =	vld [tilespmem:s29+$0x5200];
	_ =	sdelay $0x2  }
0x2a: {  	s30 =	simm.s32 $0x0  }
0x2b: {  	v5 =	vor.u32 s30, v3  }
0x2c: {  	s31 =	sand.u32 $0x70, s30;
	vm0 =	vge.s32 v5, v0;
	vm1 =	vlt.s32 v5, v1;
	s11 =	sand.u32 $0x7E00, s30;
	v5 =	vshll.u32 v4, $0x2  }
0x2d: {  	vm0 =	vmand vm0, vm1;
	s12 =	sor.u32 s31, s11;
	v4 =	vand.u32 $0x7F, v4;
	v5 =	vand.u32 $0xFFFFFE00, v5  }
0x2e: {  	v6 =	vld [tilespmem:s12+$0x0];
	v5 =	vor.u32 v4, v5;
	_ =	sdelay $0x4  }
0x2f: {  	[tilespmem:v5+s9+$0x0] =	vst.idx.add.f32.msk vm0, v6  }
0x30: {  	v6 =	vor.u32 $0x80, v5;
	v4 =	vld [tilespmem:s12+$0x80];
	_ =	sdelay $0x4  }
0x31: {  	[tilespmem:v6+s9+$0x0] =	vst.idx.add.f32.msk vm0, v4  }
0x32: {  	v6 =	vor.u32 $0x100, v5;
	v4 =	vld [tilespmem:s12+$0x100];
	_ =	sdelay $0x4  }
0x33: {  	[tilespmem:v6+s9+$0x0] =	vst.idx.add.f32.msk vm0, v4  }
0x34: {  	v5 =	vor.u32 $0x180, v5;
	v4 =	vld [tilespmem:s12+$0x180];
	_ =	sdelay $0x2  }
0x35: {  	s13 =	simm.s32 $0x20;
	s11 =	simm.s32 $0x10;
	s12 =	simm.s32 $0x40  }
.LBB2_4:
0x36: {  	p0 =	sne.s32 s13, $0x1470  }
0x37: {  	s14 =	sshra.s32 s12, $0x2;
	[tilespmem:v5+s9+$0x0] =	vst.idx.add.f32.msk vm0, v4;
	s15 =	smov.u32 s13;
	s13 =	sadd.s32 $0x10, s13  }
0x38: {  	v4 =	vld [tilespmem:s14+$0x5200];
	_ =	sdelay $0x3  }
0x39: {  	v5 =	vor.u32 s11, v3  }
0x3a: {  	s16 =	sand.u32 $0x7E00, s12;
	vm0 =	vge.s32 v5, v0;
	vm1 =	vlt.s32 v5, v1;
	s14 =	sand.u32 $0x70, s11;
	s11 =	smov.u32 s15;
	v5 =	vshll.u32 v4, $0x2  }
0x3b: {  	vm0 =	vmand vm0, vm1;
	s14 =	sor.u32 s14, s16;
	v4 =	vand.u32 $0x7F, v4;
	v5 =	vand.u32 $0xFFFFFE00, v5  }
0x3c: {  	v6 =	vld [tilespmem:s14+$0x0];
	v5 =	vor.u32 v4, v5;
	_ =	sdelay $0x4  }
0x3d: {  	[tilespmem:v5+s9+$0x0] =	vst.idx.add.f32.msk vm0, v6  }
0x3e: {  	v6 =	vor.u32 $0x80, v5;
	v4 =	vld [tilespmem:s14+$0x80];
	_ =	sdelay $0x4  }
0x3f: {  	[tilespmem:v6+s9+$0x0] =	vst.idx.add.f32.msk vm0, v4  }
0x40: {  	v6 =	vor.u32 $0x100, v5;
	v4 =	vld [tilespmem:s14+$0x100];
	_ =	sdelay $0x4  }
0x41: {  	[tilespmem:v6+s9+$0x0] =	vst.idx.add.f32.msk vm0, v4  }
.Ltmp1:
0x42: {  	v5 =	vor.u32 $0x180, v5;
	v4 =	vld [tilespmem:s14+$0x180];
	(pc) =	sbr.rel @p0 .LBB2_4-.Ltmp1, $2  }
0x43: {  	_ =	sdelay $0x2  }
0x44: {  	s12 =	sadd.s32 $0x40, s12  }
0x45: {  	_ =	sdelay $0x4  }
0x46: {  	s13 =	sshra.s32 s12, $0x2;
	[tilespmem:v5+s9+$0x0] =	vst.idx.add.f32.msk vm0, v4  }
0x47: {  	v4 =	vld [tilespmem:s13+$0x5200];
	_ =	sdelay $0x3  }
0x48: {  	v5 =	vor.u32 s11, v3  }
0x49: {  	s30 =	sand.u32 $0x70, s11;
	s31 =	sand.u32 $0x7E00, s12;
	vm15 =	vge.s32 v5, v0;
	vm1 =	vlt.s32 v5, v1;
	v5 =	vshll.u32 v4, $0x2  }
0x4a: {  	s11 =	sor.u32 s30, s31;
	vm0 =	vmand vm15, vm1;
	v4 =	vand.u32 $0x7F, v4;
	v5 =	vand.u32 $0xFFFFFE00, v5  }
0x4b: {  	v6 =	vld [tilespmem:s11+$0x0];
	v4 =	vor.u32 v4, v5;
	_ =	sdelay $0x4  }
0x4c: {  	[tilespmem:v4+s9+$0x0] =	vst.idx.add.f32.msk vm0, v6  }
0x4d: {  	v62 =	vor.u32 $0x80, v4;
	v5 =	vld [tilespmem:s11+$0x80];
	_ =	sdelay $0x4  }
0x4e: {  	[tilespmem:v62+s9+$0x0] =	vst.idx.add.f32.msk vm0, v5  }
0x4f: {  	v63 =	vor.u32 $0x100, v4;
	v5 =	vld [tilespmem:s11+$0x100];
	_ =	sdelay $0x4  }
0x50: {  	[tilespmem:v63+s9+$0x0] =	vst.idx.add.f32.msk vm0, v5  }
0x51: {  	v4 =	vor.u32 $0x180, v4;
	v5 =	vld [tilespmem:s11+$0x180];
	_ =	sdelay $0x2  }
0x52: {  	s10 =	sadd.s32 $0x1, s10  }
0x53: {  	p0 =	sne.s32 s10, s6  }
.Ltmp2:
0x54: {  	[tilespmem:v4+s9+$0x0] =	vst.idx.add.f32.msk vm0, v5;
	(pc) =	sbr.rel @p0 .LBB2_1-.Ltmp2, $4  }
0x55: {  	[hbm4b:s5+s2] =	stream.linear.scatter [tilespmem:s9], [sflag:$0x1], $0xA000, $0x38;
	[tilespmem:$0x10680] =	vst v63  }
0x56: {  	_ =	swait.ge [sflag:s7], $0xA000  }
0x57: {  	[sflag:s7] =	ssyncset.done $0x0  }
0x58: {  	[sflag:s7] =	ssyncadd.s32 $0xFFFF6000  }
0x59: {  	_ =	sfence.sel $0x180000  }
0x5a: {  	[bflag:$0x0] =	sbarrier.arrive $0xFFFF  }
0x5b: {  	p0 =	sne.s32 s0, $0x0;
	_ =	strace $0x90000056  }
0x5c: {  	s0 =	sadd.s32 @!p0 $0x100000, s1;
	[bflag:$0x2] =	sbarrier.arrive $0xFFFF  }
0x5d: {  	[sflag:s0] =	ssyncadd.tile.s32 @!p0 $0x1;
	_ =	shalt  }
.Lfunc_end2:
_tile_overlayer_lowered:
.L_overlay_start_2:
0x5e: {  	(tag) =	ssettag $0x2  }
0x5f: {  	s0 =	rddreg [dreg:$0x0];
	s2 =	stileid.u32  }
0x60: {  	s1 =	rddreg [dreg:$0x1];
	p0 =	sne.s32 s2, $0x0  }
0x61: {  	s3 =	rddreg [dreg:$0x2];
	[bflag:$0x3] =	sbarrier.arrive $0xFFFF;
	s2 =	simm.s32 @!p0 $0x1C01  }
0x62: {  	[timem:s3], [sflag:s2] =	dma.local @!p0 [hbm:s0], s1  }
0x63: {  	s0 =	simm.s32 @!p0 $0x1  }
0x64: {  	_ =	swait.ge @!p0 [sflag:s0], s1  }
0x65: {  	s1 =	ssub.s32 @!p0 $0x0, s1;
	[sflag:s0] =	ssyncset.done @!p0 $0x0  }
0x66: {  	[sflag:s0] =	ssyncadd.s32 @!p0 s1  }
0x67: {  	[bflag:$0x3] =	sbarrier.arrive $0xFFFF  }
0x68: {  	_ =	shalt  }

// kernel: kernel.20.cloned.1.call-start
scs
__scs_entry_jumppad:
0x0: {  	(pc) =	sbr.rel $0x88, $3  }
0x1: {  	(tag) =	ssettag $0x0;
	lr =	simm.s32 $0x1  }
0x2: {  	[smem:$0x3F93] =	sst lr;
	_ =	strace $0xD0000000  }
0x3: {  	_ = 	snop  }
0x4: {  	_ = 	snop  }
0x5: {  	_ = 	snop  }
0x6: {  	_ = 	snop  }
0x7: {  	_ = 	snop  }
__scs_overlays_trampoline_lowered:
0x8: {  	[smem:$0x3FA2] =	sst s0  }
0x9: {  	[smem:$0x3FA3] =	sst s1  }
0xa: {  	[smem:$0x3FA4] =	sst s2  }
0xb: {  	[smem:$0x3FA5] =	sst s3  }
0xc: {  	[smem:$0x3FA6] =	sst s4  }
0xd: {  	[smem:$0x3FA7] =	sst s5  }
0xe: {  	[smem:$0x3FA8] =	sst s6  }
0xf: {  	[smem:$0x3FA9] =	sst s7  }
0x10: {  	[smem:$0x3FAA] =	sst s8  }
0x11: {  	[smem:$0x3FAB] =	sst s9;
	s0 =	simm.s32 @!p0 $0x0  }
0x12: {  	s1 =	sld [smem:$0x3F91];
	s0 =	simm.s32 @p0 $0x1  }
0x13: {  	[smem:$0x3FAC] =	sst s0;
	s0 =	simm.s32 @!p1 $0x0  }
0x14: {  	s2 =	sld [smem:$0x3F90];
	s0 =	simm.s32 @p1 $0x1  }
0x15: {  	[smem:$0x3FAD] =	sst s0;
	s0 =	simm.s32 @!p2 $0x0  }
0x16: {  	s3 =	sld [smem:$0x3FDB];
	s0 =	simm.s32 @p2 $0x1  }
0x17: {  	s4 =	simm.s32 $0x1BF5;
	[smem:$0x3FAF] =	sst s0  }
0x18: {  	s0 =	sld [smem:$0x3F92];
	_ =	swait.ge [sflag:s4], $0x0  }
0x19: {  	s7 =	sld [smem:$0x3F93]  }
0x1a: {  	s8 =	sadd.s32 $0xFFFFE003, lr  }
0x1b: {  	s9 =	sadd.s32 $0xFFFFFEF7, lr;
	s5 =	simm.s32 $0xFFFFFFFF;
	p2 =	slt.u32 s8, $0xFFFFF086  }
0x1c: {  	p1 =	slt.u32 s9, $0xF7A;
	s5 =	simm.s32 @!p2 $0x0  }
0x1d: {  	s5 =	simm.s32 @p1 $0x1;
	p0 =	seq.s32 s7, s2  }
0x1e: {  	s7 =	smul.u32 @!p0 $0xF7A, s2;
	p2 =	seq.s32 @!p0 s5, $0x0  }
0x1f: {  	s9 =	smul.u32 $0xF7A, s1;
	s8 =	simm.s32 @!p0 $0x1BF5;
	p2 =	por !p2, p0  }
0x20: {  	[sflag:s8] =	ssyncset.s32 @!p0 $0xFFFFF086;
	s6 =	sadd.s32 @!p0 s3, s7;
	s7 =	simm.s32 @!p0 $0x108  }
0x21: {  	s3 =	sadd.s32 s3, s9;
	s6 =	sadd.s32 @!p0 $0x88, s6;
	s7 =	simm.s32 @p2 $0x1082  }
0x22: {  	[simem:s7], [sflag:s8] =	dma.local @!p0 [hbm:s6], $0xF7A  }
0x23: {  	s9 =	sor.u32 $0xD0000000, s2;
	s6 =	simm.s32 $0x108;
	_ =	swait.ge @!p0 [sflag:s8], $0x0  }
0x24: {  	s3 =	sadd.s32 $0x88, s3;
	s6 =	simm.s32 @!p1 $0x1082;
	[sflag:s4] =	ssyncset.s32 $0xFFFFF086  }
0x25: {  	[simem:s6], [sflag:s4] =	dma.local [hbm:s3], $0xF7A  }
0x26: {  	[smem:$0x3F93] =	sst s1;
	(tag) =	ssettag s2;
	_ =	strace s9  }
0x27: {  	s1 =	sld [smem:$0x3FA3]  }
0x28: {  	s2 =	sld [smem:$0x3FA4]  }
0x29: {  	s4 =	sld [smem:$0x3FA6]  }
0x2a: {  	p0 =	seq.s32 s5, $0x0;
	s5 =	sld [smem:$0x3FA7]  }
0x2b: {  	s6 =	sld [smem:$0x3FA8]  }
0x2c: {  	s7 =	sld [smem:$0x3FA9]  }
0x2d: {  	s3 =	simm.s32 $0x108;
	s8 =	sld [smem:$0x3FAA]  }
0x2e: {  	s3 =	simm.s32 @!p0 $0x1082;
	s9 =	sld [smem:$0x3FAB]  }
0x2f: {  	lr =	sadd.s32 s0, s3;
	s0 =	sld [smem:$0x3FA2]  }
0x30: {  	s3 =	sld [smem:$0x3FA5]  }
0x31: {  	[smem:$0x3FAE] =	sst s10  }
0x32: {  	s10 =	sld [smem:$0x3FAC];
	_ =	sdelay $0x3  }
0x33: {  	p0 =	seq.s32 s10, $0x1;
	s10 =	sld [smem:$0x3FAE];
	_ =	sdelay $0x3  }
0x34: {  	[smem:$0x3FAE] =	sst s10  }
0x35: {  	s10 =	sld [smem:$0x3FAD];
	_ =	sdelay $0x3  }
0x36: {  	p1 =	seq.s32 s10, $0x1;
	s10 =	sld [smem:$0x3FAE];
	_ =	sdelay $0x3  }
0x37: {  	[smem:$0x3FAE] =	sst s10  }
0x38: {  	s10 =	sld [smem:$0x3FAF]  }
0x39: {  	_ = 	snop;
	(pc) =	sbr.ind lr, $3  }
0x3a: {  	_ = 	snop  }
0x3b: {  	_ = 	snop  }
0x3c: {  	p2 =	seq.s32 s10, $0x1;
	s10 =	sld [smem:$0x3FAE]  }
0x3d: {  	_ =	shalt  }
0x3e: {  	_ =	shalt  }
0x3f: {  	_ =	shalt  }
0x40: {  	_ =	shalt  }
0x41: {  	_ =	shalt  }
0x42: {  	_ =	shalt  }
0x43: {  	_ =	shalt  }
0x44: {  	_ =	shalt  }
0x45: {  	_ =	shalt  }
0x46: {  	_ =	shalt  }
0x47: {  	_ =	shalt  }
0x48: {  	_ =	shalt  }
0x49: {  	_ =	shalt  }
0x4a: {  	_ =	shalt  }
0x4b: {  	_ =	shalt  }
0x4c: {  	_ =	shalt  }
0x4d: {  	_ =	shalt  }
0x4e: {  	_ =	shalt  }
0x4f: {  	_ =	shalt  }
0x50: {  	_ =	shalt  }
0x51: {  	_ =	shalt  }
0x52: {  	_ =	shalt  }
0x53: {  	_ =	shalt  }
0x54: {  	_ =	shalt  }
0x55: {  	_ =	shalt  }
0x56: {  	_ =	shalt  }
0x57: {  	_ =	shalt  }
0x58: {  	_ =	shalt  }
0x59: {  	_ =	shalt  }
0x5a: {  	_ =	shalt  }
0x5b: {  	_ =	shalt  }
0x5c: {  	_ =	shalt  }
0x5d: {  	_ =	shalt  }
0x5e: {  	_ =	shalt  }
0x5f: {  	_ =	shalt  }
0x60: {  	_ =	shalt  }
0x61: {  	_ =	shalt  }
0x62: {  	_ =	shalt  }
0x63: {  	_ =	shalt  }
0x64: {  	_ =	shalt  }
0x65: {  	_ =	shalt  }
0x66: {  	_ =	shalt  }
0x67: {  	_ =	shalt  }
0x68: {  	_ =	shalt  }
0x69: {  	_ =	shalt  }
0x6a: {  	_ =	shalt  }
0x6b: {  	_ =	shalt  }
0x6c: {  	_ =	shalt  }
0x6d: {  	_ =	shalt  }
0x6e: {  	_ =	shalt  }
0x6f: {  	_ =	shalt  }
0x70: {  	_ =	shalt  }
0x71: {  	_ =	shalt  }
0x72: {  	_ =	shalt  }
0x73: {  	_ =	shalt  }
0x74: {  	_ =	shalt  }
0x75: {  	_ =	shalt  }
0x76: {  	_ =	shalt  }
0x77: {  	_ =	shalt  }
0x78: {  	_ =	shalt  }
0x79: {  	_ =	shalt  }
0x7a: {  	_ =	shalt  }
0x7b: {  	_ =	shalt  }
0x7c: {  	_ =	shalt  }
0x7d: {  	_ =	shalt  }
0x7e: {  	_ =	shalt  }
0x7f: {  	_ =	shalt  }
0x80: {  	_ =	shalt  }
0x81: {  	_ =	shalt  }
0x82: {  	_ =	shalt  }
0x83: {  	_ =	shalt  }
0x84: {  	_ =	shalt  }
0x85: {  	_ =	shalt  }
0x86: {  	_ =	shalt  }
0x87: {  	_ =	shalt  }
.Lfunc_end0:
.L_simem_size_0:
called_computation.3_lowered:
.L_overlay_start_0:
0x88: {  	s2 =	sld [smem:$0x3FD9]  }
0x89: {  	s3 =	sld [smem:$0x3FFE];
	_ =	sdelay $0x1  }
0x8a: {  	s1 =	srdreg.scid  }
0x8b: {  	s0 =	sand.u32 $0x1, s1  }
0x8c: {  	s17 =	sshll.u32 s0, $0xA;
	s2 =	sadd.s32 s3, s2  }
0x8d: {  	s2 =	sadd.s32 s2, s17  }
0x8e: {  	[smem:$0x3FBA] =	sst s2  }
0x8f: {  	_ = 	snop  }
0x90: {  	(tm) =	ssettm $0x1  }
0x91: {  	s18 =	sld [smem:$0x3FFB];
	_ =	sdelay $0x3  }
0x92: {  	_ =	strace s18  }
0x93: {  	s2 =	sld [smem:$0x3FFC];
	_ =	sdelay $0x3  }
0x94: {  	_ =	strace s2  }
0x95: {  	s2 =	sld [smem:$0x3FFD];
	_ =	sdelay $0x3  }
0x96: {  	_ =	strace s2  }
0x97: {  	_ =	strace $0x8FFFFFFF  }
0x98: {  	s19 =	sld [smem:$0x3FDB];
	_ =	sdelay $0x1  }
0x99: {  	s20 =	simm.s32 $_scs_section_size  }
0x9a: {  	s4 =	simm.s32 $_size__tile_overlayer_lowered;
	s5 =	simm.s32 $_tile_overlayer_lowered  }
0x9b: {  	s6 =	simm.s32 $0x1BFF;
	s21 =	sshll.u32 s5, $0x1;
	s3 =	sadd.s32 s20, s19  }
0x9c: {  	s22 =	simm.s32 $0x0;
	s4 =	sshll.u32 s4, $0x1;
	s5 =	sadd.s32 s21, s3  }
0x9d: {  	[timem:s22], [sflag:s6] =	dma.local [hbm:s5], s4  }
0x9e: {  	_ =	swait.ge [sflag:s6], s4  }
0x9f: {  	s4 =	ssub.s32 $0x0, s4;
	[sflag:s6] =	ssyncset.done $0x0  }
0xa0: {  	[sflag:s6] =	ssyncadd.s32 s4;
	_ =	sdelay $0x1  }
0xa1: {  	s23 =	simm.s32 $0x1B8B  }
0xa2: {  	_ =	swait.ge [sflag:s23], $0x1  }
0xa3: {  	[sflag:s23] =	ssyncset.done $0x0  }
0xa4: {  	[sflag:s23] =	ssyncadd.s32 $0xFFFFFFFF  }
0xa5: {  	s4 =	sld [smem:$0x0]  }
0xa6: {  	s5 =	sand.u32 $0xFFFFFFFE, s1  }
0xa7: {  	p0 =	sne.s32 s1, s5  }
0xa8: {  	s5 =	sshll.u32 @p0 s5, $0xE  }
0xa9: {  	s5 =	sadd.s32 @p0 $0x11B8D, s5;
	s6 =	sshll.u32 @p0 s4, $0x11  }
0xaa: {  	s5 =	sor.u32 @p0 s6, s5  }
0xab: {  	[sflag:s5] =	ssyncadd.remote.s32 @p0 $0x1;
	_ =	sdelay $0x1  }
0xac: {  	s5 =	simm.s32 @p0 $0x1B8D  }
0xad: {  	_ =	swait.eq @p0 [sflag:s5], $0x1  }
0xae: {  	[sflag:s5] =	ssyncadd.s32 @p0 $0xFFFFFFFF  }
0xaf: {  	s6 =	sshll.u32 @!p0 s1, $0xE  }
0xb0: {  	s6 =	sor.u32 @!p0 $0x4000, s6;
	s5 =	simm.s32 @!p0 $0x1B8D  }
0xb1: {  	s4 =	sshll.u32 @!p0 s4, $0x11;
	s6 =	sadd.s32 @!p0 $0x11B8D, s6;
	_ =	swait.eq @!p0 [sflag:s5], $0x1  }
0xb2: {  	s4 =	sor.u32 @!p0 s4, s6;
	[sflag:s5] =	ssyncadd.s32 @!p0 $0xFFFFFFFF  }
0xb3: {  	s25 =	simm.s32 $0x1B8E;
	s24 =	sld [smem:$0x3FFE];
	[sflag:s4] =	ssyncadd.remote.s32 @!p0 $0x1  }
0xb4: {  	s26 =	simm.s32 $execute0_lowered;
	[smem:$0x3FD2] =	sst s25  }
0xb5: {  	s5 =	sshll.u32 s26, $0x1;
	_ =	strace $0x8000004F;
	[dreg:$0x1] =	wrdreg $0xFFFFFFFF  }
0xb6: {  	s28 =	simm.s32 $_size_execute0_lowered;
	s3 =	sadd.s32 s3, s5;
	[dreg:$0x0] =	wrdreg $0x0  }
0xb7: {  	s5 =	sshll.u32 s28, $0x1;
	[dreg:$0x2] =	wrdreg s3  }
0xb8: {  	[dreg:$0x3] =	wrdreg s5  }
0xb9: {  	[dreg:$0x4] =	wrdreg $0xC0  }
0xba: {  	_ =	task [dreg:s22], $0x5FFFF  }
0xbb: {  	[dreg:$0x1] =	wrdreg $0xFFFFFFFF  }
0xbc: {  	[dreg:$0x0] =	wrdreg $0x60  }
0xbd: {  	[dreg:$0x2] =	wrdreg s24  }
0xbe: {  	[dreg:$0x3] =	wrdreg $0x65000  }
0xbf: {  	[dreg:$0x4] =	wrdreg $0xB  }
0xc0: {  	_ =	task.clear_ibuf [dreg:s22], $0x5FFFF;
	_ =	strace $0x9000004F  }
0xc1: {  	s29 =	simm.s32 $0xB;
	_ =	strace $0x80000051  }
0xc2: {  	_ =	swait.ge [sflag:s29], $0x1  }
0xc3: {  	[sflag:s29] =	ssyncadd.s32 $0xFFFFFFFF  }
0xc4: {  	_ =	strace $0x90000051  }
0xc5: {  	_ =	sfence  }
0xc6: {  	s30 =	sld [smem:$0x0];
	_ =	sdelay $0x2  }
0xc7: {  	s31 =	sshll.u32 s1, $0xD;
	s1 =	sshrl.u32 s1, $0x2  }
0xc8: {  	s4 =	sand.u32 $0x4000, s31;
	s1 =	sadd.s32 s1, s30  }
0xc9: {  	s0 =	sor.u32 s4, s0;
	s1 =	sshll.u32 s1, $0x11  }
0xca: {  	s0 =	sor.u32 s1, s0  }
0xcb: {  	s0 =	sadd.s32 $0x8F2B, s0  }
0xcc: {  	[sflag:s0] =	ssyncadd.remote.s32 $0x1  }
0xcd: {  	_ =	sfence.sel $0xFFFF  }
0xce: {  	[dreg:$0x0] =	wrdreg $0xFFFFFFFF;
	(pc) =	sbr.abs _section_cstart, $3  }
0xcf: {  	[dreg:$0x1] =	wrdreg $0xFFFFFFFF  }
0xd0: {  	_ =	task.clear_ibuf [dreg:s22], $0x2FFFF;
	_ =	strace $0x9FFFFFFF  }
0xd1: {  	(tm) =	ssettm $0x7FFFFFFF  }
tec
execute0_lowered:
.L_overlay_start_1:
0x0: {  	(tag) =	ssettag $0x1  }
0x1: {  	s0 =	stileid.u32  }
0x2: {  	s5 =	smul.u32 $0x2710, s0  }
0x3: {  	s1 =	srdreg.scid;
	s7 =	smul.u32 $0x27100, s0  }
0x4: {  	s18 =	sand.u32 $0x1, s1;
	s23 =	smul.u32 $0xA000, s0  }
0x5: {  	s6 =	smul.u32 $0x1388, s18  }
0x6: {  	s10 =	sor.u32 $0x10, s0;
	s21 =	smul.u32 $0x140000, s18  }
0x7: {  	s4 =	rddreg [dreg:$0x0];
	s13 =	sor.u32 $0x20, s0;
	s26 =	smul.u32 $0xA000, s10  }
0x8: {  	s2 =	rddreg [dreg:$0x1];
	s14 =	sor.u32 $0x30, s0;
	s30 =	smul.u32 $0xA000, s13  }
0x9: {  	s3 =	simm.s32 $0x0;
	s15 =	sor.u32 $0x40, s0;
	s8 =	smul.u32 $0xA000, s14  }
0xa: {  	s28 =	simm.s32 $0x0;
	s16 =	sor.u32 $0x50, s0;
	s9 =	smul.u32 $0xA000, s15  }
0xb: {  	[smem:$0x7FF] =	sst s3;
	s20 =	sadd.s32 $0x2E7C00, s4;
	s11 =	smul.u32 $0xA000, s16  }
0xc: {  	_ =	strace $0x80000050;
	s17 =	ssub.s32 $0x2, s18;
	s1 =	smul.u32 $0x2800, s13  }
0xd: {  	s19 =	sadd.s32 s7, s4;
	s24 =	sshrl.u32 s17, $0x1;
	s25 =	sshrl.u32 s23, $0x2  }
0xe: {  	s23 =	sor.u32 $0x70, s0;
	s5 =	sadd.s32 s6, s5;
	s6 =	ssub.s32 s17, s24  }
0xf: {  	s29 =	sshrl.u32 s26, $0x2;
	s7 =	sshrl.u32 s30, $0x2;
	s24 =	smul.u32 $0xA000, s23  }
0x10: {  	s17 =	sor.u32 $0x60, s0;
	s8 =	sshrl.u32 s8, $0x2;
	s26 =	smul.u32 $0x2800, s10  }
0x11: {  	s9 =	sshrl.u32 s9, $0x2;
	s30 =	sadd.s32 s21, s1;
	s1 =	smul.u32 $0x2800, s16  }
0x12: {  	s11 =	sshrl.u32 s11, $0x2;
	s23 =	smul.u32 $0x2800, s23;
	s5 =	sshrl.u32 s5, $0x3  }
0x13: {  	s7 =	sadd.s32 s7, s2;
	s12 =	smul.u32 $0xA000, s17;
	s8 =	sadd.s32 s8, s2  }
0x14: {  	s9 =	sadd.s32 s9, s2;
	s10 =	sadd.s32 s11, s2;
	s22 =	sadd.s32 s5, s4  }
0x15: {  	s4 =	sadd.s32 s25, s2;
	s5 =	smax.u32 s6, $0x1;
	s6 =	sadd.s32 s29, s2  }
0x16: {  	s25 =	smul.u32 $0x2800, s0;
	s24 =	sshrl.u32 s24, $0x2;
	s0 =	sadd.s32 s21, s26  }
0x17: {  	s29 =	smul.u32 $0x2800, s14;
	s26 =	simm.s32 $0x2;
	s12 =	sshrl.u32 s12, $0x2  }
0x18: {  	s22 =	sadd.s32 $0xE200, s22;
	s11 =	sadd.s32 s12, s2;
	s31 =	sor.u32 s21, s25  }
0x19: {  	s12 =	sadd.s32 s24, s2;
	s25 =	sshrl.u32 s0, $0x3;
	s24 =	sshrl.u32 s31, $0x3  }
0x1a: {  	s14 =	sadd.s32 s20, s25;
	s25 =	sadd.s32 s21, s29;
	s31 =	smul.u32 $0x2800, s15  }
0x1b: {  	s13 =	sadd.s32 s20, s24;
	s24 =	sshrl.u32 s30, $0x3;
	s0 =	sshrl.u32 s25, $0x3  }
0x1c: {  	s30 =	smul.u32 $0x2800, s17;
	s25 =	simm.s32 $0xC8;
	s15 =	sadd.s32 s20, s24  }
0x1d: {  	s16 =	sadd.s32 s20, s0;
	s29 =	sadd.s32 s21, s31;
	s0 =	sadd.s32 s21, s1  }
0x1e: {  	s1 =	smul.u32 $0x13880, s18;
	s31 =	sshrl.u32 s29, $0x3;
	s24 =	sshrl.u32 s0, $0x3  }
0x1f: {  	s29 =	sadd.s32 s21, s30;
	s21 =	sadd.s32 s21, s23;
	s23 =	simm.s32 $0x1  }
0x20: {  	s17 =	sadd.s32 s20, s31;
	s18 =	sadd.s32 s20, s24;
	s30 =	sshrl.u32 s29, $0x3  }
0x21: {  	s21 =	sshrl.u32 s21, $0x3;
	s31 =	sadd.s32 s1, s19;
	s24 =	simm.s32 $0x6400  }
0x22: {  	v0 =	vimm.f32 $0.0e+00;
	s19 =	sadd.s32 s20, s30;
	s20 =	sadd.s32 s20, s21;
	s21 =	sadd.s32 $0x63200, s31  }
.LBB2_1:
0x23: {  	s29 =	sand.u32 $0xFE00, s3  }
0x24: {  	s30 =	sand.u32 $0x70, s3;
	s31 =	sshrl.u32 s29, $0x2  }
0x25: {  	s29 =	simm.s32 $0x40;
	s31 =	sor.u32 s30, s31;
	s30 =	simm.s32 $0x0  }
.LBB2_2:
0x26: {  	p0 =	sne.s32 s29, $0x9FC0  }
0x27: {  	[tilespmem:s31+$0x0] =	vst v0;
	s30 =	sadd.s32 $0x10, s30;
	s31 =	smov.u32 s29;
	s29 =	sadd.s32 $0x40, s29  }
.Ltmp0:
0x28: {  	(pc) =	sbr.rel @p0 .LBB2_2-.Ltmp0, $4  }
0x29: {  	_ = 	snop  }
0x2a: {  	s31 =	sand.u32 $0xFE00, s31  }
0x2b: {  	s1 =	sand.u32 $0x70, s30;
	s31 =	sshrl.u32 s31, $0x2  }
0x2c: {  	s31 =	sor.u32 s1, s31  }
0x2d: {  	[tilespmem:s31+$0x0] =	vst v0;
	s1 =	simm.s32 $0x0  }
0x2e: {  	[spmem:s4] =	stream.linear.scatter [tilespmem:s1], [sflag:$0x1], $0x2800, $0x38;
	[tilespmem:$0x1A500] =	vst v63  }
0x2f: {  	_ =	swait.ge [sflag:s23], $0x2800  }
0x30: {  	[sflag:s23] =	ssyncset.done $0x0  }
0x31: {  	[sflag:s23] =	ssyncadd.s32 $0xFFFFD800  }
0x32: {  	[spmem:s6] =	stream.linear.scatter [tilespmem:s1], [sflag:$0x1], $0x2800, $0x38;
	[tilespmem:$0x1A500] =	vst v63  }
0x33: {  	_ =	swait.ge [sflag:s23], $0x2800  }
0x34: {  	[sflag:s23] =	ssyncset.done $0x0  }
0x35: {  	[sflag:s23] =	ssyncadd.s32 $0xFFFFD800  }
0x36: {  	[spmem:s7] =	stream.linear.scatter [tilespmem:s1], [sflag:$0x1], $0x2800, $0x38;
	[tilespmem:$0x1A500] =	vst v63  }
0x37: {  	_ =	swait.ge [sflag:s23], $0x2800  }
0x38: {  	[sflag:s23] =	ssyncset.done $0x0  }
0x39: {  	[sflag:s23] =	ssyncadd.s32 $0xFFFFD800  }
0x3a: {  	[spmem:s8] =	stream.linear.scatter [tilespmem:s1], [sflag:$0x1], $0x2800, $0x38;
	[tilespmem:$0x1A500] =	vst v63  }
0x3b: {  	_ =	swait.ge [sflag:s23], $0x2800  }
0x3c: {  	[sflag:s23] =	ssyncset.done $0x0  }
0x3d: {  	[sflag:s23] =	ssyncadd.s32 $0xFFFFD800  }
0x3e: {  	[spmem:s9] =	stream.linear.scatter [tilespmem:s1], [sflag:$0x1], $0x2800, $0x38;
	[tilespmem:$0x1A500] =	vst v63  }
0x3f: {  	_ =	swait.ge [sflag:s23], $0x2800  }
0x40: {  	[sflag:s23] =	ssyncset.done $0x0  }
0x41: {  	[sflag:s23] =	ssyncadd.s32 $0xFFFFD800  }
0x42: {  	[spmem:s10] =	stream.linear.scatter [tilespmem:s1], [sflag:$0x1], $0x2800, $0x38;
	[tilespmem:$0x1A500] =	vst v63  }
0x43: {  	_ =	swait.ge [sflag:s23], $0x2800  }
0x44: {  	[sflag:s23] =	ssyncset.done $0x0  }
0x45: {  	[sflag:s23] =	ssyncadd.s32 $0xFFFFD800  }
0x46: {  	[spmem:s11] =	stream.linear.scatter [tilespmem:s1], [sflag:$0x1], $0x2800, $0x38;
	[tilespmem:$0x1A500] =	vst v63  }
0x47: {  	_ =	swait.ge [sflag:s23], $0x2800  }
0x48: {  	[sflag:s23] =	ssyncset.done $0x0  }
0x49: {  	[sflag:s23] =	ssyncadd.s32 $0xFFFFD800  }
0x4a: {  	[spmem:s12] =	stream.linear.scatter [tilespmem:s1], [sflag:$0x1], $0x2800, $0x38;
	[tilespmem:$0x1A500] =	vst v63  }
0x4b: {  	_ =	swait.ge [sflag:s23], $0x2800  }
0x4c: {  	[sflag:s23] =	ssyncset.done $0x0  }
0x4d: {  	[sflag:s23] =	ssyncadd.s32 $0xFFFFD800  }
0x4e: {  	s0 =	sadd.s32 $0x0, s22;
	[bflag:$0x0] =	sbarrier.arrive $0xFFFF  }
0x4f: {  	[tilespmem:s24], [sflag:$0x1] =	stream.linear.gather [hbm4b:s0+s3], $0xC8, $0x38;
	[tilespmem:$0x1A500] =	vst v63  }
0x50: {  	_ =	swait.ge [sflag:s23], $0xC8  }
0x51: {  	[sflag:s23] =	ssyncset.done $0x0  }
0x52: {  	[sflag:s23] =	ssyncadd.s32 $0xFFFFFF38  }
0x53: {  	[tilespmem:s3], [sflag:$0x1] =	stream.linear.gather [hbm4b:s21+s3], $0x6400, $0x38;
	[tilespmem:$0x1A500] =	vst v63  }
0x54: {  	_ =	swait.ge [sflag:s23], $0x6400  }
0x55: {  	[sflag:s23] =	ssyncset.done $0x0  }
0x56: {  	[sflag:s23] =	ssyncadd.s32 $0xFFFF9C00  }
0x57: {  	[spmem:s2] =	stream.indirect.scatter.add.f32 [tilespmem:s3], [sflag:$0x1], $0x80, s24, s25, $0xb8;
	[tilespmem:$0x1A500] =	vst v63  }
0x58: {  	s30 =	simm.s32 $0x19;
	_ =	swait.ge [sflag:s23], $0x6400  }
0x59: {  	s31 =	simm.s32 $0x32;
	s29 =	sadd.s32 $0xC80, s21;
	[sflag:s23] =	ssyncset.done $0x0  }
.LBB2_4:
0x5a: {  	s1 =	sadd.s32 s30, s22  }
0x5b: {  	[sflag:s23] =	ssyncadd.s32 $0xFFFF9C00;
	s30 =	smov.u32 s31;
	s0 =	sadd.s32 $0x19, s31  }
0x5c: {  	[tilespmem:s24], [sflag:$0x1] =	stream.linear.gather [hbm4b:s1+s3], $0xC8, $0x38;
	[tilespmem:$0x1A500] =	vst v63  }
0x5d: {  	p0 =	sne.s32 s31, $0x258;
	_ =	swait.ge [sflag:s23], $0xC8  }
0x5e: {  	[sflag:s23] =	ssyncset.done $0x0  }
0x5f: {  	[sflag:s23] =	ssyncadd.s32 $0xFFFFFF38  }
0x60: {  	[tilespmem:s3], [sflag:$0x1] =	stream.linear.gather [hbm4b:s29+s3], $0x6400, $0x38;
	[tilespmem:$0x1A500] =	vst v63  }
0x61: {  	_ =	swait.ge [sflag:s23], $0x6400  }
.Ltmp1:
0x62: {  	[sflag:s23] =	ssyncset.done $0x0;
	(pc) =	sbr.rel @p0 .LBB2_4-.Ltmp1, $4  }
0x63: {  	[sflag:s23] =	ssyncadd.s32 $0xFFFF9C00  }
0x64: {  	[spmem:s2] =	stream.indirect.scatter.add.f32 [tilespmem:s3], [sflag:$0x1], $0x80, s24, s25, $0xb8;
	[tilespmem:$0x1A500] =	vst v63  }
0x65: {  	_ =	swait.ge [sflag:s23], $0x6400  }
0x66: {  	s31 =	smov.u32 s0;
	s29 =	sadd.s32 $0xC80, s29;
	[sflag:s23] =	ssyncset.done $0x0  }
0x67: {  	s0 =	sadd.s32 s30, s22;
	[sflag:s23] =	ssyncadd.s32 $0xFFFF9C00  }
0x68: {  	[tilespmem:s24], [sflag:$0x1] =	stream.linear.gather [hbm4b:s0+s3], $0xC8, $0x38;
	[tilespmem:$0x1A500] =	vst v63  }
0x69: {  	_ =	swait.ge [sflag:s23], $0xC8  }
0x6a: {  	[sflag:s23] =	ssyncset.done $0x0  }
0x6b: {  	[sflag:s23] =	ssyncadd.s32 $0xFFFFFF38  }
0x6c: {  	[tilespmem:s3], [sflag:$0x1] =	stream.linear.gather [hbm4b:s29+s3], $0x6400, $0x38;
	[tilespmem:$0x1A500] =	vst v63  }
0x6d: {  	_ =	swait.ge [sflag:s23], $0x6400  }
0x6e: {  	[sflag:s23] =	ssyncset.done $0x0  }
0x6f: {  	[sflag:s23] =	ssyncadd.s32 $0xFFFF9C00  }
0x70: {  	[spmem:s2] =	stream.indirect.scatter.add.f32 [tilespmem:s3], [sflag:$0x1], $0x80, s24, s25, $0xb8;
	[tilespmem:$0x1A500] =	vst v63  }
0x71: {  	_ =	swait.ge [sflag:s23], $0x6400  }
0x72: {  	[sflag:s23] =	ssyncset.done $0x0  }
0x73: {  	[sflag:s23] =	ssyncadd.s32 $0xFFFF9C00  }
0x74: {  	[bflag:$0x0] =	sbarrier.arrive $0xFFFF  }
0x75: {  	[tilespmem:s3], [sflag:$0x2] =	stream.linear.gather [spmem:s4], $0x2800, $0x38;
	[tilespmem:$0x1A500] =	vst v63  }
0x76: {  	_ =	swait.ge [sflag:s26], $0x2800  }
0x77: {  	[sflag:s26] =	ssyncset.done $0x0  }
0x78: {  	[sflag:s26] =	ssyncadd.s32 $0xFFFFD800  }
0x79: {  	[hbm4b:s13+s3] =	stream.linear.scatter [tilespmem:s3], [sflag:$0x1], $0x2800, $0x38;
	[tilespmem:$0x1A500] =	vst v63  }
0x7a: {  	_ =	swait.ge [sflag:s23], $0x2800  }
0x7b: {  	[sflag:s23] =	ssyncset.done $0x0  }
0x7c: {  	[sflag:s23] =	ssyncadd.s32 $0xFFFFD800  }
0x7d: {  	[tilespmem:s3], [sflag:$0x2] =	stream.linear.gather [spmem:s6], $0x2800, $0x38;
	[tilespmem:$0x1A500] =	vst v63  }
0x7e: {  	_ =	swait.ge [sflag:s26], $0x2800  }
0x7f: {  	[sflag:s26] =	ssyncset.done $0x0  }
0x80: {  	[sflag:s26] =	ssyncadd.s32 $0xFFFFD800  }
0x81: {  	[hbm4b:s14+s3] =	stream.linear.scatter [tilespmem:s3], [sflag:$0x1], $0x2800, $0x38;
	[tilespmem:$0x1A500] =	vst v63  }
0x82: {  	_ =	swait.ge [sflag:s23], $0x2800  }
0x83: {  	[sflag:s23] =	ssyncset.done $0x0  }
0x84: {  	[sflag:s23] =	ssyncadd.s32 $0xFFFFD800  }
0x85: {  	[tilespmem:s3], [sflag:$0x2] =	stream.linear.gather [spmem:s7], $0x2800, $0x38;
	[tilespmem:$0x1A500] =	vst v63  }
0x86: {  	_ =	swait.ge [sflag:s26], $0x2800  }
0x87: {  	[sflag:s26] =	ssyncset.done $0x0  }
0x88: {  	[sflag:s26] =	ssyncadd.s32 $0xFFFFD800  }
0x89: {  	[hbm4b:s15+s3] =	stream.linear.scatter [tilespmem:s3], [sflag:$0x1], $0x2800, $0x38;
	[tilespmem:$0x1A500] =	vst v63  }
0x8a: {  	_ =	swait.ge [sflag:s23], $0x2800  }
0x8b: {  	[sflag:s23] =	ssyncset.done $0x0  }
0x8c: {  	[sflag:s23] =	ssyncadd.s32 $0xFFFFD800  }
0x8d: {  	[tilespmem:s3], [sflag:$0x2] =	stream.linear.gather [spmem:s8], $0x2800, $0x38;
	[tilespmem:$0x1A500] =	vst v63  }
0x8e: {  	_ =	swait.ge [sflag:s26], $0x2800  }
0x8f: {  	[sflag:s26] =	ssyncset.done $0x0  }
0x90: {  	[sflag:s26] =	ssyncadd.s32 $0xFFFFD800  }
0x91: {  	[hbm4b:s16+s3] =	stream.linear.scatter [tilespmem:s3], [sflag:$0x1], $0x2800, $0x38;
	[tilespmem:$0x1A500] =	vst v63  }
0x92: {  	_ =	swait.ge [sflag:s23], $0x2800  }
0x93: {  	[sflag:s23] =	ssyncset.done $0x0  }
0x94: {  	[sflag:s23] =	ssyncadd.s32 $0xFFFFD800  }
0x95: {  	[tilespmem:s3], [sflag:$0x2] =	stream.linear.gather [spmem:s9], $0x2800, $0x38;
	[tilespmem:$0x1A500] =	vst v63  }
0x96: {  	_ =	swait.ge [sflag:s26], $0x2800  }
0x97: {  	[sflag:s26] =	ssyncset.done $0x0  }
0x98: {  	[sflag:s26] =	ssyncadd.s32 $0xFFFFD800  }
0x99: {  	[hbm4b:s17+s3] =	stream.linear.scatter [tilespmem:s3], [sflag:$0x1], $0x2800, $0x38;
	[tilespmem:$0x1A500] =	vst v63  }
0x9a: {  	_ =	swait.ge [sflag:s23], $0x2800  }
0x9b: {  	[sflag:s23] =	ssyncset.done $0x0  }
0x9c: {  	[sflag:s23] =	ssyncadd.s32 $0xFFFFD800  }
0x9d: {  	[tilespmem:s3], [sflag:$0x2] =	stream.linear.gather [spmem:s10], $0x2800, $0x38;
	[tilespmem:$0x1A500] =	vst v63  }
0x9e: {  	_ =	swait.ge [sflag:s26], $0x2800  }
0x9f: {  	[sflag:s26] =	ssyncset.done $0x0  }
0xa0: {  	[sflag:s26] =	ssyncadd.s32 $0xFFFFD800  }
0xa1: {  	[hbm4b:s18+s3] =	stream.linear.scatter [tilespmem:s3], [sflag:$0x1], $0x2800, $0x38;
	[tilespmem:$0x1A500] =	vst v63  }
0xa2: {  	_ =	swait.ge [sflag:s23], $0x2800  }
0xa3: {  	[sflag:s23] =	ssyncset.done $0x0  }
0xa4: {  	[sflag:s23] =	ssyncadd.s32 $0xFFFFD800  }
0xa5: {  	[tilespmem:s3], [sflag:$0x2] =	stream.linear.gather [spmem:s11], $0x2800, $0x38;
	[tilespmem:$0x1A500] =	vst v63  }
0xa6: {  	_ =	swait.ge [sflag:s26], $0x2800  }
0xa7: {  	[sflag:s26] =	ssyncset.done $0x0  }
0xa8: {  	[sflag:s26] =	ssyncadd.s32 $0xFFFFD800  }
0xa9: {  	[hbm4b:s19+s3] =	stream.linear.scatter [tilespmem:s3], [sflag:$0x1], $0x2800, $0x38;
	[tilespmem:$0x1A500] =	vst v63  }
0xaa: {  	_ =	swait.ge [sflag:s23], $0x2800  }
0xab: {  	[sflag:s23] =	ssyncset.done $0x0  }
0xac: {  	[sflag:s23] =	ssyncadd.s32 $0xFFFFD800  }
0xad: {  	[tilespmem:s3], [sflag:$0x2] =	stream.linear.gather [spmem:s12], $0x2800, $0x38;
	[tilespmem:$0x1A500] =	vst v63  }
0xae: {  	s28 =	sadd.s32 $0x1, s28;
	_ =	swait.ge [sflag:s26], $0x2800  }
0xaf: {  	p0 =	sne.s32 s28, s5;
	[sflag:s26] =	ssyncset.done $0x0  }
.Ltmp2:
0xb0: {  	[sflag:s26] =	ssyncadd.s32 $0xFFFFD800;
	(pc) =	sbr.rel @p0 .LBB2_1-.Ltmp2, $4  }
0xb1: {  	[hbm4b:s20+s3] =	stream.linear.scatter [tilespmem:s3], [sflag:$0x1], $0x2800, $0x38;
	[tilespmem:$0x1A500] =	vst v63  }
0xb2: {  	_ =	swait.ge [sflag:s23], $0x2800  }
0xb3: {  	[sflag:s23] =	ssyncset.done $0x0  }
0xb4: {  	[sflag:s23] =	ssyncadd.s32 $0xFFFFD800  }
0xb5: {  	_ =	sfence.sel $0x180000  }
0xb6: {  	[bflag:$0x0] =	sbarrier.arrive $0xFFFF  }
0xb7: {  	_ =	strace $0x90000050  }
0xb8: {  	s0 =	stileid.u32;
	[bflag:$0x2] =	sbarrier.arrive $0xFFFF  }
0xb9: {  	p0 =	sne.s32 s0, $0x0;
	s0 =	rddreg [dreg:$0x2]  }
0xba: {  	s0 =	sadd.s32 @!p0 $0x100000, s0  }
0xbb: {  	[sflag:s0] =	ssyncadd.tile.s32 @!p0 $0x1;
	_ =	shalt  }
.Lfunc_end2:
_tile_overlayer_lowered:
.L_overlay_start_2:
0xbc: {  	(tag) =	ssettag $0x2  }
0xbd: {  	s0 =	rddreg [dreg:$0x0];
	s2 =	stileid.u32  }
0xbe: {  	s1 =	rddreg [dreg:$0x1];
	p0 =	sne.s32 s2, $0x0  }
0xbf: {  	s3 =	rddreg [dreg:$0x2];
	[bflag:$0x3] =	sbarrier.arrive $0xFFFF;
	s2 =	simm.s32 @!p0 $0x1C01  }
0xc0: {  	[timem:s3], [sflag:s2] =	dma.local @!p0 [hbm:s0], s1  }
0xc1: {  	s0 =	simm.s32 @!p0 $0x1  }
0xc2: {  	_ =	swait.ge @!p0 [sflag:s0], s1  }
0xc3: {  	s1 =	ssub.s32 @!p0 $0x0, s1;
	[sflag:s0] =	ssyncset.done @!p0 $0x0  }
0xc4: {  	[sflag:s0] =	ssyncadd.s32 @!p0 s1  }
0xc5: {  	[bflag:$0x3] =	sbarrier.arrive $0xFFFF  }
0xc6: {  	_ =	shalt  }

// kernel: kernel.23.cloned.1.call-start
scs
__scs_entry_jumppad:
0x0: {  	(pc) =	sbr.rel $0x88, $3  }
0x1: {  	(tag) =	ssettag $0x0;
	lr =	simm.s32 $0x1  }
0x2: {  	[smem:$0x3F93] =	sst lr;
	_ =	strace $0xD0000000  }
0x3: {  	_ = 	snop  }
0x4: {  	_ = 	snop  }
0x5: {  	_ = 	snop  }
0x6: {  	_ = 	snop  }
0x7: {  	_ = 	snop  }
__scs_overlays_trampoline_lowered:
0x8: {  	[smem:$0x3FA2] =	sst s0  }
0x9: {  	[smem:$0x3FA3] =	sst s1  }
0xa: {  	[smem:$0x3FA4] =	sst s2  }
0xb: {  	[smem:$0x3FA5] =	sst s3  }
0xc: {  	[smem:$0x3FA6] =	sst s4  }
0xd: {  	[smem:$0x3FA7] =	sst s5  }
0xe: {  	[smem:$0x3FA8] =	sst s6  }
0xf: {  	[smem:$0x3FA9] =	sst s7  }
0x10: {  	[smem:$0x3FAA] =	sst s8  }
0x11: {  	[smem:$0x3FAB] =	sst s9;
	s0 =	simm.s32 @!p0 $0x0  }
0x12: {  	s1 =	sld [smem:$0x3F91];
	s0 =	simm.s32 @p0 $0x1  }
0x13: {  	[smem:$0x3FAC] =	sst s0;
	s0 =	simm.s32 @!p1 $0x0  }
0x14: {  	s2 =	sld [smem:$0x3F90];
	s0 =	simm.s32 @p1 $0x1  }
0x15: {  	[smem:$0x3FAD] =	sst s0;
	s0 =	simm.s32 @!p2 $0x0  }
0x16: {  	s3 =	sld [smem:$0x3FDB];
	s0 =	simm.s32 @p2 $0x1  }
0x17: {  	s4 =	simm.s32 $0x1BF5;
	[smem:$0x3FAF] =	sst s0  }
0x18: {  	s0 =	sld [smem:$0x3F92];
	_ =	swait.ge [sflag:s4], $0x0  }
0x19: {  	s7 =	sld [smem:$0x3F93]  }
0x1a: {  	s8 =	sadd.s32 $0xFFFFE003, lr  }
0x1b: {  	s9 =	sadd.s32 $0xFFFFFEF7, lr;
	s5 =	simm.s32 $0xFFFFFFFF;
	p2 =	slt.u32 s8, $0xFFFFF086  }
0x1c: {  	p1 =	slt.u32 s9, $0xF7A;
	s5 =	simm.s32 @!p2 $0x0  }
0x1d: {  	s5 =	simm.s32 @p1 $0x1;
	p0 =	seq.s32 s7, s2  }
0x1e: {  	s7 =	smul.u32 @!p0 $0xF7A, s2;
	p2 =	seq.s32 @!p0 s5, $0x0  }
0x1f: {  	s9 =	smul.u32 $0xF7A, s1;
	s8 =	simm.s32 @!p0 $0x1BF5;
	p2 =	por !p2, p0  }
0x20: {  	[sflag:s8] =	ssyncset.s32 @!p0 $0xFFFFF086;
	s6 =	sadd.s32 @!p0 s3, s7;
	s7 =	simm.s32 @!p0 $0x108  }
0x21: {  	s3 =	sadd.s32 s3, s9;
	s6 =	sadd.s32 @!p0 $0x88, s6;
	s7 =	simm.s32 @p2 $0x1082  }
0x22: {  	[simem:s7], [sflag:s8] =	dma.local @!p0 [hbm:s6], $0xF7A  }
0x23: {  	s9 =	sor.u32 $0xD0000000, s2;
	s6 =	simm.s32 $0x108;
	_ =	swait.ge @!p0 [sflag:s8], $0x0  }
0x24: {  	s3 =	sadd.s32 $0x88, s3;
	s6 =	simm.s32 @!p1 $0x1082;
	[sflag:s4] =	ssyncset.s32 $0xFFFFF086  }
0x25: {  	[simem:s6], [sflag:s4] =	dma.local [hbm:s3], $0xF7A  }
0x26: {  	[smem:$0x3F93] =	sst s1;
	(tag) =	ssettag s2;
	_ =	strace s9  }
0x27: {  	s1 =	sld [smem:$0x3FA3]  }
0x28: {  	s2 =	sld [smem:$0x3FA4]  }
0x29: {  	s4 =	sld [smem:$0x3FA6]  }
0x2a: {  	p0 =	seq.s32 s5, $0x0;
	s5 =	sld [smem:$0x3FA7]  }
0x2b: {  	s6 =	sld [smem:$0x3FA8]  }
0x2c: {  	s7 =	sld [smem:$0x3FA9]  }
0x2d: {  	s3 =	simm.s32 $0x108;
	s8 =	sld [smem:$0x3FAA]  }
0x2e: {  	s3 =	simm.s32 @!p0 $0x1082;
	s9 =	sld [smem:$0x3FAB]  }
0x2f: {  	lr =	sadd.s32 s0, s3;
	s0 =	sld [smem:$0x3FA2]  }
0x30: {  	s3 =	sld [smem:$0x3FA5]  }
0x31: {  	[smem:$0x3FAE] =	sst s10  }
0x32: {  	s10 =	sld [smem:$0x3FAC];
	_ =	sdelay $0x3  }
0x33: {  	p0 =	seq.s32 s10, $0x1;
	s10 =	sld [smem:$0x3FAE];
	_ =	sdelay $0x3  }
0x34: {  	[smem:$0x3FAE] =	sst s10  }
0x35: {  	s10 =	sld [smem:$0x3FAD];
	_ =	sdelay $0x3  }
0x36: {  	p1 =	seq.s32 s10, $0x1;
	s10 =	sld [smem:$0x3FAE];
	_ =	sdelay $0x3  }
0x37: {  	[smem:$0x3FAE] =	sst s10  }
0x38: {  	s10 =	sld [smem:$0x3FAF]  }
0x39: {  	_ = 	snop;
	(pc) =	sbr.ind lr, $3  }
0x3a: {  	_ = 	snop  }
0x3b: {  	_ = 	snop  }
0x3c: {  	p2 =	seq.s32 s10, $0x1;
	s10 =	sld [smem:$0x3FAE]  }
0x3d: {  	_ =	shalt  }
0x3e: {  	_ =	shalt  }
0x3f: {  	_ =	shalt  }
0x40: {  	_ =	shalt  }
0x41: {  	_ =	shalt  }
0x42: {  	_ =	shalt  }
0x43: {  	_ =	shalt  }
0x44: {  	_ =	shalt  }
0x45: {  	_ =	shalt  }
0x46: {  	_ =	shalt  }
0x47: {  	_ =	shalt  }
0x48: {  	_ =	shalt  }
0x49: {  	_ =	shalt  }
0x4a: {  	_ =	shalt  }
0x4b: {  	_ =	shalt  }
0x4c: {  	_ =	shalt  }
0x4d: {  	_ =	shalt  }
0x4e: {  	_ =	shalt  }
0x4f: {  	_ =	shalt  }
0x50: {  	_ =	shalt  }
0x51: {  	_ =	shalt  }
0x52: {  	_ =	shalt  }
0x53: {  	_ =	shalt  }
0x54: {  	_ =	shalt  }
0x55: {  	_ =	shalt  }
0x56: {  	_ =	shalt  }
0x57: {  	_ =	shalt  }
0x58: {  	_ =	shalt  }
0x59: {  	_ =	shalt  }
0x5a: {  	_ =	shalt  }
0x5b: {  	_ =	shalt  }
0x5c: {  	_ =	shalt  }
0x5d: {  	_ =	shalt  }
0x5e: {  	_ =	shalt  }
0x5f: {  	_ =	shalt  }
0x60: {  	_ =	shalt  }
0x61: {  	_ =	shalt  }
0x62: {  	_ =	shalt  }
0x63: {  	_ =	shalt  }
0x64: {  	_ =	shalt  }
0x65: {  	_ =	shalt  }
0x66: {  	_ =	shalt  }
0x67: {  	_ =	shalt  }
0x68: {  	_ =	shalt  }
0x69: {  	_ =	shalt  }
0x6a: {  	_ =	shalt  }
0x6b: {  	_ =	shalt  }
0x6c: {  	_ =	shalt  }
0x6d: {  	_ =	shalt  }
0x6e: {  	_ =	shalt  }
0x6f: {  	_ =	shalt  }
0x70: {  	_ =	shalt  }
0x71: {  	_ =	shalt  }
0x72: {  	_ =	shalt  }
0x73: {  	_ =	shalt  }
0x74: {  	_ =	shalt  }
0x75: {  	_ =	shalt  }
0x76: {  	_ =	shalt  }
0x77: {  	_ =	shalt  }
0x78: {  	_ =	shalt  }
0x79: {  	_ =	shalt  }
0x7a: {  	_ =	shalt  }
0x7b: {  	_ =	shalt  }
0x7c: {  	_ =	shalt  }
0x7d: {  	_ =	shalt  }
0x7e: {  	_ =	shalt  }
0x7f: {  	_ =	shalt  }
0x80: {  	_ =	shalt  }
0x81: {  	_ =	shalt  }
0x82: {  	_ =	shalt  }
0x83: {  	_ =	shalt  }
0x84: {  	_ =	shalt  }
0x85: {  	_ =	shalt  }
0x86: {  	_ =	shalt  }
0x87: {  	_ =	shalt  }
.Lfunc_end0:
.L_simem_size_0:
called_computation.4_lowered:
.L_overlay_start_0:
0x88: {  	s2 =	sld [smem:$0x3FD9]  }
0x89: {  	s3 =	sld [smem:$0x3FFE];
	_ =	sdelay $0x1  }
0x8a: {  	s1 =	srdreg.scid  }
0x8b: {  	s0 =	sand.u32 $0x1, s1  }
0x8c: {  	s17 =	sshll.u32 s0, $0xA;
	s2 =	sadd.s32 s3, s2  }
0x8d: {  	s2 =	sadd.s32 s2, s17  }
0x8e: {  	[smem:$0x3FBA] =	sst s2  }
0x8f: {  	_ = 	snop  }
0x90: {  	s18 =	sld [smem:$0x3FD0];
	(tm) =	ssettm $0x1  }
0x91: {  	s19 =	sld [smem:$0x3FFB];
	_ =	sdelay $0x3  }
0x92: {  	_ =	strace s19  }
0x93: {  	s2 =	sld [smem:$0x3FFC];
	_ =	sdelay $0x3  }
0x94: {  	_ =	strace s2  }
0x95: {  	s2 =	sld [smem:$0x3FFD];
	_ =	sdelay $0x3  }
0x96: {  	_ =	strace s2  }
0x97: {  	_ =	strace $0x8FFFFFFF  }
0x98: {  	s20 =	sld [smem:$0x3FDB];
	_ =	sdelay $0x1  }
0x99: {  	s4 =	simm.s32 $_scs_section_size  }
0x9a: {  	s5 =	simm.s32 $_size__tile_overlayer_lowered;
	s6 =	simm.s32 $_tile_overlayer_lowered  }
0x9b: {  	s7 =	simm.s32 $0x1BFF;
	s21 =	sshll.u32 s6, $0x1;
	s4 =	sadd.s32 s4, s20  }
0x9c: {  	s22 =	simm.s32 $0x0;
	s5 =	sshll.u32 s5, $0x1;
	s6 =	sadd.s32 s21, s4  }
0x9d: {  	[timem:s22], [sflag:s7] =	dma.local [hbm:s6], s5  }
0x9e: {  	_ =	swait.ge [sflag:s7], s5  }
0x9f: {  	s5 =	ssub.s32 $0x0, s5;
	[sflag:s7] =	ssyncset.done $0x0  }
0xa0: {  	[sflag:s7] =	ssyncadd.s32 s5;
	_ =	sdelay $0x1  }
0xa1: {  	s23 =	simm.s32 $0x1B8B  }
0xa2: {  	_ =	swait.ge [sflag:s23], $0x1  }
0xa3: {  	[sflag:s23] =	ssyncset.done $0x0  }
0xa4: {  	[sflag:s23] =	ssyncadd.s32 $0xFFFFFFFF  }
0xa5: {  	s5 =	sld [smem:$0x0]  }
0xa6: {  	s6 =	sand.u32 $0xFFFFFFFE, s1  }
0xa7: {  	p0 =	sne.s32 s1, s6  }
0xa8: {  	s6 =	sshll.u32 @p0 s6, $0xE  }
0xa9: {  	s6 =	sadd.s32 @p0 $0x11B8D, s6;
	s7 =	sshll.u32 @p0 s5, $0x11  }
0xaa: {  	s6 =	sor.u32 @p0 s7, s6  }
0xab: {  	[sflag:s6] =	ssyncadd.remote.s32 @p0 $0x1;
	_ =	sdelay $0x1  }
0xac: {  	s6 =	simm.s32 @p0 $0x1B8D  }
0xad: {  	_ =	swait.eq @p0 [sflag:s6], $0x1  }
0xae: {  	[sflag:s6] =	ssyncadd.s32 @p0 $0xFFFFFFFF  }
0xaf: {  	s7 =	sshll.u32 @!p0 s1, $0xE  }
0xb0: {  	s7 =	sor.u32 @!p0 $0x4000, s7;
	s6 =	simm.s32 @!p0 $0x1B8D  }
0xb1: {  	s5 =	sshll.u32 @!p0 s5, $0x11;
	s7 =	sadd.s32 @!p0 $0x11B8D, s7;
	_ =	swait.eq @!p0 [sflag:s6], $0x1  }
0xb2: {  	s5 =	sor.u32 @!p0 s5, s7;
	[sflag:s6] =	ssyncadd.s32 @!p0 $0xFFFFFFFF  }
0xb3: {  	s25 =	simm.s32 $0x1B8E;
	s24 =	sld [smem:$0x3FFE];
	[sflag:s5] =	ssyncadd.remote.s32 @!p0 $0x1  }
0xb4: {  	s26 =	simm.s32 $execute0_lowered;
	[smem:$0x3FD2] =	sst s25  }
0xb5: {  	s6 =	sshll.u32 s26, $0x1;
	_ =	strace $0x80000052;
	[dreg:$0x1] =	wrdreg $0xFFFFFFFF  }
0xb6: {  	s28 =	simm.s32 $_size_execute0_lowered;
	s4 =	sadd.s32 s4, s6;
	[dreg:$0x0] =	wrdreg $0x0  }
0xb7: {  	s6 =	sshll.u32 s28, $0x1;
	[dreg:$0x2] =	wrdreg s4  }
0xb8: {  	[dreg:$0x3] =	wrdreg s6  }
0xb9: {  	[dreg:$0x4] =	wrdreg $0xC0  }
0xba: {  	_ =	task [dreg:s22], $0x5FFFF  }
0xbb: {  	[dreg:$0x1] =	wrdreg $0xFFFFFFFF  }
0xbc: {  	[dreg:$0x0] =	wrdreg $0x60  }
0xbd: {  	[dreg:$0x2] =	wrdreg s18  }
0xbe: {  	[dreg:$0x3] =	wrdreg s24  }
0xbf: {  	[dreg:$0x4] =	wrdreg $0xC  }
0xc0: {  	_ =	task.clear_ibuf [dreg:s22], $0x5FFFF;
	_ =	strace $0x90000052  }
0xc1: {  	s29 =	simm.s32 $0xC;
	_ =	strace $0x80000054  }
0xc2: {  	_ =	swait.ge [sflag:s29], $0x1  }
0xc3: {  	[sflag:s29] =	ssyncadd.s32 $0xFFFFFFFF  }
0xc4: {  	_ =	strace $0x90000054  }
0xc5: {  	_ =	sfence  }
0xc6: {  	s30 =	sld [smem:$0x0];
	_ =	sdelay $0x2  }
0xc7: {  	s31 =	sshll.u32 s1, $0xD;
	s1 =	sshrl.u32 s1, $0x2  }
0xc8: {  	s4 =	sand.u32 $0x4000, s31;
	s1 =	sadd.s32 s1, s30  }
0xc9: {  	s0 =	sor.u32 s4, s0;
	s1 =	sshll.u32 s1, $0x11  }
0xca: {  	s0 =	sor.u32 s1, s0  }
0xcb: {  	s0 =	sadd.s32 $0x8F2B, s0  }
0xcc: {  	[sflag:s0] =	ssyncadd.remote.s32 $0x1  }
0xcd: {  	_ =	sfence.sel $0xFFFF  }
0xce: {  	[dreg:$0x0] =	wrdreg $0xFFFFFFFF;
	(pc) =	sbr.abs _section_cstart, $3  }
0xcf: {  	[dreg:$0x1] =	wrdreg $0xFFFFFFFF  }
0xd0: {  	_ =	task.clear_ibuf [dreg:s22], $0x2FFFF;
	_ =	strace $0x9FFFFFFF  }
0xd1: {  	(tm) =	ssettm $0x7FFFFFFF  }
tec
execute0_lowered:
.L_overlay_start_1:
0x0: {  	(tag) =	ssettag $0x1  }
0x1: {  	s1 =	srdreg.scid;
	s0 =	stileid.u32  }
0x2: {  	s5 =	rddreg [dreg:$0x0];
	s3 =	sand.u32 $0x1, s1;
	s28 =	sshll.u32 s0, $0x1  }
0x3: {  	s7 =	rddreg [dreg:$0x1];
	s4 =	sor.u32 s3, s28  }
0x4: {  	s2 =	simm.s32 $0x0;
	s1 =	rddreg [dreg:$0x2];
	s6 =	smul.u32 $0x1388, s4  }
0x5: {  	[smem:$0x7FF] =	sst s2  }
0x6: {  	_ =	strace $0x80000053;
	s3 =	ssub.s32 $0x2, s3;
	s8 =	sand.u32 $0x3FF80, s6  }
0x7: {  	s4 =	smul.u32 $0x1400, s4;
	s29 =	sshrl.u32 s3, $0x1;
	s8 =	smin.u32 s8, $0x25C80  }
0x8: {  	s10 =	ssub.s32 s3, s29;
	s9 =	sshrl.u32 s8, $0x3;
	s6 =	ssub.s32 s6, s8  }
0x9: {  	s30 =	sshrl.u32 s8, $0x1;
	s8 =	simm.s32 $0x5200;
	s9 =	sadd.s32 s9, s7  }
0xa: {  	s7 =	sadd.s32 s4, s7;
	s3 =	sadd.s32 s5, s30;
	s31 =	sadd.s32 $0x1388, s6  }
0xb: {  	v0 =	vmov s6;
	s6 =	smax.u32 s10, $0x1;
	s10 =	simm.s32 $0x0;
	s4 =	sadd.s32 $0x9200, s9  }
0xc: {  	v2 =	vimm.f32 $0.0e+00;
	v3 =	vlaneseq.u32;
	s5 =	sadd.s32 $0x337C00, s7;
	s7 =	simm.s32 $0x1;
	v1 =	vmov s31;
	s9 =	simm.s32 $0x6680  }
.LBB2_1:
0xd: {  	[tilespmem:s2], [sflag:$0x1] =	stream.linear.gather [hbm4b:s3+s2], $0x5200, $0x38;
	[tilespmem:$0x10680] =	vst v63  }
0xe: {  	s12 =	smul.u32 $0xCCCD, s2  }
0xf: {  	_ =	swait.ge [sflag:s7], $0x5200  }
0x10: {  	[sflag:s7] =	ssyncset.done $0x0;
	s11 =	sshrl.u32 s12, $0x19;
	s15 =	sshrl.u32 s12, $0x1B  }
0x11: {  	s31 =	sshrl.u32 s12, $0x12;
	[sflag:s7] =	ssyncadd.s32 $0xFFFFAE00;
	s13 =	smul.u32 $0x280, s11  }
0x12: {  	s11 =	simm.s32 $0x1;
	s17 =	smul.u32 $0x28000, s15;
	s15 =	sand.u32 $0x180, s31  }
0x13: {  	[tilespmem:s8], [sflag:$0x1] =	stream.linear.gather [hbm4b:s4+s2], $0x1480, $0x38;
	[tilespmem:$0x10680] =	vst v63  }
0x14: {  	s12 =	smul.u32 $0xCCCD, s11;
	_ =	swait.ge [sflag:s7], $0x1480;
	s14 =	ssub.s32 $0x0, s13  }
0x15: {  	s13 =	simm.s32 $0x2;
	[sflag:s7] =	ssyncset.done $0x0;
	s16 =	sshll.u32 s14, $0x6  }
0x16: {  	s17 =	sshrl.u32 s17, $0x2;
	[sflag:s7] =	ssyncadd.s32 $0xFFFFEB80;
	s16 =	sand.u32 $0xFE00, s16  }
.LBB2_2:
0x17: {  	p0 =	sne.s32 s13, $0x9FF  }
0x18: {  	s14 =	sshll.u32 s14, $0x4;
	s16 =	sadd.s32 s16, s17;
	s17 =	sshrl.u32 s12, $0x19  }
0x19: {  	s14 =	sand.u32 $0x70, s14;
	s15 =	sor.u32 s15, s16;
	s16 =	smul.u32 $0x280, s17  }
.Ltmp0:
0x1a: {  	s14 =	sor.u32 s14, s15;
	(pc) =	sbr.rel @p0 .LBB2_2-.Ltmp0, $4  }
0x1b: {  	s15 =	sshrl.u32 s12, $0x1B;
	[tilespmem:s14+$0x6680] =	vst v2;
	s14 =	smov.u32 s11;
	s11 =	smov.u32 s13  }
0x1c: {  	s17 =	smul.u32 $0x28000, s15;
	s14 =	ssub.s32 s14, s16;
	s16 =	sshrl.u32 s12, $0x12  }
0x1d: {  	s12 =	smul.u32 $0xCCCD, s13;
	s18 =	sshll.u32 s14, $0x6;
	s15 =	sand.u32 $0x180, s16  }
0x1e: {  	s13 =	sadd.s32 $0x1, s13;
	s17 =	sshrl.u32 s17, $0x2;
	s16 =	sand.u32 $0xFE00, s18  }
0x1f: {  	s13 =	sshrl.u32 s12, $0x19  }
0x20: {  	s13 =	smul.u32 $0x280, s13  }
0x21: {  	s16 =	sadd.s32 s16, s17;
	s23 =	sshrl.u32 s12, $0x1B  }
0x22: {  	s24 =	sshll.u32 s14, $0x4;
	s25 =	smul.u32 $0x28000, s23;
	s11 =	ssub.s32 s11, s13  }
0x23: {  	s28 =	sshrl.u32 s12, $0x12;
	s15 =	sor.u32 s15, s16;
	s26 =	sshll.u32 s11, $0x6  }
0x24: {  	s12 =	sand.u32 $0x180, s28;
	s14 =	sshrl.u32 s25, $0x2;
	s16 =	sand.u32 $0xFE00, s26  }
0x25: {  	s13 =	sand.u32 $0x70, s24;
	s11 =	sshll.u32 s11, $0x4;
	s14 =	sadd.s32 s16, s14  }
0x26: {  	s13 =	sor.u32 s13, s15;
	s11 =	sand.u32 $0x70, s11;
	s12 =	sor.u32 s12, s14  }
0x27: {  	[tilespmem:s13+$0x6680] =	vst v2;
	s11 =	sor.u32 s11, s12  }
0x28: {  	s29 =	simm.s32 $0x0;
	[tilespmem:s11+$0x6680] =	vst v2  }
0x29: {  	v4 =	vld [tilespmem:s29+$0x5200];
	_ =	sdelay $0x2  }
0x2a: {  	s30 =	simm.s32 $0x0  }
0x2b: {  	v5 =	vor.u32 s30, v3  }
0x2c: {  	s31 =	sand.u32 $0x70, s30;
	vm0 =	vge.s32 v5, v0;
	vm1 =	vlt.s32 v5, v1;
	s11 =	sand.u32 $0x7E00, s30;
	v5 =	vshll.u32 v4, $0x2  }
0x2d: {  	vm0 =	vmand vm0, vm1;
	s12 =	sor.u32 s31, s11;
	v4 =	vand.u32 $0x7F, v4;
	v5 =	vand.u32 $0xFFFFFE00, v5  }
0x2e: {  	v6 =	vld [tilespmem:s12+$0x0];
	v5 =	vor.u32 v4, v5;
	_ =	sdelay $0x4  }
0x2f: {  	[tilespmem:v5+s9+$0x0] =	vst.idx.add.f32.msk vm0, v6  }
0x30: {  	v6 =	vor.u32 $0x80, v5;
	v4 =	vld [tilespmem:s12+$0x80];
	_ =	sdelay $0x4  }
0x31: {  	[tilespmem:v6+s9+$0x0] =	vst.idx.add.f32.msk vm0, v4  }
0x32: {  	v6 =	vor.u32 $0x100, v5;
	v4 =	vld [tilespmem:s12+$0x100];
	_ =	sdelay $0x4  }
0x33: {  	[tilespmem:v6+s9+$0x0] =	vst.idx.add.f32.msk vm0, v4  }
0x34: {  	v5 =	vor.u32 $0x180, v5;
	v4 =	vld [tilespmem:s12+$0x180];
	_ =	sdelay $0x2  }
0x35: {  	s13 =	simm.s32 $0x20;
	s11 =	simm.s32 $0x10;
	s12 =	simm.s32 $0x40  }
.LBB2_4:
0x36: {  	p0 =	sne.s32 s13, $0x1470  }
0x37: {  	s14 =	sshra.s32 s12, $0x2;
	[tilespmem:v5+s9+$0x0] =	vst.idx.add.f32.msk vm0, v4;
	s15 =	smov.u32 s13;
	s13 =	sadd.s32 $0x10, s13  }
0x38: {  	v4 =	vld [tilespmem:s14+$0x5200];
	_ =	sdelay $0x3  }
0x39: {  	v5 =	vor.u32 s11, v3  }
0x3a: {  	s16 =	sand.u32 $0x7E00, s12;
	vm0 =	vge.s32 v5, v0;
	vm1 =	vlt.s32 v5, v1;
	s14 =	sand.u32 $0x70, s11;
	s11 =	smov.u32 s15;
	v5 =	vshll.u32 v4, $0x2  }
0x3b: {  	vm0 =	vmand vm0, vm1;
	s14 =	sor.u32 s14, s16;
	v4 =	vand.u32 $0x7F, v4;
	v5 =	vand.u32 $0xFFFFFE00, v5  }
0x3c: {  	v6 =	vld [tilespmem:s14+$0x0];
	v5 =	vor.u32 v4, v5;
	_ =	sdelay $0x4  }
0x3d: {  	[tilespmem:v5+s9+$0x0] =	vst.idx.add.f32.msk vm0, v6  }
0x3e: {  	v6 =	vor.u32 $0x80, v5;
	v4 =	vld [tilespmem:s14+$0x80];
	_ =	sdelay $0x4  }
0x3f: {  	[tilespmem:v6+s9+$0x0] =	vst.idx.add.f32.msk vm0, v4  }
0x40: {  	v6 =	vor.u32 $0x100, v5;
	v4 =	vld [tilespmem:s14+$0x100];
	_ =	sdelay $0x4  }
0x41: {  	[tilespmem:v6+s9+$0x0] =	vst.idx.add.f32.msk vm0, v4  }
.Ltmp1:
0x42: {  	v5 =	vor.u32 $0x180, v5;
	v4 =	vld [tilespmem:s14+$0x180];
	(pc) =	sbr.rel @p0 .LBB2_4-.Ltmp1, $2  }
0x43: {  	_ =	sdelay $0x2  }
0x44: {  	s12 =	sadd.s32 $0x40, s12  }
0x45: {  	_ =	sdelay $0x4  }
0x46: {  	s13 =	sshra.s32 s12, $0x2;
	[tilespmem:v5+s9+$0x0] =	vst.idx.add.f32.msk vm0, v4  }
0x47: {  	v4 =	vld [tilespmem:s13+$0x5200];
	_ =	sdelay $0x3  }
0x48: {  	v5 =	vor.u32 s11, v3  }
0x49: {  	s30 =	sand.u32 $0x70, s11;
	s31 =	sand.u32 $0x7E00, s12;
	vm15 =	vge.s32 v5, v0;
	vm1 =	vlt.s32 v5, v1;
	v5 =	vshll.u32 v4, $0x2  }
0x4a: {  	s11 =	sor.u32 s30, s31;
	vm0 =	vmand vm15, vm1;
	v4 =	vand.u32 $0x7F, v4;
	v5 =	vand.u32 $0xFFFFFE00, v5  }
0x4b: {  	v6 =	vld [tilespmem:s11+$0x0];
	v4 =	vor.u32 v4, v5;
	_ =	sdelay $0x4  }
0x4c: {  	[tilespmem:v4+s9+$0x0] =	vst.idx.add.f32.msk vm0, v6  }
0x4d: {  	v62 =	vor.u32 $0x80, v4;
	v5 =	vld [tilespmem:s11+$0x80];
	_ =	sdelay $0x4  }
0x4e: {  	[tilespmem:v62+s9+$0x0] =	vst.idx.add.f32.msk vm0, v5  }
0x4f: {  	v63 =	vor.u32 $0x100, v4;
	v5 =	vld [tilespmem:s11+$0x100];
	_ =	sdelay $0x4  }
0x50: {  	[tilespmem:v63+s9+$0x0] =	vst.idx.add.f32.msk vm0, v5  }
0x51: {  	v4 =	vor.u32 $0x180, v4;
	v5 =	vld [tilespmem:s11+$0x180];
	_ =	sdelay $0x2  }
0x52: {  	s10 =	sadd.s32 $0x1, s10  }
0x53: {  	p0 =	sne.s32 s10, s6  }
.Ltmp2:
0x54: {  	[tilespmem:v4+s9+$0x0] =	vst.idx.add.f32.msk vm0, v5;
	(pc) =	sbr.rel @p0 .LBB2_1-.Ltmp2, $4  }
0x55: {  	[hbm4b:s5+s2] =	stream.linear.scatter [tilespmem:s9], [sflag:$0x1], $0xA000, $0x38;
	[tilespmem:$0x10680] =	vst v63  }
0x56: {  	_ =	swait.ge [sflag:s7], $0xA000  }
0x57: {  	[sflag:s7] =	ssyncset.done $0x0  }
0x58: {  	[sflag:s7] =	ssyncadd.s32 $0xFFFF6000  }
0x59: {  	_ =	sfence.sel $0x180000  }
0x5a: {  	[bflag:$0x0] =	sbarrier.arrive $0xFFFF  }
0x5b: {  	p0 =	sne.s32 s0, $0x0;
	_ =	strace $0x90000053  }
0x5c: {  	s0 =	sadd.s32 @!p0 $0x100000, s1;
	[bflag:$0x2] =	sbarrier.arrive $0xFFFF  }
0x5d: {  	[sflag:s0] =	ssyncadd.tile.s32 @!p0 $0x1;
	_ =	shalt  }
.Lfunc_end2:
_tile_overlayer_lowered:
.L_overlay_start_2:
0x5e: {  	(tag) =	ssettag $0x2  }
0x5f: {  	s0 =	rddreg [dreg:$0x0];
	s2 =	stileid.u32  }
0x60: {  	s1 =	rddreg [dreg:$0x1];
	p0 =	sne.s32 s2, $0x0  }
0x61: {  	s3 =	rddreg [dreg:$0x2];
	[bflag:$0x3] =	sbarrier.arrive $0xFFFF;
	s2 =	simm.s32 @!p0 $0x1C01  }
0x62: {  	[timem:s3], [sflag:s2] =	dma.local @!p0 [hbm:s0], s1  }
0x63: {  	s0 =	simm.s32 @!p0 $0x1  }
0x64: {  	_ =	swait.ge @!p0 [sflag:s0], s1  }
0x65: {  	s1 =	ssub.s32 @!p0 $0x0, s1;
	[sflag:s0] =	ssyncset.done @!p0 $0x0  }
0x66: {  	[sflag:s0] =	ssyncadd.s32 @!p0 s1  }
0x67: {  	[bflag:$0x3] =	sbarrier.arrive $0xFFFF  }
0x68: {  	_ =	shalt  }

// kernel: kernel.26.cloned.1.call-start
scs
__scs_entry_jumppad:
0x0: {  	(pc) =	sbr.rel $0x88, $3  }
0x1: {  	(tag) =	ssettag $0x0;
	lr =	simm.s32 $0x1  }
0x2: {  	[smem:$0x3F93] =	sst lr;
	_ =	strace $0xD0000000  }
0x3: {  	_ = 	snop  }
0x4: {  	_ = 	snop  }
0x5: {  	_ = 	snop  }
0x6: {  	_ = 	snop  }
0x7: {  	_ = 	snop  }
__scs_overlays_trampoline_lowered:
0x8: {  	[smem:$0x3FA2] =	sst s0  }
0x9: {  	[smem:$0x3FA3] =	sst s1  }
0xa: {  	[smem:$0x3FA4] =	sst s2  }
0xb: {  	[smem:$0x3FA5] =	sst s3  }
0xc: {  	[smem:$0x3FA6] =	sst s4  }
0xd: {  	[smem:$0x3FA7] =	sst s5  }
0xe: {  	[smem:$0x3FA8] =	sst s6  }
0xf: {  	[smem:$0x3FA9] =	sst s7  }
0x10: {  	[smem:$0x3FAA] =	sst s8  }
0x11: {  	[smem:$0x3FAB] =	sst s9;
	s0 =	simm.s32 @!p0 $0x0  }
0x12: {  	s1 =	sld [smem:$0x3F91];
	s0 =	simm.s32 @p0 $0x1  }
0x13: {  	[smem:$0x3FAC] =	sst s0;
	s0 =	simm.s32 @!p1 $0x0  }
0x14: {  	s2 =	sld [smem:$0x3F90];
	s0 =	simm.s32 @p1 $0x1  }
0x15: {  	[smem:$0x3FAD] =	sst s0;
	s0 =	simm.s32 @!p2 $0x0  }
0x16: {  	s3 =	sld [smem:$0x3FDB];
	s0 =	simm.s32 @p2 $0x1  }
0x17: {  	s4 =	simm.s32 $0x1BF5;
	[smem:$0x3FAF] =	sst s0  }
0x18: {  	s0 =	sld [smem:$0x3F92];
	_ =	swait.ge [sflag:s4], $0x0  }
0x19: {  	s7 =	sld [smem:$0x3F93]  }
0x1a: {  	s8 =	sadd.s32 $0xFFFFE003, lr  }
0x1b: {  	s9 =	sadd.s32 $0xFFFFFEF7, lr;
	s5 =	simm.s32 $0xFFFFFFFF;
	p2 =	slt.u32 s8, $0xFFFFF086  }
0x1c: {  	p1 =	slt.u32 s9, $0xF7A;
	s5 =	simm.s32 @!p2 $0x0  }
0x1d: {  	s5 =	simm.s32 @p1 $0x1;
	p0 =	seq.s32 s7, s2  }
0x1e: {  	s7 =	smul.u32 @!p0 $0xF7A, s2;
	p2 =	seq.s32 @!p0 s5, $0x0  }
0x1f: {  	s9 =	smul.u32 $0xF7A, s1;
	s8 =	simm.s32 @!p0 $0x1BF5;
	p2 =	por !p2, p0  }
0x20: {  	[sflag:s8] =	ssyncset.s32 @!p0 $0xFFFFF086;
	s6 =	sadd.s32 @!p0 s3, s7;
	s7 =	simm.s32 @!p0 $0x108  }
0x21: {  	s3 =	sadd.s32 s3, s9;
	s6 =	sadd.s32 @!p0 $0x88, s6;
	s7 =	simm.s32 @p2 $0x1082  }
0x22: {  	[simem:s7], [sflag:s8] =	dma.local @!p0 [hbm:s6], $0xF7A  }
0x23: {  	s9 =	sor.u32 $0xD0000000, s2;
	s6 =	simm.s32 $0x108;
	_ =	swait.ge @!p0 [sflag:s8], $0x0  }
0x24: {  	s3 =	sadd.s32 $0x88, s3;
	s6 =	simm.s32 @!p1 $0x1082;
	[sflag:s4] =	ssyncset.s32 $0xFFFFF086  }
0x25: {  	[simem:s6], [sflag:s4] =	dma.local [hbm:s3], $0xF7A  }
0x26: {  	[smem:$0x3F93] =	sst s1;
	(tag) =	ssettag s2;
	_ =	strace s9  }
0x27: {  	s1 =	sld [smem:$0x3FA3]  }
0x28: {  	s2 =	sld [smem:$0x3FA4]  }
0x29: {  	s4 =	sld [smem:$0x3FA6]  }
0x2a: {  	p0 =	seq.s32 s5, $0x0;
	s5 =	sld [smem:$0x3FA7]  }
0x2b: {  	s6 =	sld [smem:$0x3FA8]  }
0x2c: {  	s7 =	sld [smem:$0x3FA9]  }
0x2d: {  	s3 =	simm.s32 $0x108;
	s8 =	sld [smem:$0x3FAA]  }
0x2e: {  	s3 =	simm.s32 @!p0 $0x1082;
	s9 =	sld [smem:$0x3FAB]  }
0x2f: {  	lr =	sadd.s32 s0, s3;
	s0 =	sld [smem:$0x3FA2]  }
0x30: {  	s3 =	sld [smem:$0x3FA5]  }
0x31: {  	[smem:$0x3FAE] =	sst s10  }
0x32: {  	s10 =	sld [smem:$0x3FAC];
	_ =	sdelay $0x3  }
0x33: {  	p0 =	seq.s32 s10, $0x1;
	s10 =	sld [smem:$0x3FAE];
	_ =	sdelay $0x3  }
0x34: {  	[smem:$0x3FAE] =	sst s10  }
0x35: {  	s10 =	sld [smem:$0x3FAD];
	_ =	sdelay $0x3  }
0x36: {  	p1 =	seq.s32 s10, $0x1;
	s10 =	sld [smem:$0x3FAE];
	_ =	sdelay $0x3  }
0x37: {  	[smem:$0x3FAE] =	sst s10  }
0x38: {  	s10 =	sld [smem:$0x3FAF]  }
0x39: {  	_ = 	snop;
	(pc) =	sbr.ind lr, $3  }
0x3a: {  	_ = 	snop  }
0x3b: {  	_ = 	snop  }
0x3c: {  	p2 =	seq.s32 s10, $0x1;
	s10 =	sld [smem:$0x3FAE]  }
0x3d: {  	_ =	shalt  }
0x3e: {  	_ =	shalt  }
0x3f: {  	_ =	shalt  }
0x40: {  	_ =	shalt  }
0x41: {  	_ =	shalt  }
0x42: {  	_ =	shalt  }
0x43: {  	_ =	shalt  }
0x44: {  	_ =	shalt  }
0x45: {  	_ =	shalt  }
0x46: {  	_ =	shalt  }
0x47: {  	_ =	shalt  }
0x48: {  	_ =	shalt  }
0x49: {  	_ =	shalt  }
0x4a: {  	_ =	shalt  }
0x4b: {  	_ =	shalt  }
0x4c: {  	_ =	shalt  }
0x4d: {  	_ =	shalt  }
0x4e: {  	_ =	shalt  }
0x4f: {  	_ =	shalt  }
0x50: {  	_ =	shalt  }
0x51: {  	_ =	shalt  }
0x52: {  	_ =	shalt  }
0x53: {  	_ =	shalt  }
0x54: {  	_ =	shalt  }
0x55: {  	_ =	shalt  }
0x56: {  	_ =	shalt  }
0x57: {  	_ =	shalt  }
0x58: {  	_ =	shalt  }
0x59: {  	_ =	shalt  }
0x5a: {  	_ =	shalt  }
0x5b: {  	_ =	shalt  }
0x5c: {  	_ =	shalt  }
0x5d: {  	_ =	shalt  }
0x5e: {  	_ =	shalt  }
0x5f: {  	_ =	shalt  }
0x60: {  	_ =	shalt  }
0x61: {  	_ =	shalt  }
0x62: {  	_ =	shalt  }
0x63: {  	_ =	shalt  }
0x64: {  	_ =	shalt  }
0x65: {  	_ =	shalt  }
0x66: {  	_ =	shalt  }
0x67: {  	_ =	shalt  }
0x68: {  	_ =	shalt  }
0x69: {  	_ =	shalt  }
0x6a: {  	_ =	shalt  }
0x6b: {  	_ =	shalt  }
0x6c: {  	_ =	shalt  }
0x6d: {  	_ =	shalt  }
0x6e: {  	_ =	shalt  }
0x6f: {  	_ =	shalt  }
0x70: {  	_ =	shalt  }
0x71: {  	_ =	shalt  }
0x72: {  	_ =	shalt  }
0x73: {  	_ =	shalt  }
0x74: {  	_ =	shalt  }
0x75: {  	_ =	shalt  }
0x76: {  	_ =	shalt  }
0x77: {  	_ =	shalt  }
0x78: {  	_ =	shalt  }
0x79: {  	_ =	shalt  }
0x7a: {  	_ =	shalt  }
0x7b: {  	_ =	shalt  }
0x7c: {  	_ =	shalt  }
0x7d: {  	_ =	shalt  }
0x7e: {  	_ =	shalt  }
0x7f: {  	_ =	shalt  }
0x80: {  	_ =	shalt  }
0x81: {  	_ =	shalt  }
0x82: {  	_ =	shalt  }
0x83: {  	_ =	shalt  }
0x84: {  	_ =	shalt  }
0x85: {  	_ =	shalt  }
0x86: {  	_ =	shalt  }
0x87: {  	_ =	shalt  }
.Lfunc_end0:
.L_simem_size_0:
called_computation.5_lowered:
.L_overlay_start_0:
0x88: {  	s2 =	sld [smem:$0x3FD9]  }
0x89: {  	s3 =	sld [smem:$0x3FFE];
	_ =	sdelay $0x1  }
0x8a: {  	s1 =	srdreg.scid  }
0x8b: {  	s0 =	sand.u32 $0x1, s1  }
0x8c: {  	s17 =	sshll.u32 s0, $0xA;
	s2 =	sadd.s32 s3, s2  }
0x8d: {  	s2 =	sadd.s32 s2, s17  }
0x8e: {  	[smem:$0x3FBA] =	sst s2  }
0x8f: {  	_ = 	snop  }
0x90: {  	(tm) =	ssettm $0x1  }
0x91: {  	s18 =	sld [smem:$0x3FFB];
	_ =	sdelay $0x3  }
0x92: {  	_ =	strace s18  }
0x93: {  	s2 =	sld [smem:$0x3FFC];
	_ =	sdelay $0x3  }
0x94: {  	_ =	strace s2  }
0x95: {  	s2 =	sld [smem:$0x3FFD];
	_ =	sdelay $0x3  }
0x96: {  	_ =	strace s2  }
0x97: {  	_ =	strace $0x8FFFFFFF  }
0x98: {  	s19 =	sld [smem:$0x3FDB];
	_ =	sdelay $0x1  }
0x99: {  	s20 =	simm.s32 $_scs_section_size  }
0x9a: {  	s4 =	simm.s32 $_size__tile_overlayer_lowered;
	s5 =	simm.s32 $_tile_overlayer_lowered  }
0x9b: {  	s6 =	simm.s32 $0x1BFF;
	s21 =	sshll.u32 s5, $0x1;
	s3 =	sadd.s32 s20, s19  }
0x9c: {  	s22 =	simm.s32 $0x0;
	s4 =	sshll.u32 s4, $0x1;
	s5 =	sadd.s32 s21, s3  }
0x9d: {  	[timem:s22], [sflag:s6] =	dma.local [hbm:s5], s4  }
0x9e: {  	_ =	swait.ge [sflag:s6], s4  }
0x9f: {  	s4 =	ssub.s32 $0x0, s4;
	[sflag:s6] =	ssyncset.done $0x0  }
0xa0: {  	[sflag:s6] =	ssyncadd.s32 s4;
	_ =	sdelay $0x1  }
0xa1: {  	s23 =	simm.s32 $0x1B8B  }
0xa2: {  	_ =	swait.ge [sflag:s23], $0x1  }
0xa3: {  	[sflag:s23] =	ssyncset.done $0x0  }
0xa4: {  	[sflag:s23] =	ssyncadd.s32 $0xFFFFFFFF  }
0xa5: {  	s4 =	sld [smem:$0x0]  }
0xa6: {  	s5 =	sand.u32 $0xFFFFFFFE, s1  }
0xa7: {  	p0 =	sne.s32 s1, s5  }
0xa8: {  	s5 =	sshll.u32 @p0 s5, $0xE  }
0xa9: {  	s5 =	sadd.s32 @p0 $0x11B8D, s5;
	s6 =	sshll.u32 @p0 s4, $0x11  }
0xaa: {  	s5 =	sor.u32 @p0 s6, s5  }
0xab: {  	[sflag:s5] =	ssyncadd.remote.s32 @p0 $0x1;
	_ =	sdelay $0x1  }
0xac: {  	s5 =	simm.s32 @p0 $0x1B8D  }
0xad: {  	_ =	swait.eq @p0 [sflag:s5], $0x1  }
0xae: {  	[sflag:s5] =	ssyncadd.s32 @p0 $0xFFFFFFFF  }
0xaf: {  	s6 =	sshll.u32 @!p0 s1, $0xE  }
0xb0: {  	s6 =	sor.u32 @!p0 $0x4000, s6;
	s5 =	simm.s32 @!p0 $0x1B8D  }
0xb1: {  	s4 =	sshll.u32 @!p0 s4, $0x11;
	s6 =	sadd.s32 @!p0 $0x11B8D, s6;
	_ =	swait.eq @!p0 [sflag:s5], $0x1  }
0xb2: {  	s4 =	sor.u32 @!p0 s4, s6;
	[sflag:s5] =	ssyncadd.s32 @!p0 $0xFFFFFFFF  }
0xb3: {  	s25 =	simm.s32 $0x1B8E;
	s24 =	sld [smem:$0x3FFE];
	[sflag:s4] =	ssyncadd.remote.s32 @!p0 $0x1  }
0xb4: {  	s26 =	simm.s32 $execute0_lowered;
	[smem:$0x3FD2] =	sst s25  }
0xb5: {  	s5 =	sshll.u32 s26, $0x1;
	_ =	strace $0x8000004C;
	[dreg:$0x1] =	wrdreg $0xFFFFFFFF  }
0xb6: {  	s28 =	simm.s32 $_size_execute0_lowered;
	s3 =	sadd.s32 s3, s5;
	[dreg:$0x0] =	wrdreg $0x0  }
0xb7: {  	s5 =	sshll.u32 s28, $0x1;
	[dreg:$0x2] =	wrdreg s3  }
0xb8: {  	[dreg:$0x3] =	wrdreg s5  }
0xb9: {  	[dreg:$0x4] =	wrdreg $0xC0  }
0xba: {  	_ =	task [dreg:s22], $0x5FFFF  }
0xbb: {  	[dreg:$0x1] =	wrdreg $0xFFFFFFFF  }
0xbc: {  	[dreg:$0x0] =	wrdreg $0x60  }
0xbd: {  	[dreg:$0x2] =	wrdreg s24  }
0xbe: {  	[dreg:$0x3] =	wrdreg $0x65000  }
0xbf: {  	[dreg:$0x4] =	wrdreg $0x9  }
0xc0: {  	_ =	task.clear_ibuf [dreg:s22], $0x5FFFF;
	_ =	strace $0x9000004C  }
0xc1: {  	s29 =	simm.s32 $0x9;
	_ =	strace $0x8000004E  }
0xc2: {  	_ =	swait.ge [sflag:s29], $0x1  }
0xc3: {  	[sflag:s29] =	ssyncadd.s32 $0xFFFFFFFF  }
0xc4: {  	_ =	strace $0x9000004E  }
0xc5: {  	_ =	sfence  }
0xc6: {  	s30 =	sld [smem:$0x0];
	_ =	sdelay $0x2  }
0xc7: {  	s31 =	sshll.u32 s1, $0xD;
	s1 =	sshrl.u32 s1, $0x2  }
0xc8: {  	s4 =	sand.u32 $0x4000, s31;
	s1 =	sadd.s32 s1, s30  }
0xc9: {  	s0 =	sor.u32 s4, s0;
	s1 =	sshll.u32 s1, $0x11  }
0xca: {  	s0 =	sor.u32 s1, s0  }
0xcb: {  	s0 =	sadd.s32 $0x8F2B, s0  }
0xcc: {  	[sflag:s0] =	ssyncadd.remote.s32 $0x1  }
0xcd: {  	_ =	sfence.sel $0xFFFF  }
0xce: {  	[dreg:$0x0] =	wrdreg $0xFFFFFFFF;
	(pc) =	sbr.abs _section_cstart, $3  }
0xcf: {  	[dreg:$0x1] =	wrdreg $0xFFFFFFFF  }
0xd0: {  	_ =	task.clear_ibuf [dreg:s22], $0x2FFFF;
	_ =	strace $0x9FFFFFFF  }
0xd1: {  	(tm) =	ssettm $0x7FFFFFFF  }
tec
execute0_lowered:
.L_overlay_start_1:
0x0: {  	(tag) =	ssettag $0x1  }
0x1: {  	s0 =	stileid.u32  }
0x2: {  	s5 =	smul.u32 $0x2710, s0  }
0x3: {  	s1 =	srdreg.scid;
	s7 =	smul.u32 $0x27100, s0  }
0x4: {  	s18 =	sand.u32 $0x1, s1;
	s23 =	smul.u32 $0xA000, s0  }
0x5: {  	s6 =	smul.u32 $0x1388, s18  }
0x6: {  	s10 =	sor.u32 $0x10, s0;
	s21 =	smul.u32 $0x140000, s18  }
0x7: {  	s4 =	rddreg [dreg:$0x0];
	s13 =	sor.u32 $0x20, s0;
	s26 =	smul.u32 $0xA000, s10  }
0x8: {  	s2 =	rddreg [dreg:$0x1];
	s14 =	sor.u32 $0x30, s0;
	s30 =	smul.u32 $0xA000, s13  }
0x9: {  	s3 =	simm.s32 $0x0;
	s15 =	sor.u32 $0x40, s0;
	s8 =	smul.u32 $0xA000, s14  }
0xa: {  	s28 =	simm.s32 $0x0;
	s16 =	sor.u32 $0x50, s0;
	s9 =	smul.u32 $0xA000, s15  }
0xb: {  	[smem:$0x7FF] =	sst s3;
	s20 =	sadd.s32 $0x13200, s4;
	s11 =	smul.u32 $0xA000, s16  }
0xc: {  	_ =	strace $0x8000004D;
	s17 =	ssub.s32 $0x2, s18;
	s1 =	smul.u32 $0x2800, s13  }
0xd: {  	s19 =	sadd.s32 s7, s4;
	s24 =	sshrl.u32 s17, $0x1;
	s25 =	sshrl.u32 s23, $0x2  }
0xe: {  	s23 =	sor.u32 $0x70, s0;
	s5 =	sadd.s32 s6, s5;
	s6 =	ssub.s32 s17, s24  }
0xf: {  	s29 =	sshrl.u32 s26, $0x2;
	s7 =	sshrl.u32 s30, $0x2;
	s24 =	smul.u32 $0xA000, s23  }
0x10: {  	s17 =	sor.u32 $0x60, s0;
	s8 =	sshrl.u32 s8, $0x2;
	s26 =	smul.u32 $0x2800, s10  }
0x11: {  	s9 =	sshrl.u32 s9, $0x2;
	s30 =	sadd.s32 s21, s1;
	s1 =	smul.u32 $0x2800, s16  }
0x12: {  	s11 =	sshrl.u32 s11, $0x2;
	s23 =	smul.u32 $0x2800, s23;
	s5 =	sshrl.u32 s5, $0x3  }
0x13: {  	s7 =	sadd.s32 s7, s2;
	s12 =	smul.u32 $0xA000, s17;
	s8 =	sadd.s32 s8, s2  }
0x14: {  	s9 =	sadd.s32 s9, s2;
	s10 =	sadd.s32 s11, s2;
	s22 =	sadd.s32 s5, s4  }
0x15: {  	s4 =	sadd.s32 s25, s2;
	s5 =	smax.u32 s6, $0x1;
	s6 =	sadd.s32 s29, s2  }
0x16: {  	s25 =	smul.u32 $0x2800, s0;
	s24 =	sshrl.u32 s24, $0x2;
	s0 =	sadd.s32 s21, s26  }
0x17: {  	s29 =	smul.u32 $0x2800, s14;
	s26 =	simm.s32 $0x2;
	s12 =	sshrl.u32 s12, $0x2  }
0x18: {  	s22 =	sadd.s32 $0x9200, s22;
	s11 =	sadd.s32 s12, s2;
	s31 =	sor.u32 s21, s25  }
0x19: {  	s12 =	sadd.s32 s24, s2;
	s25 =	sshrl.u32 s0, $0x3;
	s24 =	sshrl.u32 s31, $0x3  }
0x1a: {  	s14 =	sadd.s32 s20, s25;
	s25 =	sadd.s32 s21, s29;
	s31 =	smul.u32 $0x2800, s15  }
0x1b: {  	s13 =	sadd.s32 s20, s24;
	s24 =	sshrl.u32 s30, $0x3;
	s0 =	sshrl.u32 s25, $0x3  }
0x1c: {  	s30 =	smul.u32 $0x2800, s17;
	s25 =	simm.s32 $0xC8;
	s15 =	sadd.s32 s20, s24  }
0x1d: {  	s16 =	sadd.s32 s20, s0;
	s29 =	sadd.s32 s21, s31;
	s0 =	sadd.s32 s21, s1  }
0x1e: {  	s1 =	smul.u32 $0x13880, s18;
	s31 =	sshrl.u32 s29, $0x3;
	s24 =	sshrl.u32 s0, $0x3  }
0x1f: {  	s29 =	sadd.s32 s21, s30;
	s21 =	sadd.s32 s21, s23;
	s23 =	simm.s32 $0x1  }
0x20: {  	s17 =	sadd.s32 s20, s31;
	s18 =	sadd.s32 s20, s24;
	s30 =	sshrl.u32 s29, $0x3  }
0x21: {  	s21 =	sshrl.u32 s21, $0x3;
	s31 =	sadd.s32 s1, s19;
	s24 =	simm.s32 $0x6400  }
0x22: {  	v0 =	vimm.f32 $0.0e+00;
	s19 =	sadd.s32 s20, s30;
	s20 =	sadd.s32 s20, s21;
	s21 =	sadd.s32 $0x9D7200, s31  }
.LBB2_1:
0x23: {  	s29 =	sand.u32 $0xFE00, s3  }
0x24: {  	s30 =	sand.u32 $0x70, s3;
	s31 =	sshrl.u32 s29, $0x2  }
0x25: {  	s29 =	simm.s32 $0x40;
	s31 =	sor.u32 s30, s31;
	s30 =	simm.s32 $0x0  }
.LBB2_2:
0x26: {  	p0 =	sne.s32 s29, $0x9FC0  }
0x27: {  	[tilespmem:s31+$0x0] =	vst v0;
	s30 =	sadd.s32 $0x10, s30;
	s31 =	smov.u32 s29;
	s29 =	sadd.s32 $0x40, s29  }
.Ltmp0:
0x28: {  	(pc) =	sbr.rel @p0 .LBB2_2-.Ltmp0, $4  }
0x29: {  	_ = 	snop  }
0x2a: {  	s31 =	sand.u32 $0xFE00, s31  }
0x2b: {  	s1 =	sand.u32 $0x70, s30;
	s31 =	sshrl.u32 s31, $0x2  }
0x2c: {  	s31 =	sor.u32 s1, s31  }
0x2d: {  	[tilespmem:s31+$0x0] =	vst v0;
	s1 =	simm.s32 $0x0  }
0x2e: {  	[spmem:s4] =	stream.linear.scatter [tilespmem:s1], [sflag:$0x1], $0x2800, $0x38;
	[tilespmem:$0x1A500] =	vst v63  }
0x2f: {  	_ =	swait.ge [sflag:s23], $0x2800  }
0x30: {  	[sflag:s23] =	ssyncset.done $0x0  }
0x31: {  	[sflag:s23] =	ssyncadd.s32 $0xFFFFD800  }
0x32: {  	[spmem:s6] =	stream.linear.scatter [tilespmem:s1], [sflag:$0x1], $0x2800, $0x38;
	[tilespmem:$0x1A500] =	vst v63  }
0x33: {  	_ =	swait.ge [sflag:s23], $0x2800  }
0x34: {  	[sflag:s23] =	ssyncset.done $0x0  }
0x35: {  	[sflag:s23] =	ssyncadd.s32 $0xFFFFD800  }
0x36: {  	[spmem:s7] =	stream.linear.scatter [tilespmem:s1], [sflag:$0x1], $0x2800, $0x38;
	[tilespmem:$0x1A500] =	vst v63  }
0x37: {  	_ =	swait.ge [sflag:s23], $0x2800  }
0x38: {  	[sflag:s23] =	ssyncset.done $0x0  }
0x39: {  	[sflag:s23] =	ssyncadd.s32 $0xFFFFD800  }
0x3a: {  	[spmem:s8] =	stream.linear.scatter [tilespmem:s1], [sflag:$0x1], $0x2800, $0x38;
	[tilespmem:$0x1A500] =	vst v63  }
0x3b: {  	_ =	swait.ge [sflag:s23], $0x2800  }
0x3c: {  	[sflag:s23] =	ssyncset.done $0x0  }
0x3d: {  	[sflag:s23] =	ssyncadd.s32 $0xFFFFD800  }
0x3e: {  	[spmem:s9] =	stream.linear.scatter [tilespmem:s1], [sflag:$0x1], $0x2800, $0x38;
	[tilespmem:$0x1A500] =	vst v63  }
0x3f: {  	_ =	swait.ge [sflag:s23], $0x2800  }
0x40: {  	[sflag:s23] =	ssyncset.done $0x0  }
0x41: {  	[sflag:s23] =	ssyncadd.s32 $0xFFFFD800  }
0x42: {  	[spmem:s10] =	stream.linear.scatter [tilespmem:s1], [sflag:$0x1], $0x2800, $0x38;
	[tilespmem:$0x1A500] =	vst v63  }
0x43: {  	_ =	swait.ge [sflag:s23], $0x2800  }
0x44: {  	[sflag:s23] =	ssyncset.done $0x0  }
0x45: {  	[sflag:s23] =	ssyncadd.s32 $0xFFFFD800  }
0x46: {  	[spmem:s11] =	stream.linear.scatter [tilespmem:s1], [sflag:$0x1], $0x2800, $0x38;
	[tilespmem:$0x1A500] =	vst v63  }
0x47: {  	_ =	swait.ge [sflag:s23], $0x2800  }
0x48: {  	[sflag:s23] =	ssyncset.done $0x0  }
0x49: {  	[sflag:s23] =	ssyncadd.s32 $0xFFFFD800  }
0x4a: {  	[spmem:s12] =	stream.linear.scatter [tilespmem:s1], [sflag:$0x1], $0x2800, $0x38;
	[tilespmem:$0x1A500] =	vst v63  }
0x4b: {  	_ =	swait.ge [sflag:s23], $0x2800  }
0x4c: {  	[sflag:s23] =	ssyncset.done $0x0  }
0x4d: {  	[sflag:s23] =	ssyncadd.s32 $0xFFFFD800  }
0x4e: {  	s0 =	sadd.s32 $0x0, s22;
	[bflag:$0x0] =	sbarrier.arrive $0xFFFF  }
0x4f: {  	[tilespmem:s24], [sflag:$0x1] =	stream.linear.gather [hbm4b:s0+s3], $0xC8, $0x38;
	[tilespmem:$0x1A500] =	vst v63  }
0x50: {  	_ =	swait.ge [sflag:s23], $0xC8  }
0x51: {  	[sflag:s23] =	ssyncset.done $0x0  }
0x52: {  	[sflag:s23] =	ssyncadd.s32 $0xFFFFFF38  }
0x53: {  	[tilespmem:s3], [sflag:$0x1] =	stream.linear.gather [hbm4b:s21+s3], $0x6400, $0x38;
	[tilespmem:$0x1A500] =	vst v63  }
0x54: {  	_ =	swait.ge [sflag:s23], $0x6400  }
0x55: {  	[sflag:s23] =	ssyncset.done $0x0  }
0x56: {  	[sflag:s23] =	ssyncadd.s32 $0xFFFF9C00  }
0x57: {  	[spmem:s2] =	stream.indirect.scatter.add.f32 [tilespmem:s3], [sflag:$0x1], $0x80, s24, s25, $0xb8;
	[tilespmem:$0x1A500] =	vst v63  }
0x58: {  	s30 =	simm.s32 $0x19;
	_ =	swait.ge [sflag:s23], $0x6400  }
0x59: {  	s31 =	simm.s32 $0x32;
	s29 =	sadd.s32 $0xC80, s21;
	[sflag:s23] =	ssyncset.done $0x0  }
.LBB2_4:
0x5a: {  	s1 =	sadd.s32 s30, s22  }
0x5b: {  	[sflag:s23] =	ssyncadd.s32 $0xFFFF9C00;
	s30 =	smov.u32 s31;
	s0 =	sadd.s32 $0x19, s31  }
0x5c: {  	[tilespmem:s24], [sflag:$0x1] =	stream.linear.gather [hbm4b:s1+s3], $0xC8, $0x38;
	[tilespmem:$0x1A500] =	vst v63  }
0x5d: {  	p0 =	sne.s32 s31, $0x258;
	_ =	swait.ge [sflag:s23], $0xC8  }
0x5e: {  	[sflag:s23] =	ssyncset.done $0x0  }
0x5f: {  	[sflag:s23] =	ssyncadd.s32 $0xFFFFFF38  }
0x60: {  	[tilespmem:s3], [sflag:$0x1] =	stream.linear.gather [hbm4b:s29+s3], $0x6400, $0x38;
	[tilespmem:$0x1A500] =	vst v63  }
0x61: {  	_ =	swait.ge [sflag:s23], $0x6400  }
.Ltmp1:
0x62: {  	[sflag:s23] =	ssyncset.done $0x0;
	(pc) =	sbr.rel @p0 .LBB2_4-.Ltmp1, $4  }
0x63: {  	[sflag:s23] =	ssyncadd.s32 $0xFFFF9C00  }
0x64: {  	[spmem:s2] =	stream.indirect.scatter.add.f32 [tilespmem:s3], [sflag:$0x1], $0x80, s24, s25, $0xb8;
	[tilespmem:$0x1A500] =	vst v63  }
0x65: {  	_ =	swait.ge [sflag:s23], $0x6400  }
0x66: {  	s31 =	smov.u32 s0;
	s29 =	sadd.s32 $0xC80, s29;
	[sflag:s23] =	ssyncset.done $0x0  }
0x67: {  	s0 =	sadd.s32 s30, s22;
	[sflag:s23] =	ssyncadd.s32 $0xFFFF9C00  }
0x68: {  	[tilespmem:s24], [sflag:$0x1] =	stream.linear.gather [hbm4b:s0+s3], $0xC8, $0x38;
	[tilespmem:$0x1A500] =	vst v63  }
0x69: {  	_ =	swait.ge [sflag:s23], $0xC8  }
0x6a: {  	[sflag:s23] =	ssyncset.done $0x0  }
0x6b: {  	[sflag:s23] =	ssyncadd.s32 $0xFFFFFF38  }
0x6c: {  	[tilespmem:s3], [sflag:$0x1] =	stream.linear.gather [hbm4b:s29+s3], $0x6400, $0x38;
	[tilespmem:$0x1A500] =	vst v63  }
0x6d: {  	_ =	swait.ge [sflag:s23], $0x6400  }
0x6e: {  	[sflag:s23] =	ssyncset.done $0x0  }
0x6f: {  	[sflag:s23] =	ssyncadd.s32 $0xFFFF9C00  }
0x70: {  	[spmem:s2] =	stream.indirect.scatter.add.f32 [tilespmem:s3], [sflag:$0x1], $0x80, s24, s25, $0xb8;
	[tilespmem:$0x1A500] =	vst v63  }
0x71: {  	_ =	swait.ge [sflag:s23], $0x6400  }
0x72: {  	[sflag:s23] =	ssyncset.done $0x0  }
0x73: {  	[sflag:s23] =	ssyncadd.s32 $0xFFFF9C00  }
0x74: {  	[bflag:$0x0] =	sbarrier.arrive $0xFFFF  }
0x75: {  	[tilespmem:s3], [sflag:$0x2] =	stream.linear.gather [spmem:s4], $0x2800, $0x38;
	[tilespmem:$0x1A500] =	vst v63  }
0x76: {  	_ =	swait.ge [sflag:s26], $0x2800  }
0x77: {  	[sflag:s26] =	ssyncset.done $0x0  }
0x78: {  	[sflag:s26] =	ssyncadd.s32 $0xFFFFD800  }
0x79: {  	[hbm4b:s13+s3] =	stream.linear.scatter [tilespmem:s3], [sflag:$0x1], $0x2800, $0x38;
	[tilespmem:$0x1A500] =	vst v63  }
0x7a: {  	_ =	swait.ge [sflag:s23], $0x2800  }
0x7b: {  	[sflag:s23] =	ssyncset.done $0x0  }
0x7c: {  	[sflag:s23] =	ssyncadd.s32 $0xFFFFD800  }
0x7d: {  	[tilespmem:s3], [sflag:$0x2] =	stream.linear.gather [spmem:s6], $0x2800, $0x38;
	[tilespmem:$0x1A500] =	vst v63  }
0x7e: {  	_ =	swait.ge [sflag:s26], $0x2800  }
0x7f: {  	[sflag:s26] =	ssyncset.done $0x0  }
0x80: {  	[sflag:s26] =	ssyncadd.s32 $0xFFFFD800  }
0x81: {  	[hbm4b:s14+s3] =	stream.linear.scatter [tilespmem:s3], [sflag:$0x1], $0x2800, $0x38;
	[tilespmem:$0x1A500] =	vst v63  }
0x82: {  	_ =	swait.ge [sflag:s23], $0x2800  }
0x83: {  	[sflag:s23] =	ssyncset.done $0x0  }
0x84: {  	[sflag:s23] =	ssyncadd.s32 $0xFFFFD800  }
0x85: {  	[tilespmem:s3], [sflag:$0x2] =	stream.linear.gather [spmem:s7], $0x2800, $0x38;
	[tilespmem:$0x1A500] =	vst v63  }
0x86: {  	_ =	swait.ge [sflag:s26], $0x2800  }
0x87: {  	[sflag:s26] =	ssyncset.done $0x0  }
0x88: {  	[sflag:s26] =	ssyncadd.s32 $0xFFFFD800  }
0x89: {  	[hbm4b:s15+s3] =	stream.linear.scatter [tilespmem:s3], [sflag:$0x1], $0x2800, $0x38;
	[tilespmem:$0x1A500] =	vst v63  }
0x8a: {  	_ =	swait.ge [sflag:s23], $0x2800  }
0x8b: {  	[sflag:s23] =	ssyncset.done $0x0  }
0x8c: {  	[sflag:s23] =	ssyncadd.s32 $0xFFFFD800  }
0x8d: {  	[tilespmem:s3], [sflag:$0x2] =	stream.linear.gather [spmem:s8], $0x2800, $0x38;
	[tilespmem:$0x1A500] =	vst v63  }
0x8e: {  	_ =	swait.ge [sflag:s26], $0x2800  }
0x8f: {  	[sflag:s26] =	ssyncset.done $0x0  }
0x90: {  	[sflag:s26] =	ssyncadd.s32 $0xFFFFD800  }
0x91: {  	[hbm4b:s16+s3] =	stream.linear.scatter [tilespmem:s3], [sflag:$0x1], $0x2800, $0x38;
	[tilespmem:$0x1A500] =	vst v63  }
0x92: {  	_ =	swait.ge [sflag:s23], $0x2800  }
0x93: {  	[sflag:s23] =	ssyncset.done $0x0  }
0x94: {  	[sflag:s23] =	ssyncadd.s32 $0xFFFFD800  }
0x95: {  	[tilespmem:s3], [sflag:$0x2] =	stream.linear.gather [spmem:s9], $0x2800, $0x38;
	[tilespmem:$0x1A500] =	vst v63  }
0x96: {  	_ =	swait.ge [sflag:s26], $0x2800  }
0x97: {  	[sflag:s26] =	ssyncset.done $0x0  }
0x98: {  	[sflag:s26] =	ssyncadd.s32 $0xFFFFD800  }
0x99: {  	[hbm4b:s17+s3] =	stream.linear.scatter [tilespmem:s3], [sflag:$0x1], $0x2800, $0x38;
	[tilespmem:$0x1A500] =	vst v63  }
0x9a: {  	_ =	swait.ge [sflag:s23], $0x2800  }
0x9b: {  	[sflag:s23] =	ssyncset.done $0x0  }
0x9c: {  	[sflag:s23] =	ssyncadd.s32 $0xFFFFD800  }
0x9d: {  	[tilespmem:s3], [sflag:$0x2] =	stream.linear.gather [spmem:s10], $0x2800, $0x38;
	[tilespmem:$0x1A500] =	vst v63  }
0x9e: {  	_ =	swait.ge [sflag:s26], $0x2800  }
0x9f: {  	[sflag:s26] =	ssyncset.done $0x0  }
0xa0: {  	[sflag:s26] =	ssyncadd.s32 $0xFFFFD800  }
0xa1: {  	[hbm4b:s18+s3] =	stream.linear.scatter [tilespmem:s3], [sflag:$0x1], $0x2800, $0x38;
	[tilespmem:$0x1A500] =	vst v63  }
0xa2: {  	_ =	swait.ge [sflag:s23], $0x2800  }
0xa3: {  	[sflag:s23] =	ssyncset.done $0x0  }
0xa4: {  	[sflag:s23] =	ssyncadd.s32 $0xFFFFD800  }
0xa5: {  	[tilespmem:s3], [sflag:$0x2] =	stream.linear.gather [spmem:s11], $0x2800, $0x38;
	[tilespmem:$0x1A500] =	vst v63  }
0xa6: {  	_ =	swait.ge [sflag:s26], $0x2800  }
0xa7: {  	[sflag:s26] =	ssyncset.done $0x0  }
0xa8: {  	[sflag:s26] =	ssyncadd.s32 $0xFFFFD800  }
0xa9: {  	[hbm4b:s19+s3] =	stream.linear.scatter [tilespmem:s3], [sflag:$0x1], $0x2800, $0x38;
	[tilespmem:$0x1A500] =	vst v63  }
0xaa: {  	_ =	swait.ge [sflag:s23], $0x2800  }
0xab: {  	[sflag:s23] =	ssyncset.done $0x0  }
0xac: {  	[sflag:s23] =	ssyncadd.s32 $0xFFFFD800  }
0xad: {  	[tilespmem:s3], [sflag:$0x2] =	stream.linear.gather [spmem:s12], $0x2800, $0x38;
	[tilespmem:$0x1A500] =	vst v63  }
0xae: {  	s28 =	sadd.s32 $0x1, s28;
	_ =	swait.ge [sflag:s26], $0x2800  }
0xaf: {  	p0 =	sne.s32 s28, s5;
	[sflag:s26] =	ssyncset.done $0x0  }
.Ltmp2:
0xb0: {  	[sflag:s26] =	ssyncadd.s32 $0xFFFFD800;
	(pc) =	sbr.rel @p0 .LBB2_1-.Ltmp2, $4  }
0xb1: {  	[hbm4b:s20+s3] =	stream.linear.scatter [tilespmem:s3], [sflag:$0x1], $0x2800, $0x38;
	[tilespmem:$0x1A500] =	vst v63  }
0xb2: {  	_ =	swait.ge [sflag:s23], $0x2800  }
0xb3: {  	[sflag:s23] =	ssyncset.done $0x0  }
0xb4: {  	[sflag:s23] =	ssyncadd.s32 $0xFFFFD800  }
0xb5: {  	_ =	sfence.sel $0x180000  }
0xb6: {  	[bflag:$0x0] =	sbarrier.arrive $0xFFFF  }
0xb7: {  	_ =	strace $0x9000004D  }
0xb8: {  	s0 =	stileid.u32;
	[bflag:$0x2] =	sbarrier.arrive $0xFFFF  }
0xb9: {  	p0 =	sne.s32 s0, $0x0;
	s0 =	rddreg [dreg:$0x2]  }
0xba: {  	s0 =	sadd.s32 @!p0 $0x100000, s0  }
0xbb: {  	[sflag:s0] =	ssyncadd.tile.s32 @!p0 $0x1;
	_ =	shalt  }
.Lfunc_end2:
_tile_overlayer_lowered:
.L_overlay_start_2:
0xbc: {  	(tag) =	ssettag $0x2  }
0xbd: {  	s0 =	rddreg [dreg:$0x0];
	s2 =	stileid.u32  }
0xbe: {  	s1 =	rddreg [dreg:$0x1];
	p0 =	sne.s32 s2, $0x0  }
0xbf: {  	s3 =	rddreg [dreg:$0x2];
	[bflag:$0x3] =	sbarrier.arrive $0xFFFF;
	s2 =	simm.s32 @!p0 $0x1C01  }
0xc0: {  	[timem:s3], [sflag:s2] =	dma.local @!p0 [hbm:s0], s1  }
0xc1: {  	s0 =	simm.s32 @!p0 $0x1  }
0xc2: {  	_ =	swait.ge @!p0 [sflag:s0], s1  }
0xc3: {  	s1 =	ssub.s32 @!p0 $0x0, s1;
	[sflag:s0] =	ssyncset.done @!p0 $0x0  }
0xc4: {  	[sflag:s0] =	ssyncadd.s32 @!p0 s1  }
0xc5: {  	[bflag:$0x3] =	sbarrier.arrive $0xFFFF  }
0xc6: {  	_ =	shalt  }

</sc_bundles>
